<compile_context>
chip_gen: v7x
topology: tpu7x:2x2x1
jax: 0.10.2.dev20260603
libtpu: 0.0.44.dev20260713+nightly
codegen_flags: <defaults>
</compile_context>

<pallas_src>
import functools

import jax
import jax.numpy as jnp
from jax import lax
from jax.experimental import pallas as pl
from jax.experimental.pallas import tpu as pltpu
from jax.experimental.pallas import tpu_sc as plsc

D = 1024
B = 4
S = 2048
NW = 32
SROWS = S // NW
CH = 16
NCH_PER_B = SROWS // CH
CHW = CH * D
SW = SROWS * D


def _sc_body(x_hbm, pe_hbm, out_hbm, xbuf, pebuf, xsem, pesem, osem):
    wid = lax.axis_index("s") * 2 + lax.axis_index("c")
    pe_off = pl.multiple_of(wid * SW, CHW)

    pltpu.make_async_copy(pe_hbm.at[pl.ds(pe_off, SW)], pebuf, pesem).start()

    def x_off(b, i):
        return pl.multiple_of(b * (S * D) + pe_off + i * CHW, CHW)

    def start_in(b, i, slot):
        pltpu.make_async_copy(
            x_hbm.at[pl.ds(x_off(b, i), CHW)], xbuf.at[slot], xsem.at[slot]
        ).start()

    def wait_in(b, i, slot):
        pltpu.make_async_copy(
            x_hbm.at[pl.ds(x_off(b, i), CHW)], xbuf.at[slot], xsem.at[slot]
        ).wait()

    def start_out(b, i, slot):
        pltpu.make_async_copy(
            xbuf.at[slot], out_hbm.at[pl.ds(x_off(b, i), CHW)], osem.at[slot]
        ).start()

    def wait_out(b, i, slot):
        pltpu.make_async_copy(
            xbuf.at[slot], out_hbm.at[pl.ds(x_off(b, i), CHW)], osem.at[slot]
        ).wait()

    chunks = [(b, i) for b in range(B) for i in range(NCH_PER_B)]
    n = len(chunks)

    start_in(*chunks[0], 0)
    pltpu.make_async_copy(pe_hbm.at[pl.ds(pe_off, SW)], pebuf, pesem).wait()
    for k in range(n):
        b, i = chunks[k]
        slot = k % 2
        if k + 1 < n:
            if k >= 1:
                wait_out(*chunks[k - 1], 1 - slot)
            start_in(*chunks[k + 1], 1 - slot)
        wait_in(b, i, slot)

        pbase = i * CHW

        @plsc.parallel_loop(0, CHW // 16, 1, unroll=8)
        def _add16(j):
            o = j * 16
            plsc.addupdate(xbuf.at[slot, pl.ds(o, 16)], pebuf[pl.ds(pbase + o, 16)])

        start_out(b, i, slot)
    wait_out(*chunks[n - 2], n % 2)
    wait_out(*chunks[n - 1], (n - 1) % 2)


def kernel(x, pe):
    b, s, d = x.shape
    xf = x.reshape(b * s * d)
    pef = pe[:s].reshape(s * d)
    mesh = plsc.VectorSubcoreMesh(core_axis_name="c", subcore_axis_name="s")
    run = functools.partial(
        pl.kernel,
        mesh=mesh,
        out_type=jax.ShapeDtypeStruct((b * s * d,), x.dtype),
        scratch_types=[
            pltpu.VMEM((2, CHW), jnp.float32),
            pltpu.VMEM((SW,), jnp.float32),
            pltpu.SemaphoreType.DMA((2,)),
            pltpu.SemaphoreType.DMA,
            pltpu.SemaphoreType.DMA((2,)),
        ],
    )(_sc_body)
    out = run(xf, pef)
    return out.reshape(b, s, d)

# --- scband reference (transcript-rebuilt; emitter-appended) ---
"""Pipeline reference for scband-learned-pe-13563506721392 (READ-ONLY COPY).

The authoritative reference and input builder live on the scoring server;
editing this copy changes nothing except your own understanding.
"""

import jax, jax.numpy as jnp
import numpy as np

D_MODEL = 1024
MAX_LEN = 2048

def setup_inputs(seed: int = 0) -> dict:
    key = jax.random.key(seed)
    k1, k2 = jax.random.split(key)
    x = jax.random.normal(k1, (4, 2048, D_MODEL), dtype=jnp.float32)
    # nn.Embedding default init: N(0, 1)
    pe = jax.random.normal(k2, (MAX_LEN, D_MODEL), dtype=jnp.float32)
    return {"x": x, "pe": pe}

def reference(x, pe):
    positions = jnp.arange(x.shape[1])
    pos_emb = jnp.take(pe, positions, axis=0)  # [S, d_model]
    return x + pos_emb[None, :, :]

if __name__ == "__main__":
    import jax
    _d = setup_inputs()
    print(jax.jit(kernel)(*tuple(_d.values())))

</pallas_src>

<mosaic_0001>
#map = affine_map<(d0, d1) -> (0)>
module attributes {stable_mosaic.version = 14 : i64} {
  func.func @_sc_body(%arg0: i32, %arg1: i32, %arg2: memref<8388608xf32, #tpu.memory_space<hbm>>, %arg3: memref<2097152xf32, #tpu.memory_space<hbm>>, %arg4: memref<8388608xf32, #tpu.memory_space<hbm>>, %arg5: memref<2x16384xf32, #tpu.memory_space<vmem>>, %arg6: memref<65536xf32, #tpu.memory_space<vmem>>, %arg7: memref<2x!tpu.dma_semaphore, #tpu.memory_space<semaphore_mem>>, %arg8: memref<!tpu.dma_semaphore, #tpu.memory_space<semaphore_mem>>, %arg9: memref<2x!tpu.dma_semaphore, #tpu.memory_space<semaphore_mem>>) attributes {dimension_semantics = [#tpu.dimension_semantics<core_parallel>, #tpu.dimension_semantics<subcore_parallel>], iteration_bounds = array<i64: 2, 16>, scalar_prefetch = 0 : i64, scratch_operands = 5 : i64, tpu.core_type = #tpu.core_type<sc_vector_subcore>, window_params = [{transform_indices = #map}, {transform_indices = #map}, {transform_indices = #map}]} {
    %mul3A = arith.constant 2 : i32
    %mul3A_0 = arith.muli %arg1, %mul3A : i32
    %add3A = arith.addi %mul3A_0, %arg0 : i32
    %mul3A_1 = arith.constant 65536 : i32
    %mul3A_2 = arith.muli %add3A, %mul3A_1 : i32
    %multiple_of3A = tpu.assume_multiple %mul3A_2, 16384 : i32
    %dma_start3A = tpu.memref_slice %arg3[%multiple_of3A] : memref<2097152xf32, #tpu.memory_space<hbm>> -> memref<65536xf32, #tpu.memory_space<hbm>>
    %dma_start3A_3 = tpu.memref_slice %arg3[%multiple_of3A] : memref<2097152xf32, #tpu.memory_space<hbm>> -> memref<65536xf32, #tpu.memory_space<hbm>>
    tpu.enqueue_dma source(%dma_start3A_3 : memref<65536xf32, #tpu.memory_space<hbm>>) target(%arg6 : memref<65536xf32, #tpu.memory_space<vmem>>) target_semaphore(%arg8 : memref<!tpu.dma_semaphore, #tpu.memory_space<semaphore_mem>>)
    %add3A_4 = arith.constant 0 : i32
    %add3A_5 = arith.addi %add3A_4, %multiple_of3A : i32
    %add3A_6 = arith.constant 0 : i32
    %add3A_7 = arith.addi %add3A_5, %add3A_6 : i32
    %multiple_of3A_8 = tpu.assume_multiple %add3A_7, 16384 : i32
    %dma_start3A_9 = arith.constant 0 : i32
    %dma_start3A_10 = arith.constant 0 : i32
    %dma_start3A_11 = arith.constant 0 : i32
    %dma_start3A_12 = tpu.memref_slice %arg5[%dma_start3A_9, %dma_start3A_11] : memref<2x16384xf32, #tpu.memory_space<vmem>> -> memref<1x16384xf32, #tpu.memory_space<vmem>>
    %dma_start3A_13 = tpu.memref_squeeze %dma_start3A_12 : memref<1x16384xf32, #tpu.memory_space<vmem>> -> memref<16384xf32, #tpu.memory_space<vmem>>
    %dma_start3A_14 = tpu.memref_slice %arg2[%multiple_of3A_8] : memref<8388608xf32, #tpu.memory_space<hbm>> -> memref<16384xf32, #tpu.memory_space<hbm>>
    %dma_start3A_15 = tpu.memref_slice %arg7[%dma_start3A_10] : memref<2x!tpu.dma_semaphore, #tpu.memory_space<semaphore_mem>> -> memref<1x!tpu.dma_semaphore, #tpu.memory_space<semaphore_mem>>
    %dma_start3A_16 = tpu.memref_squeeze %dma_start3A_15 : memref<1x!tpu.dma_semaphore, #tpu.memory_space<semaphore_mem>> -> memref<!tpu.dma_semaphore, #tpu.memory_space<semaphore_mem>>
    %dma_start3A_17 = arith.constant 0 : i32
    %dma_start3A_18 = tpu.memref_slice %arg5[%dma_start3A_9, %dma_start3A_17] : memref<2x16384xf32, #tpu.memory_space<vmem>> -> memref<1x16384xf32, #tpu.memory_space<vmem>>
    %dma_start3A_19 = tpu.memref_squeeze %dma_start3A_18 : memref<1x16384xf32, #tpu.memory_space<vmem>> -> memref<16384xf32, #tpu.memory_space<vmem>>
    %dma_start3A_20 = tpu.memref_slice %arg2[%multiple_of3A_8] : memref<8388608xf32, #tpu.memory_space<hbm>> -> memref<16384xf32, #tpu.memory_space<hbm>>
    tpu.enqueue_dma source(%dma_start3A_20 : memref<16384xf32, #tpu.memory_space<hbm>>) target(%dma_start3A_19 : memref<16384xf32, #tpu.memory_space<vmem>>) target_semaphore(%dma_start3A_16 : memref<!tpu.dma_semaphore, #tpu.memory_space<semaphore_mem>>)
    %dma_wait3A = tpu.memref_slice %arg3[%multiple_of3A] : memref<2097152xf32, #tpu.memory_space<hbm>> -> memref<65536xf32, #tpu.memory_space<hbm>>
    %dma_wait3A_21 = tpu.memref_slice %arg3[%multiple_of3A] : memref<2097152xf32, #tpu.memory_space<hbm>> -> memref<65536xf32, #tpu.memory_space<hbm>>
    tpu.wait_dma2 semaphore(%arg8 : memref<!tpu.dma_semaphore, #tpu.memory_space<semaphore_mem>>) src(%dma_wait3A_21 : memref<65536xf32, #tpu.memory_space<hbm>>) dst(%arg6 : memref<65536xf32, #tpu.memory_space<vmem>>)
    %add3A_22 = arith.constant 0 : i32
    %add3A_23 = arith.addi %add3A_22, %multiple_of3A : i32
    %add3A_24 = arith.constant 16384 : i32
    %add3A_25 = arith.addi %add3A_23, %add3A_24 : i32
    %multiple_of3A_26 = tpu.assume_multiple %add3A_25, 16384 : i32
    %dma_start3A_27 = arith.constant 1 : i32
    %dma_start3A_28 = arith.constant 1 : i32
    %dma_start3A_29 = arith.constant 0 : i32
    %dma_start3A_30 = tpu.memref_slice %arg5[%dma_start3A_27, %dma_start3A_29] : memref<2x16384xf32, #tpu.memory_space<vmem>> -> memref<1x16384xf32, #tpu.memory_space<vmem>>
    %dma_start3A_31 = tpu.memref_squeeze %dma_start3A_30 : memref<1x16384xf32, #tpu.memory_space<vmem>> -> memref<16384xf32, #tpu.memory_space<vmem>>
    %dma_start3A_32 = tpu.memref_slice %arg2[%multiple_of3A_26] : memref<8388608xf32, #tpu.memory_space<hbm>> -> memref<16384xf32, #tpu.memory_space<hbm>>
    %dma_start3A_33 = tpu.memref_slice %arg7[%dma_start3A_28] : memref<2x!tpu.dma_semaphore, #tpu.memory_space<semaphore_mem>> -> memref<1x!tpu.dma_semaphore, #tpu.memory_space<semaphore_mem>>
    %dma_start3A_34 = tpu.memref_squeeze %dma_start3A_33 : memref<1x!tpu.dma_semaphore, #tpu.memory_space<semaphore_mem>> -> memref<!tpu.dma_semaphore, #tpu.memory_space<semaphore_mem>>
    %dma_start3A_35 = arith.constant 0 : i32
    %dma_start3A_36 = tpu.memref_slice %arg5[%dma_start3A_27, %dma_start3A_35] : memref<2x16384xf32, #tpu.memory_space<vmem>> -> memref<1x16384xf32, #tpu.memory_space<vmem>>
    %dma_start3A_37 = tpu.memref_squeeze %dma_start3A_36 : memref<1x16384xf32, #tpu.memory_space<vmem>> -> memref<16384xf32, #tpu.memory_space<vmem>>
    %dma_start3A_38 = tpu.memref_slice %arg2[%multiple_of3A_26] : memref<8388608xf32, #tpu.memory_space<hbm>> -> memref<16384xf32, #tpu.memory_space<hbm>>
    tpu.enqueue_dma source(%dma_start3A_38 : memref<16384xf32, #tpu.memory_space<hbm>>) target(%dma_start3A_37 : memref<16384xf32, #tpu.memory_space<vmem>>) target_semaphore(%dma_start3A_34 : memref<!tpu.dma_semaphore, #tpu.memory_space<semaphore_mem>>)
    %add3A_39 = arith.constant 0 : i32
    %add3A_40 = arith.addi %add3A_39, %multiple_of3A : i32
    %add3A_41 = arith.constant 0 : i32
    %add3A_42 = arith.addi %add3A_40, %add3A_41 : i32
    %multiple_of3A_43 = tpu.assume_multiple %add3A_42, 16384 : i32
    %dma_wait3A_44 = arith.constant 0 : i32
    %dma_wait3A_45 = arith.constant 0 : i32
    %dma_wait3A_46 = arith.constant 0 : i32
    %dma_wait3A_47 = tpu.memref_slice %arg5[%dma_wait3A_44, %dma_wait3A_46] : memref<2x16384xf32, #tpu.memory_space<vmem>> -> memref<1x16384xf32, #tpu.memory_space<vmem>>
    %dma_wait3A_48 = tpu.memref_squeeze %dma_wait3A_47 : memref<1x16384xf32, #tpu.memory_space<vmem>> -> memref<16384xf32, #tpu.memory_space<vmem>>
    %dma_wait3A_49 = tpu.memref_slice %arg2[%multiple_of3A_43] : memref<8388608xf32, #tpu.memory_space<hbm>> -> memref<16384xf32, #tpu.memory_space<hbm>>
    %dma_wait3A_50 = tpu.memref_slice %arg7[%dma_wait3A_45] : memref<2x!tpu.dma_semaphore, #tpu.memory_space<semaphore_mem>> -> memref<1x!tpu.dma_semaphore, #tpu.memory_space<semaphore_mem>>
    %dma_wait3A_51 = tpu.memref_squeeze %dma_wait3A_50 : memref<1x!tpu.dma_semaphore, #tpu.memory_space<semaphore_mem>> -> memref<!tpu.dma_semaphore, #tpu.memory_space<semaphore_mem>>
    %dma_wait3A_52 = arith.constant 0 : i32
    %dma_wait3A_53 = tpu.memref_slice %arg5[%dma_wait3A_44, %dma_wait3A_52] : memref<2x16384xf32, #tpu.memory_space<vmem>> -> memref<1x16384xf32, #tpu.memory_space<vmem>>
    %dma_wait3A_54 = tpu.memref_squeeze %dma_wait3A_53 : memref<1x16384xf32, #tpu.memory_space<vmem>> -> memref<16384xf32, #tpu.memory_space<vmem>>
    %dma_wait3A_55 = tpu.memref_slice %arg2[%multiple_of3A_43] : memref<8388608xf32, #tpu.memory_space<hbm>> -> memref<16384xf32, #tpu.memory_space<hbm>>
    tpu.wait_dma2 semaphore(%dma_wait3A_51 : memref<!tpu.dma_semaphore, #tpu.memory_space<semaphore_mem>>) src(%dma_wait3A_55 : memref<16384xf32, #tpu.memory_space<hbm>>) dst(%dma_wait3A_54 : memref<16384xf32, #tpu.memory_space<vmem>>)
    %parallel_loop3A = arith.constant 0 : i32
    %parallel_loop3A_56 = arith.constant 1024 : i32
    %parallel_loop3A_57 = arith.constant 1 : i32
    scf.for %parallel_loop3A_1140 = %parallel_loop3A to %parallel_loop3A_56 step %parallel_loop3A_57  : i32 {
      %parallel_loop3A_1141 = arith.constant 16 : i32
      %parallel_loop3A_1142 = arith.muli %parallel_loop3A_1140, %parallel_loop3A_1141 : i32
      %parallel_loop3A_1143 = arith.constant 0 : i32
      %parallel_loop3A_1144 = arith.addi %parallel_loop3A_1143, %parallel_loop3A_1142 : i32
      %parallel_loop3A_1145 = arith.index_cast %parallel_loop3A_1144 : i32 to index
      %parallel_loop3A_1146 = tpu.vector_load %arg6[%parallel_loop3A_1145] {strides = array<i32>} : memref<65536xf32, #tpu.memory_space<vmem>>, vector<16xf32>,
      %parallel_loop3A_1147 = vector.shape_cast %parallel_loop3A_1146 : vector<16xf32> to vector<16xf32>
      %parallel_loop3A_1148 = arith.constant 0 : i32
      %parallel_loop3A_1149 = arith.index_cast %parallel_loop3A_1148 : i32 to index
      %parallel_loop3A_1150 = arith.index_cast %parallel_loop3A_1142 : i32 to index
      %parallel_loop3A_1151 = tpu.vector_load %arg5[%parallel_loop3A_1149, %parallel_loop3A_1150] {strides = array<i32>} : memref<2x16384xf32, #tpu.memory_space<vmem>>, vector<1x16xf32>,
      %parallel_loop3A_1152 = vector.shape_cast %parallel_loop3A_1151 : vector<1x16xf32> to vector<16xf32>
      %parallel_loop3A_1153 = vector.shape_cast %parallel_loop3A_1147 : vector<16xf32> to vector<1x16xf32>
      tpu.vector_store %arg5[%parallel_loop3A_1149, %parallel_loop3A_1150], %parallel_loop3A_1153 {add = true, strides = array<i32>} : memref<2x16384xf32, #tpu.memory_space<vmem>>, vector<1x16xf32>,
    } {sc.loop_unroll_factor = 8 : i64, sc.parallel_access}
    %add3A_58 = arith.constant 0 : i32
    %add3A_59 = arith.addi %add3A_58, %multiple_of3A : i32
    %add3A_60 = arith.constant 0 : i32
    %add3A_61 = arith.addi %add3A_59, %add3A_60 : i32
    %multiple_of3A_62 = tpu.assume_multiple %add3A_61, 16384 : i32
    %dma_start3A_63 = arith.constant 0 : i32
    %dma_start3A_64 = arith.constant 0 : i32
    %dma_start3A_65 = arith.constant 0 : i32
    %dma_start3A_66 = tpu.memref_slice %arg5[%dma_start3A_63, %dma_start3A_65] : memref<2x16384xf32, #tpu.memory_space<vmem>> -> memref<1x16384xf32, #tpu.memory_space<vmem>>
    %dma_start3A_67 = tpu.memref_squeeze %dma_start3A_66 : memref<1x16384xf32, #tpu.memory_space<vmem>> -> memref<16384xf32, #tpu.memory_space<vmem>>
    %dma_start3A_68 = tpu.memref_slice %arg4[%multiple_of3A_62] : memref<8388608xf32, #tpu.memory_space<hbm>> -> memref<16384xf32, #tpu.memory_space<hbm>>
    %dma_start3A_69 = tpu.memref_slice %arg9[%dma_start3A_64] : memref<2x!tpu.dma_semaphore, #tpu.memory_space<semaphore_mem>> -> memref<1x!tpu.dma_semaphore, #tpu.memory_space<semaphore_mem>>
    %dma_start3A_70 = tpu.memref_squeeze %dma_start3A_69 : memref<1x!tpu.dma_semaphore, #tpu.memory_space<semaphore_mem>> -> memref<!tpu.dma_semaphore, #tpu.memory_space<semaphore_mem>>
    %dma_start3A_71 = tpu.memref_slice %arg4[%multiple_of3A_62] : memref<8388608xf32, #tpu.memory_space<hbm>> -> memref<16384xf32, #tpu.memory_space<hbm>>
    %dma_start3A_72 = arith.constant 0 : i32
    %dma_start3A_73 = tpu.memref_slice %arg5[%dma_start3A_63, %dma_start3A_72] : memref<2x16384xf32, #tpu.memory_space<vmem>> -> memref<1x16384xf32, #tpu.memory_space<vmem>>
    %dma_start3A_74 = tpu.memref_squeeze %dma_start3A_73 : memref<1x16384xf32, #tpu.memory_space<vmem>> -> memref<16384xf32, #tpu.memory_space<vmem>>
    tpu.enqueue_dma source(%dma_start3A_74 : memref<16384xf32, #tpu.memory_space<vmem>>) target(%dma_start3A_71 : memref<16384xf32, #tpu.memory_space<hbm>>) target_semaphore(%dma_start3A_70 : memref<!tpu.dma_semaphore, #tpu.memory_space<semaphore_mem>>)
    %add3A_75 = arith.constant 0 : i32
    %add3A_76 = arith.addi %add3A_75, %multiple_of3A : i32
    %add3A_77 = arith.constant 0 : i32
    %add3A_78 = arith.addi %add3A_76, %add3A_77 : i32
    %multiple_of3A_79 = tpu.assume_multiple %add3A_78, 16384 : i32
    %dma_wait3A_80 = arith.constant 0 : i32
    %dma_wait3A_81 = arith.constant 0 : i32
    %dma_wait3A_82 = arith.constant 0 : i32
    %dma_wait3A_83 = tpu.memref_slice %arg5[%dma_wait3A_80, %dma_wait3A_82] : memref<2x16384xf32, #tpu.memory_space<vmem>> -> memref<1x16384xf32, #tpu.memory_space<vmem>>
    %dma_wait3A_84 = tpu.memref_squeeze %dma_wait3A_83 : memref<1x16384xf32, #tpu.memory_space<vmem>> -> memref<16384xf32, #tpu.memory_space<vmem>>
    %dma_wait3A_85 = tpu.memref_slice %arg4[%multiple_of3A_79] : memref<8388608xf32, #tpu.memory_space<hbm>> -> memref<16384xf32, #tpu.memory_space<hbm>>
    %dma_wait3A_86 = tpu.memref_slice %arg9[%dma_wait3A_81] : memref<2x!tpu.dma_semaphore, #tpu.memory_space<semaphore_mem>> -> memref<1x!tpu.dma_semaphore, #tpu.memory_space<semaphore_mem>>
    %dma_wait3A_87 = tpu.memref_squeeze %dma_wait3A_86 : memref<1x!tpu.dma_semaphore, #tpu.memory_space<semaphore_mem>> -> memref<!tpu.dma_semaphore, #tpu.memory_space<semaphore_mem>>
    %dma_wait3A_88 = tpu.memref_slice %arg4[%multiple_of3A_79] : memref<8388608xf32, #tpu.memory_space<hbm>> -> memref<16384xf32, #tpu.memory_space<hbm>>
    %dma_wait3A_89 = arith.constant 0 : i32
    %dma_wait3A_90 = tpu.memref_slice %arg5[%dma_wait3A_80, %dma_wait3A_89] : memref<2x16384xf32, #tpu.memory_space<vmem>> -> memref<1x16384xf32, #tpu.memory_space<vmem>>
    %dma_wait3A_91 = tpu.memref_squeeze %dma_wait3A_90 : memref<1x16384xf32, #tpu.memory_space<vmem>> -> memref<16384xf32, #tpu.memory_space<vmem>>
    tpu.wait_dma2 semaphore(%dma_wait3A_87 : memref<!tpu.dma_semaphore, #tpu.memory_space<semaphore_mem>>) src(%dma_wait3A_91 : memref<16384xf32, #tpu.memory_space<vmem>>) dst(%dma_wait3A_88 : memref<16384xf32, #tpu.memory_space<hbm>>)
    %add3A_92 = arith.constant 0 : i32
    %add3A_93 = arith.addi %add3A_92, %multiple_of3A : i32
    %add3A_94 = arith.constant 32768 : i32
    %add3A_95 = arith.addi %add3A_93, %add3A_94 : i32
    %multiple_of3A_96 = tpu.assume_multiple %add3A_95, 16384 : i32
    %dma_start3A_97 = arith.constant 0 : i32
    %dma_start3A_98 = arith.constant 0 : i32
    %dma_start3A_99 = arith.constant 0 : i32
    %dma_start3A_100 = tpu.memref_slice %arg5[%dma_start3A_97, %dma_start3A_99] : memref<2x16384xf32, #tpu.memory_space<vmem>> -> memref<1x16384xf32, #tpu.memory_space<vmem>>
    %dma_start3A_101 = tpu.memref_squeeze %dma_start3A_100 : memref<1x16384xf32, #tpu.memory_space<vmem>> -> memref<16384xf32, #tpu.memory_space<vmem>>
    %dma_start3A_102 = tpu.memref_slice %arg2[%multiple_of3A_96] : memref<8388608xf32, #tpu.memory_space<hbm>> -> memref<16384xf32, #tpu.memory_space<hbm>>
    %dma_start3A_103 = tpu.memref_slice %arg7[%dma_start3A_98] : memref<2x!tpu.dma_semaphore, #tpu.memory_space<semaphore_mem>> -> memref<1x!tpu.dma_semaphore, #tpu.memory_space<semaphore_mem>>
    %dma_start3A_104 = tpu.memref_squeeze %dma_start3A_103 : memref<1x!tpu.dma_semaphore, #tpu.memory_space<semaphore_mem>> -> memref<!tpu.dma_semaphore, #tpu.memory_space<semaphore_mem>>
    %dma_start3A_105 = arith.constant 0 : i32
    %dma_start3A_106 = tpu.memref_slice %arg5[%dma_start3A_97, %dma_start3A_105] : memref<2x16384xf32, #tpu.memory_space<vmem>> -> memref<1x16384xf32, #tpu.memory_space<vmem>>
    %dma_start3A_107 = tpu.memref_squeeze %dma_start3A_106 : memref<1x16384xf32, #tpu.memory_space<vmem>> -> memref<16384xf32, #tpu.memory_space<vmem>>
    %dma_start3A_108 = tpu.memref_slice %arg2[%multiple_of3A_96] : memref<8388608xf32, #tpu.memory_space<hbm>> -> memref<16384xf32, #tpu.memory_space<hbm>>
    tpu.enqueue_dma source(%dma_start3A_108 : memref<16384xf32, #tpu.memory_space<hbm>>) target(%dma_start3A_107 : memref<16384xf32, #tpu.memory_space<vmem>>) target_semaphore(%dma_start3A_104 : memref<!tpu.dma_semaphore, #tpu.memory_space<semaphore_mem>>)
    %add3A_109 = arith.constant 0 : i32
    %add3A_110 = arith.addi %add3A_109, %multiple_of3A : i32
    %add3A_111 = arith.constant 16384 : i32
    %add3A_112 = arith.addi %add3A_110, %add3A_111 : i32
    %multiple_of3A_113 = tpu.assume_multiple %add3A_112, 16384 : i32
    %dma_wait3A_114 = arith.constant 1 : i32
    %dma_wait3A_115 = arith.constant 1 : i32
    %dma_wait3A_116 = arith.constant 0 : i32
    %dma_wait3A_117 = tpu.memref_slice %arg5[%dma_wait3A_114, %dma_wait3A_116] : memref<2x16384xf32, #tpu.memory_space<vmem>> -> memref<1x16384xf32, #tpu.memory_space<vmem>>
    %dma_wait3A_118 = tpu.memref_squeeze %dma_wait3A_117 : memref<1x16384xf32, #tpu.memory_space<vmem>> -> memref<16384xf32, #tpu.memory_space<vmem>>
    %dma_wait3A_119 = tpu.memref_slice %arg2[%multiple_of3A_113] : memref<8388608xf32, #tpu.memory_space<hbm>> -> memref<16384xf32, #tpu.memory_space<hbm>>
    %dma_wait3A_120 = tpu.memref_slice %arg7[%dma_wait3A_115] : memref<2x!tpu.dma_semaphore, #tpu.memory_space<semaphore_mem>> -> memref<1x!tpu.dma_semaphore, #tpu.memory_space<semaphore_mem>>
    %dma_wait3A_121 = tpu.memref_squeeze %dma_wait3A_120 : memref<1x!tpu.dma_semaphore, #tpu.memory_space<semaphore_mem>> -> memref<!tpu.dma_semaphore, #tpu.memory_space<semaphore_mem>>
    %dma_wait3A_122 = arith.constant 0 : i32
    %dma_wait3A_123 = tpu.memref_slice %arg5[%dma_wait3A_114, %dma_wait3A_122] : memref<2x16384xf32, #tpu.memory_space<vmem>> -> memref<1x16384xf32, #tpu.memory_space<vmem>>
    %dma_wait3A_124 = tpu.memref_squeeze %dma_wait3A_123 : memref<1x16384xf32, #tpu.memory_space<vmem>> -> memref<16384xf32, #tpu.memory_space<vmem>>
    %dma_wait3A_125 = tpu.memref_slice %arg2[%multiple_of3A_113] : memref<8388608xf32, #tpu.memory_space<hbm>> -> memref<16384xf32, #tpu.memory_space<hbm>>
    tpu.wait_dma2 semaphore(%dma_wait3A_121 : memref<!tpu.dma_semaphore, #tpu.memory_space<semaphore_mem>>) src(%dma_wait3A_125 : memref<16384xf32, #tpu.memory_space<hbm>>) dst(%dma_wait3A_124 : memref<16384xf32, #tpu.memory_space<vmem>>)
    %parallel_loop3A_126 = arith.constant 0 : i32
    %parallel_loop3A_127 = arith.constant 1024 : i32
    %parallel_loop3A_128 = arith.constant 1 : i32
    scf.for %parallel_loop3A_1140 = %parallel_loop3A_126 to %parallel_loop3A_127 step %parallel_loop3A_128  : i32 {
      %parallel_loop3A_1141 = arith.constant 16 : i32
      %parallel_loop3A_1142 = arith.muli %parallel_loop3A_1140, %parallel_loop3A_1141 : i32
      %parallel_loop3A_1143 = arith.constant 16384 : i32
      %parallel_loop3A_1144 = arith.addi %parallel_loop3A_1143, %parallel_loop3A_1142 : i32
      %parallel_loop3A_1145 = arith.index_cast %parallel_loop3A_1144 : i32 to index
      %parallel_loop3A_1146 = tpu.vector_load %arg6[%parallel_loop3A_1145] {strides = array<i32>} : memref<65536xf32, #tpu.memory_space<vmem>>, vector<16xf32>,
      %parallel_loop3A_1147 = vector.shape_cast %parallel_loop3A_1146 : vector<16xf32> to vector<16xf32>
      %parallel_loop3A_1148 = arith.constant 1 : i32
      %parallel_loop3A_1149 = arith.index_cast %parallel_loop3A_1148 : i32 to index
      %parallel_loop3A_1150 = arith.index_cast %parallel_loop3A_1142 : i32 to index
      %parallel_loop3A_1151 = tpu.vector_load %arg5[%parallel_loop3A_1149, %parallel_loop3A_1150] {strides = array<i32>} : memref<2x16384xf32, #tpu.memory_space<vmem>>, vector<1x16xf32>,
      %parallel_loop3A_1152 = vector.shape_cast %parallel_loop3A_1151 : vector<1x16xf32> to vector<16xf32>
      %parallel_loop3A_1153 = vector.shape_cast %parallel_loop3A_1147 : vector<16xf32> to vector<1x16xf32>
      tpu.vector_store %arg5[%parallel_loop3A_1149, %parallel_loop3A_1150], %parallel_loop3A_1153 {add = true, strides = array<i32>} : memref<2x16384xf32, #tpu.memory_space<vmem>>, vector<1x16xf32>,
    } {sc.loop_unroll_factor = 8 : i64, sc.parallel_access}
    %add3A_129 = arith.constant 0 : i32
    %add3A_130 = arith.addi %add3A_129, %multiple_of3A : i32
    %add3A_131 = arith.constant 16384 : i32
    %add3A_132 = arith.addi %add3A_130, %add3A_131 : i32
    %multiple_of3A_133 = tpu.assume_multiple %add3A_132, 16384 : i32
    %dma_start3A_134 = arith.constant 1 : i32
    %dma_start3A_135 = arith.constant 1 : i32
    %dma_start3A_136 = arith.constant 0 : i32
    %dma_start3A_137 = tpu.memref_slice %arg5[%dma_start3A_134, %dma_start3A_136] : memref<2x16384xf32, #tpu.memory_space<vmem>> -> memref<1x16384xf32, #tpu.memory_space<vmem>>
    %dma_start3A_138 = tpu.memref_squeeze %dma_start3A_137 : memref<1x16384xf32, #tpu.memory_space<vmem>> -> memref<16384xf32, #tpu.memory_space<vmem>>
    %dma_start3A_139 = tpu.memref_slice %arg4[%multiple_of3A_133] : memref<8388608xf32, #tpu.memory_space<hbm>> -> memref<16384xf32, #tpu.memory_space<hbm>>
    %dma_start3A_140 = tpu.memref_slice %arg9[%dma_start3A_135] : memref<2x!tpu.dma_semaphore, #tpu.memory_space<semaphore_mem>> -> memref<1x!tpu.dma_semaphore, #tpu.memory_space<semaphore_mem>>
    %dma_start3A_141 = tpu.memref_squeeze %dma_start3A_140 : memref<1x!tpu.dma_semaphore, #tpu.memory_space<semaphore_mem>> -> memref<!tpu.dma_semaphore, #tpu.memory_space<semaphore_mem>>
    %dma_start3A_142 = tpu.memref_slice %arg4[%multiple_of3A_133] : memref<8388608xf32, #tpu.memory_space<hbm>> -> memref<16384xf32, #tpu.memory_space<hbm>>
    %dma_start3A_143 = arith.constant 0 : i32
    %dma_start3A_144 = tpu.memref_slice %arg5[%dma_start3A_134, %dma_start3A_143] : memref<2x16384xf32, #tpu.memory_space<vmem>> -> memref<1x16384xf32, #tpu.memory_space<vmem>>
    %dma_start3A_145 = tpu.memref_squeeze %dma_start3A_144 : memref<1x16384xf32, #tpu.memory_space<vmem>> -> memref<16384xf32, #tpu.memory_space<vmem>>
    tpu.enqueue_dma source(%dma_start3A_145 : memref<16384xf32, #tpu.memory_space<vmem>>) target(%dma_start3A_142 : memref<16384xf32, #tpu.memory_space<hbm>>) target_semaphore(%dma_start3A_141 : memref<!tpu.dma_semaphore, #tpu.memory_space<semaphore_mem>>)
    %add3A_146 = arith.constant 0 : i32
    %add3A_147 = arith.addi %add3A_146, %multiple_of3A : i32
    %add3A_148 = arith.constant 16384 : i32
    %add3A_149 = arith.addi %add3A_147, %add3A_148 : i32
    %multiple_of3A_150 = tpu.assume_multiple %add3A_149, 16384 : i32
    %dma_wait3A_151 = arith.constant 1 : i32
    %dma_wait3A_152 = arith.constant 1 : i32
    %dma_wait3A_153 = arith.constant 0 : i32
    %dma_wait3A_154 = tpu.memref_slice %arg5[%dma_wait3A_151, %dma_wait3A_153] : memref<2x16384xf32, #tpu.memory_space<vmem>> -> memref<1x16384xf32, #tpu.memory_space<vmem>>
    %dma_wait3A_155 = tpu.memref_squeeze %dma_wait3A_154 : memref<1x16384xf32, #tpu.memory_space<vmem>> -> memref<16384xf32, #tpu.memory_space<vmem>>
    %dma_wait3A_156 = tpu.memref_slice %arg4[%multiple_of3A_150] : memref<8388608xf32, #tpu.memory_space<hbm>> -> memref<16384xf32, #tpu.memory_space<hbm>>
    %dma_wait3A_157 = tpu.memref_slice %arg9[%dma_wait3A_152] : memref<2x!tpu.dma_semaphore, #tpu.memory_space<semaphore_mem>> -> memref<1x!tpu.dma_semaphore, #tpu.memory_space<semaphore_mem>>
    %dma_wait3A_158 = tpu.memref_squeeze %dma_wait3A_157 : memref<1x!tpu.dma_semaphore, #tpu.memory_space<semaphore_mem>> -> memref<!tpu.dma_semaphore, #tpu.memory_space<semaphore_mem>>
    %dma_wait3A_159 = tpu.memref_slice %arg4[%multiple_of3A_150] : memref<8388608xf32, #tpu.memory_space<hbm>> -> memref<16384xf32, #tpu.memory_space<hbm>>
    %dma_wait3A_160 = arith.constant 0 : i32
    %dma_wait3A_161 = tpu.memref_slice %arg5[%dma_wait3A_151, %dma_wait3A_160] : memref<2x16384xf32, #tpu.memory_space<vmem>> -> memref<1x16384xf32, #tpu.memory_space<vmem>>
    %dma_wait3A_162 = tpu.memref_squeeze %dma_wait3A_161 : memref<1x16384xf32, #tpu.memory_space<vmem>> -> memref<16384xf32, #tpu.memory_space<vmem>>
    tpu.wait_dma2 semaphore(%dma_wait3A_158 : memref<!tpu.dma_semaphore, #tpu.memory_space<semaphore_mem>>) src(%dma_wait3A_162 : memref<16384xf32, #tpu.memory_space<vmem>>) dst(%dma_wait3A_159 : memref<16384xf32, #tpu.memory_space<hbm>>)
    %add3A_163 = arith.constant 0 : i32
    %add3A_164 = arith.addi %add3A_163, %multiple_of3A : i32
    %add3A_165 = arith.constant 49152 : i32
    %add3A_166 = arith.addi %add3A_164, %add3A_165 : i32
    %multiple_of3A_167 = tpu.assume_multiple %add3A_166, 16384 : i32
    %dma_start3A_168 = arith.constant 1 : i32
    %dma_start3A_169 = arith.constant 1 : i32
    %dma_start3A_170 = arith.constant 0 : i32
    %dma_start3A_171 = tpu.memref_slice %arg5[%dma_start3A_168, %dma_start3A_170] : memref<2x16384xf32, #tpu.memory_space<vmem>> -> memref<1x16384xf32, #tpu.memory_space<vmem>>
    %dma_start3A_172 = tpu.memref_squeeze %dma_start3A_171 : memref<1x16384xf32, #tpu.memory_space<vmem>> -> memref<16384xf32, #tpu.memory_space<vmem>>
    %dma_start3A_173 = tpu.memref_slice %arg2[%multiple_of3A_167] : memref<8388608xf32, #tpu.memory_space<hbm>> -> memref<16384xf32, #tpu.memory_space<hbm>>
    %dma_start3A_174 = tpu.memref_slice %arg7[%dma_start3A_169] : memref<2x!tpu.dma_semaphore, #tpu.memory_space<semaphore_mem>> -> memref<1x!tpu.dma_semaphore, #tpu.memory_space<semaphore_mem>>
    %dma_start3A_175 = tpu.memref_squeeze %dma_start3A_174 : memref<1x!tpu.dma_semaphore, #tpu.memory_space<semaphore_mem>> -> memref<!tpu.dma_semaphore, #tpu.memory_space<semaphore_mem>>
    %dma_start3A_176 = arith.constant 0 : i32
    %dma_start3A_177 = tpu.memref_slice %arg5[%dma_start3A_168, %dma_start3A_176] : memref<2x16384xf32, #tpu.memory_space<vmem>> -> memref<1x16384xf32, #tpu.memory_space<vmem>>
    %dma_start3A_178 = tpu.memref_squeeze %dma_start3A_177 : memref<1x16384xf32, #tpu.memory_space<vmem>> -> memref<16384xf32, #tpu.memory_space<vmem>>
    %dma_start3A_179 = tpu.memref_slice %arg2[%multiple_of3A_167] : memref<8388608xf32, #tpu.memory_space<hbm>> -> memref<16384xf32, #tpu.memory_space<hbm>>
    tpu.enqueue_dma source(%dma_start3A_179 : memref<16384xf32, #tpu.memory_space<hbm>>) target(%dma_start3A_178 : memref<16384xf32, #tpu.memory_space<vmem>>) target_semaphore(%dma_start3A_175 : memref<!tpu.dma_semaphore, #tpu.memory_space<semaphore_mem>>)
    %add3A_180 = arith.constant 0 : i32
    %add3A_181 = arith.addi %add3A_180, %multiple_of3A : i32
    %add3A_182 = arith.constant 32768 : i32
    %add3A_183 = arith.addi %add3A_181, %add3A_182 : i32
    %multiple_of3A_184 = tpu.assume_multiple %add3A_183, 16384 : i32
    %dma_wait3A_185 = arith.constant 0 : i32
    %dma_wait3A_186 = arith.constant 0 : i32
    %dma_wait3A_187 = arith.constant 0 : i32
    %dma_wait3A_188 = tpu.memref_slice %arg5[%dma_wait3A_185, %dma_wait3A_187] : memref<2x16384xf32, #tpu.memory_space<vmem>> -> memref<1x16384xf32, #tpu.memory_space<vmem>>
    %dma_wait3A_189 = tpu.memref_squeeze %dma_wait3A_188 : memref<1x16384xf32, #tpu.memory_space<vmem>> -> memref<16384xf32, #tpu.memory_space<vmem>>
    %dma_wait3A_190 = tpu.memref_slice %arg2[%multiple_of3A_184] : memref<8388608xf32, #tpu.memory_space<hbm>> -> memref<16384xf32, #tpu.memory_space<hbm>>
    %dma_wait3A_191 = tpu.memref_slice %arg7[%dma_wait3A_186] : memref<2x!tpu.dma_semaphore, #tpu.memory_space<semaphore_mem>> -> memref<1x!tpu.dma_semaphore, #tpu.memory_space<semaphore_mem>>
    %dma_wait3A_192 = tpu.memref_squeeze %dma_wait3A_191 : memref<1x!tpu.dma_semaphore, #tpu.memory_space<semaphore_mem>> -> memref<!tpu.dma_semaphore, #tpu.memory_space<semaphore_mem>>
    %dma_wait3A_193 = arith.constant 0 : i32
    %dma_wait3A_194 = tpu.memref_slice %arg5[%dma_wait3A_185, %dma_wait3A_193] : memref<2x16384xf32, #tpu.memory_space<vmem>> -> memref<1x16384xf32, #tpu.memory_space<vmem>>
    %dma_wait3A_195 = tpu.memref_squeeze %dma_wait3A_194 : memref<1x16384xf32, #tpu.memory_space<vmem>> -> memref<16384xf32, #tpu.memory_space<vmem>>
    %dma_wait3A_196 = tpu.memref_slice %arg2[%multiple_of3A_184] : memref<8388608xf32, #tpu.memory_space<hbm>> -> memref<16384xf32, #tpu.memory_space<hbm>>
    tpu.wait_dma2 semaphore(%dma_wait3A_192 : memref<!tpu.dma_semaphore, #tpu.memory_space<semaphore_mem>>) src(%dma_wait3A_196 : memref<16384xf32, #tpu.memory_space<hbm>>) dst(%dma_wait3A_195 : memref<16384xf32, #tpu.memory_space<vmem>>)
    %parallel_loop3A_197 = arith.constant 0 : i32
    %parallel_loop3A_198 = arith.constant 1024 : i32
    %parallel_loop3A_199 = arith.constant 1 : i32
    scf.for %parallel_loop3A_1140 = %parallel_loop3A_197 to %parallel_loop3A_198 step %parallel_loop3A_199  : i32 {
      %parallel_loop3A_1141 = arith.constant 16 : i32
      %parallel_loop3A_1142 = arith.muli %parallel_loop3A_1140, %parallel_loop3A_1141 : i32
      %parallel_loop3A_1143 = arith.constant 32768 : i32
      %parallel_loop3A_1144 = arith.addi %parallel_loop3A_1143, %parallel_loop3A_1142 : i32
      %parallel_loop3A_1145 = arith.index_cast %parallel_loop3A_1144 : i32 to index
      %parallel_loop3A_1146 = tpu.vector_load %arg6[%parallel_loop3A_1145] {strides = array<i32>} : memref<65536xf32, #tpu.memory_space<vmem>>, vector<16xf32>,
      %parallel_loop3A_1147 = vector.shape_cast %parallel_loop3A_1146 : vector<16xf32> to vector<16xf32>
      %parallel_loop3A_1148 = arith.constant 0 : i32
      %parallel_loop3A_1149 = arith.index_cast %parallel_loop3A_1148 : i32 to index
      %parallel_loop3A_1150 = arith.index_cast %parallel_loop3A_1142 : i32 to index
      %parallel_loop3A_1151 = tpu.vector_load %arg5[%parallel_loop3A_1149, %parallel_loop3A_1150] {strides = array<i32>} : memref<2x16384xf32, #tpu.memory_space<vmem>>, vector<1x16xf32>,
      %parallel_loop3A_1152 = vector.shape_cast %parallel_loop3A_1151 : vector<1x16xf32> to vector<16xf32>
      %parallel_loop3A_1153 = vector.shape_cast %parallel_loop3A_1147 : vector<16xf32> to vector<1x16xf32>
      tpu.vector_store %arg5[%parallel_loop3A_1149, %parallel_loop3A_1150], %parallel_loop3A_1153 {add = true, strides = array<i32>} : memref<2x16384xf32, #tpu.memory_space<vmem>>, vector<1x16xf32>,
    } {sc.loop_unroll_factor = 8 : i64, sc.parallel_access}
    %add3A_200 = arith.constant 0 : i32
    %add3A_201 = arith.addi %add3A_200, %multiple_of3A : i32
    %add3A_202 = arith.constant 32768 : i32
    %add3A_203 = arith.addi %add3A_201, %add3A_202 : i32
    %multiple_of3A_204 = tpu.assume_multiple %add3A_203, 16384 : i32
    %dma_start3A_205 = arith.constant 0 : i32
    %dma_start3A_206 = arith.constant 0 : i32
    %dma_start3A_207 = arith.constant 0 : i32
    %dma_start3A_208 = tpu.memref_slice %arg5[%dma_start3A_205, %dma_start3A_207] : memref<2x16384xf32, #tpu.memory_space<vmem>> -> memref<1x16384xf32, #tpu.memory_space<vmem>>
    %dma_start3A_209 = tpu.memref_squeeze %dma_start3A_208 : memref<1x16384xf32, #tpu.memory_space<vmem>> -> memref<16384xf32, #tpu.memory_space<vmem>>
    %dma_start3A_210 = tpu.memref_slice %arg4[%multiple_of3A_204] : memref<8388608xf32, #tpu.memory_space<hbm>> -> memref<16384xf32, #tpu.memory_space<hbm>>
    %dma_start3A_211 = tpu.memref_slice %arg9[%dma_start3A_206] : memref<2x!tpu.dma_semaphore, #tpu.memory_space<semaphore_mem>> -> memref<1x!tpu.dma_semaphore, #tpu.memory_space<semaphore_mem>>
    %dma_start3A_212 = tpu.memref_squeeze %dma_start3A_211 : memref<1x!tpu.dma_semaphore, #tpu.memory_space<semaphore_mem>> -> memref<!tpu.dma_semaphore, #tpu.memory_space<semaphore_mem>>
    %dma_start3A_213 = tpu.memref_slice %arg4[%multiple_of3A_204] : memref<8388608xf32, #tpu.memory_space<hbm>> -> memref<16384xf32, #tpu.memory_space<hbm>>
    %dma_start3A_214 = arith.constant 0 : i32
    %dma_start3A_215 = tpu.memref_slice %arg5[%dma_start3A_205, %dma_start3A_214] : memref<2x16384xf32, #tpu.memory_space<vmem>> -> memref<1x16384xf32, #tpu.memory_space<vmem>>
    %dma_start3A_216 = tpu.memref_squeeze %dma_start3A_215 : memref<1x16384xf32, #tpu.memory_space<vmem>> -> memref<16384xf32, #tpu.memory_space<vmem>>
    tpu.enqueue_dma source(%dma_start3A_216 : memref<16384xf32, #tpu.memory_space<vmem>>) target(%dma_start3A_213 : memref<16384xf32, #tpu.memory_space<hbm>>) target_semaphore(%dma_start3A_212 : memref<!tpu.dma_semaphore, #tpu.memory_space<semaphore_mem>>)
    %add3A_217 = arith.constant 0 : i32
    %add3A_218 = arith.addi %add3A_217, %multiple_of3A : i32
    %add3A_219 = arith.constant 32768 : i32
    %add3A_220 = arith.addi %add3A_218, %add3A_219 : i32
    %multiple_of3A_221 = tpu.assume_multiple %add3A_220, 16384 : i32
    %dma_wait3A_222 = arith.constant 0 : i32
    %dma_wait3A_223 = arith.constant 0 : i32
    %dma_wait3A_224 = arith.constant 0 : i32
    %dma_wait3A_225 = tpu.memref_slice %arg5[%dma_wait3A_222, %dma_wait3A_224] : memref<2x16384xf32, #tpu.memory_space<vmem>> -> memref<1x16384xf32, #tpu.memory_space<vmem>>
    %dma_wait3A_226 = tpu.memref_squeeze %dma_wait3A_225 : memref<1x16384xf32, #tpu.memory_space<vmem>> -> memref<16384xf32, #tpu.memory_space<vmem>>
    %dma_wait3A_227 = tpu.memref_slice %arg4[%multiple_of3A_221] : memref<8388608xf32, #tpu.memory_space<hbm>> -> memref<16384xf32, #tpu.memory_space<hbm>>
    %dma_wait3A_228 = tpu.memref_slice %arg9[%dma_wait3A_223] : memref<2x!tpu.dma_semaphore, #tpu.memory_space<semaphore_mem>> -> memref<1x!tpu.dma_semaphore, #tpu.memory_space<semaphore_mem>>
    %dma_wait3A_229 = tpu.memref_squeeze %dma_wait3A_228 : memref<1x!tpu.dma_semaphore, #tpu.memory_space<semaphore_mem>> -> memref<!tpu.dma_semaphore, #tpu.memory_space<semaphore_mem>>
    %dma_wait3A_230 = tpu.memref_slice %arg4[%multiple_of3A_221] : memref<8388608xf32, #tpu.memory_space<hbm>> -> memref<16384xf32, #tpu.memory_space<hbm>>
    %dma_wait3A_231 = arith.constant 0 : i32
    %dma_wait3A_232 = tpu.memref_slice %arg5[%dma_wait3A_222, %dma_wait3A_231] : memref<2x16384xf32, #tpu.memory_space<vmem>> -> memref<1x16384xf32, #tpu.memory_space<vmem>>
    %dma_wait3A_233 = tpu.memref_squeeze %dma_wait3A_232 : memref<1x16384xf32, #tpu.memory_space<vmem>> -> memref<16384xf32, #tpu.memory_space<vmem>>
    tpu.wait_dma2 semaphore(%dma_wait3A_229 : memref<!tpu.dma_semaphore, #tpu.memory_space<semaphore_mem>>) src(%dma_wait3A_233 : memref<16384xf32, #tpu.memory_space<vmem>>) dst(%dma_wait3A_230 : memref<16384xf32, #tpu.memory_space<hbm>>)
    %add3A_234 = arith.constant 2097152 : i32
    %add3A_235 = arith.addi %add3A_234, %multiple_of3A : i32
    %add3A_236 = arith.constant 0 : i32
    %add3A_237 = arith.addi %add3A_235, %add3A_236 : i32
    %multiple_of3A_238 = tpu.assume_multiple %add3A_237, 16384 : i32
    %dma_start3A_239 = arith.constant 0 : i32
    %dma_start3A_240 = arith.constant 0 : i32
    %dma_start3A_241 = arith.constant 0 : i32
    %dma_start3A_242 = tpu.memref_slice %arg5[%dma_start3A_239, %dma_start3A_241] : memref<2x16384xf32, #tpu.memory_space<vmem>> -> memref<1x16384xf32, #tpu.memory_space<vmem>>
    %dma_start3A_243 = tpu.memref_squeeze %dma_start3A_242 : memref<1x16384xf32, #tpu.memory_space<vmem>> -> memref<16384xf32, #tpu.memory_space<vmem>>
    %dma_start3A_244 = tpu.memref_slice %arg2[%multiple_of3A_238] : memref<8388608xf32, #tpu.memory_space<hbm>> -> memref<16384xf32, #tpu.memory_space<hbm>>
    %dma_start3A_245 = tpu.memref_slice %arg7[%dma_start3A_240] : memref<2x!tpu.dma_semaphore, #tpu.memory_space<semaphore_mem>> -> memref<1x!tpu.dma_semaphore, #tpu.memory_space<semaphore_mem>>
    %dma_start3A_246 = tpu.memref_squeeze %dma_start3A_245 : memref<1x!tpu.dma_semaphore, #tpu.memory_space<semaphore_mem>> -> memref<!tpu.dma_semaphore, #tpu.memory_space<semaphore_mem>>
    %dma_start3A_247 = arith.constant 0 : i32
    %dma_start3A_248 = tpu.memref_slice %arg5[%dma_start3A_239, %dma_start3A_247] : memref<2x16384xf32, #tpu.memory_space<vmem>> -> memref<1x16384xf32, #tpu.memory_space<vmem>>
    %dma_start3A_249 = tpu.memref_squeeze %dma_start3A_248 : memref<1x16384xf32, #tpu.memory_space<vmem>> -> memref<16384xf32, #tpu.memory_space<vmem>>
    %dma_start3A_250 = tpu.memref_slice %arg2[%multiple_of3A_238] : memref<8388608xf32, #tpu.memory_space<hbm>> -> memref<16384xf32, #tpu.memory_space<hbm>>
    tpu.enqueue_dma source(%dma_start3A_250 : memref<16384xf32, #tpu.memory_space<hbm>>) target(%dma_start3A_249 : memref<16384xf32, #tpu.memory_space<vmem>>) target_semaphore(%dma_start3A_246 : memref<!tpu.dma_semaphore, #tpu.memory_space<semaphore_mem>>)
    %add3A_251 = arith.constant 0 : i32
    %add3A_252 = arith.addi %add3A_251, %multiple_of3A : i32
    %add3A_253 = arith.constant 49152 : i32
    %add3A_254 = arith.addi %add3A_252, %add3A_253 : i32
    %multiple_of3A_255 = tpu.assume_multiple %add3A_254, 16384 : i32
    %dma_wait3A_256 = arith.constant 1 : i32
    %dma_wait3A_257 = arith.constant 1 : i32
    %dma_wait3A_258 = arith.constant 0 : i32
    %dma_wait3A_259 = tpu.memref_slice %arg5[%dma_wait3A_256, %dma_wait3A_258] : memref<2x16384xf32, #tpu.memory_space<vmem>> -> memref<1x16384xf32, #tpu.memory_space<vmem>>
    %dma_wait3A_260 = tpu.memref_squeeze %dma_wait3A_259 : memref<1x16384xf32, #tpu.memory_space<vmem>> -> memref<16384xf32, #tpu.memory_space<vmem>>
    %dma_wait3A_261 = tpu.memref_slice %arg2[%multiple_of3A_255] : memref<8388608xf32, #tpu.memory_space<hbm>> -> memref<16384xf32, #tpu.memory_space<hbm>>
    %dma_wait3A_262 = tpu.memref_slice %arg7[%dma_wait3A_257] : memref<2x!tpu.dma_semaphore, #tpu.memory_space<semaphore_mem>> -> memref<1x!tpu.dma_semaphore, #tpu.memory_space<semaphore_mem>>
    %dma_wait3A_263 = tpu.memref_squeeze %dma_wait3A_262 : memref<1x!tpu.dma_semaphore, #tpu.memory_space<semaphore_mem>> -> memref<!tpu.dma_semaphore, #tpu.memory_space<semaphore_mem>>
    %dma_wait3A_264 = arith.constant 0 : i32
    %dma_wait3A_265 = tpu.memref_slice %arg5[%dma_wait3A_256, %dma_wait3A_264] : memref<2x16384xf32, #tpu.memory_space<vmem>> -> memref<1x16384xf32, #tpu.memory_space<vmem>>
    %dma_wait3A_266 = tpu.memref_squeeze %dma_wait3A_265 : memref<1x16384xf32, #tpu.memory_space<vmem>> -> memref<16384xf32, #tpu.memory_space<vmem>>
    %dma_wait3A_267 = tpu.memref_slice %arg2[%multiple_of3A_255] : memref<8388608xf32, #tpu.memory_space<hbm>> -> memref<16384xf32, #tpu.memory_space<hbm>>
    tpu.wait_dma2 semaphore(%dma_wait3A_263 : memref<!tpu.dma_semaphore, #tpu.memory_space<semaphore_mem>>) src(%dma_wait3A_267 : memref<16384xf32, #tpu.memory_space<hbm>>) dst(%dma_wait3A_266 : memref<16384xf32, #tpu.memory_space<vmem>>)
    %parallel_loop3A_268 = arith.constant 0 : i32
    %parallel_loop3A_269 = arith.constant 1024 : i32
    %parallel_loop3A_270 = arith.constant 1 : i32
    scf.for %parallel_loop3A_1140 = %parallel_loop3A_268 to %parallel_loop3A_269 step %parallel_loop3A_270  : i32 {
      %parallel_loop3A_1141 = arith.constant 16 : i32
      %parallel_loop3A_1142 = arith.muli %parallel_loop3A_1140, %parallel_loop3A_1141 : i32
      %parallel_loop3A_1143 = arith.constant 49152 : i32
      %parallel_loop3A_1144 = arith.addi %parallel_loop3A_1143, %parallel_loop3A_1142 : i32
      %parallel_loop3A_1145 = arith.index_cast %parallel_loop3A_1144 : i32 to index
      %parallel_loop3A_1146 = tpu.vector_load %arg6[%parallel_loop3A_1145] {strides = array<i32>} : memref<65536xf32, #tpu.memory_space<vmem>>, vector<16xf32>,
      %parallel_loop3A_1147 = vector.shape_cast %parallel_loop3A_1146 : vector<16xf32> to vector<16xf32>
      %parallel_loop3A_1148 = arith.constant 1 : i32
      %parallel_loop3A_1149 = arith.index_cast %parallel_loop3A_1148 : i32 to index
      %parallel_loop3A_1150 = arith.index_cast %parallel_loop3A_1142 : i32 to index
      %parallel_loop3A_1151 = tpu.vector_load %arg5[%parallel_loop3A_1149, %parallel_loop3A_1150] {strides = array<i32>} : memref<2x16384xf32, #tpu.memory_space<vmem>>, vector<1x16xf32>,
      %parallel_loop3A_1152 = vector.shape_cast %parallel_loop3A_1151 : vector<1x16xf32> to vector<16xf32>
      %parallel_loop3A_1153 = vector.shape_cast %parallel_loop3A_1147 : vector<16xf32> to vector<1x16xf32>
      tpu.vector_store %arg5[%parallel_loop3A_1149, %parallel_loop3A_1150], %parallel_loop3A_1153 {add = true, strides = array<i32>} : memref<2x16384xf32, #tpu.memory_space<vmem>>, vector<1x16xf32>,
    } {sc.loop_unroll_factor = 8 : i64, sc.parallel_access}
    %add3A_271 = arith.constant 0 : i32
    %add3A_272 = arith.addi %add3A_271, %multiple_of3A : i32
    %add3A_273 = arith.constant 49152 : i32
    %add3A_274 = arith.addi %add3A_272, %add3A_273 : i32
    %multiple_of3A_275 = tpu.assume_multiple %add3A_274, 16384 : i32
    %dma_start3A_276 = arith.constant 1 : i32
    %dma_start3A_277 = arith.constant 1 : i32
    %dma_start3A_278 = arith.constant 0 : i32
    %dma_start3A_279 = tpu.memref_slice %arg5[%dma_start3A_276, %dma_start3A_278] : memref<2x16384xf32, #tpu.memory_space<vmem>> -> memref<1x16384xf32, #tpu.memory_space<vmem>>
    %dma_start3A_280 = tpu.memref_squeeze %dma_start3A_279 : memref<1x16384xf32, #tpu.memory_space<vmem>> -> memref<16384xf32, #tpu.memory_space<vmem>>
    %dma_start3A_281 = tpu.memref_slice %arg4[%multiple_of3A_275] : memref<8388608xf32, #tpu.memory_space<hbm>> -> memref<16384xf32, #tpu.memory_space<hbm>>
    %dma_start3A_282 = tpu.memref_slice %arg9[%dma_start3A_277] : memref<2x!tpu.dma_semaphore, #tpu.memory_space<semaphore_mem>> -> memref<1x!tpu.dma_semaphore, #tpu.memory_space<semaphore_mem>>
    %dma_start3A_283 = tpu.memref_squeeze %dma_start3A_282 : memref<1x!tpu.dma_semaphore, #tpu.memory_space<semaphore_mem>> -> memref<!tpu.dma_semaphore, #tpu.memory_space<semaphore_mem>>
    %dma_start3A_284 = tpu.memref_slice %arg4[%multiple_of3A_275] : memref<8388608xf32, #tpu.memory_space<hbm>> -> memref<16384xf32, #tpu.memory_space<hbm>>
    %dma_start3A_285 = arith.constant 0 : i32
    %dma_start3A_286 = tpu.memref_slice %arg5[%dma_start3A_276, %dma_start3A_285] : memref<2x16384xf32, #tpu.memory_space<vmem>> -> memref<1x16384xf32, #tpu.memory_space<vmem>>
    %dma_start3A_287 = tpu.memref_squeeze %dma_start3A_286 : memref<1x16384xf32, #tpu.memory_space<vmem>> -> memref<16384xf32, #tpu.memory_space<vmem>>
    tpu.enqueue_dma source(%dma_start3A_287 : memref<16384xf32, #tpu.memory_space<vmem>>) target(%dma_start3A_284 : memref<16384xf32, #tpu.memory_space<hbm>>) target_semaphore(%dma_start3A_283 : memref<!tpu.dma_semaphore, #tpu.memory_space<semaphore_mem>>)
    %add3A_288 = arith.constant 0 : i32
    %add3A_289 = arith.addi %add3A_288, %multiple_of3A : i32
    %add3A_290 = arith.constant 49152 : i32
    %add3A_291 = arith.addi %add3A_289, %add3A_290 : i32
    %multiple_of3A_292 = tpu.assume_multiple %add3A_291, 16384 : i32
    %dma_wait3A_293 = arith.constant 1 : i32
    %dma_wait3A_294 = arith.constant 1 : i32
    %dma_wait3A_295 = arith.constant 0 : i32
    %dma_wait3A_296 = tpu.memref_slice %arg5[%dma_wait3A_293, %dma_wait3A_295] : memref<2x16384xf32, #tpu.memory_space<vmem>> -> memref<1x16384xf32, #tpu.memory_space<vmem>>
    %dma_wait3A_297 = tpu.memref_squeeze %dma_wait3A_296 : memref<1x16384xf32, #tpu.memory_space<vmem>> -> memref<16384xf32, #tpu.memory_space<vmem>>
    %dma_wait3A_298 = tpu.memref_slice %arg4[%multiple_of3A_292] : memref<8388608xf32, #tpu.memory_space<hbm>> -> memref<16384xf32, #tpu.memory_space<hbm>>
    %dma_wait3A_299 = tpu.memref_slice %arg9[%dma_wait3A_294] : memref<2x!tpu.dma_semaphore, #tpu.memory_space<semaphore_mem>> -> memref<1x!tpu.dma_semaphore, #tpu.memory_space<semaphore_mem>>
    %dma_wait3A_300 = tpu.memref_squeeze %dma_wait3A_299 : memref<1x!tpu.dma_semaphore, #tpu.memory_space<semaphore_mem>> -> memref<!tpu.dma_semaphore, #tpu.memory_space<semaphore_mem>>
    %dma_wait3A_301 = tpu.memref_slice %arg4[%multiple_of3A_292] : memref<8388608xf32, #tpu.memory_space<hbm>> -> memref<16384xf32, #tpu.memory_space<hbm>>
    %dma_wait3A_302 = arith.constant 0 : i32
    %dma_wait3A_303 = tpu.memref_slice %arg5[%dma_wait3A_293, %dma_wait3A_302] : memref<2x16384xf32, #tpu.memory_space<vmem>> -> memref<1x16384xf32, #tpu.memory_space<vmem>>
    %dma_wait3A_304 = tpu.memref_squeeze %dma_wait3A_303 : memref<1x16384xf32, #tpu.memory_space<vmem>> -> memref<16384xf32, #tpu.memory_space<vmem>>
    tpu.wait_dma2 semaphore(%dma_wait3A_300 : memref<!tpu.dma_semaphore, #tpu.memory_space<semaphore_mem>>) src(%dma_wait3A_304 : memref<16384xf32, #tpu.memory_space<vmem>>) dst(%dma_wait3A_301 : memref<16384xf32, #tpu.memory_space<hbm>>)
    %add3A_305 = arith.constant 2097152 : i32
    %add3A_306 = arith.addi %add3A_305, %multiple_of3A : i32
    %add3A_307 = arith.constant 16384 : i32
    %add3A_308 = arith.addi %add3A_306, %add3A_307 : i32
    %multiple_of3A_309 = tpu.assume_multiple %add3A_308, 16384 : i32
    %dma_start3A_310 = arith.constant 1 : i32
    %dma_start3A_311 = arith.constant 1 : i32
    %dma_start3A_312 = arith.constant 0 : i32
    %dma_start3A_313 = tpu.memref_slice %arg5[%dma_start3A_310, %dma_start3A_312] : memref<2x16384xf32, #tpu.memory_space<vmem>> -> memref<1x16384xf32, #tpu.memory_space<vmem>>
    %dma_start3A_314 = tpu.memref_squeeze %dma_start3A_313 : memref<1x16384xf32, #tpu.memory_space<vmem>> -> memref<16384xf32, #tpu.memory_space<vmem>>
    %dma_start3A_315 = tpu.memref_slice %arg2[%multiple_of3A_309] : memref<8388608xf32, #tpu.memory_space<hbm>> -> memref<16384xf32, #tpu.memory_space<hbm>>
    %dma_start3A_316 = tpu.memref_slice %arg7[%dma_start3A_311] : memref<2x!tpu.dma_semaphore, #tpu.memory_space<semaphore_mem>> -> memref<1x!tpu.dma_semaphore, #tpu.memory_space<semaphore_mem>>
    %dma_start3A_317 = tpu.memref_squeeze %dma_start3A_316 : memref<1x!tpu.dma_semaphore, #tpu.memory_space<semaphore_mem>> -> memref<!tpu.dma_semaphore, #tpu.memory_space<semaphore_mem>>
    %dma_start3A_318 = arith.constant 0 : i32
    %dma_start3A_319 = tpu.memref_slice %arg5[%dma_start3A_310, %dma_start3A_318] : memref<2x16384xf32, #tpu.memory_space<vmem>> -> memref<1x16384xf32, #tpu.memory_space<vmem>>
    %dma_start3A_320 = tpu.memref_squeeze %dma_start3A_319 : memref<1x16384xf32, #tpu.memory_space<vmem>> -> memref<16384xf32, #tpu.memory_space<vmem>>
    %dma_start3A_321 = tpu.memref_slice %arg2[%multiple_of3A_309] : memref<8388608xf32, #tpu.memory_space<hbm>> -> memref<16384xf32, #tpu.memory_space<hbm>>
    tpu.enqueue_dma source(%dma_start3A_321 : memref<16384xf32, #tpu.memory_space<hbm>>) target(%dma_start3A_320 : memref<16384xf32, #tpu.memory_space<vmem>>) target_semaphore(%dma_start3A_317 : memref<!tpu.dma_semaphore, #tpu.memory_space<semaphore_mem>>)
    %add3A_322 = arith.constant 2097152 : i32
    %add3A_323 = arith.addi %add3A_322, %multiple_of3A : i32
    %add3A_324 = arith.constant 0 : i32
    %add3A_325 = arith.addi %add3A_323, %add3A_324 : i32
    %multiple_of3A_326 = tpu.assume_multiple %add3A_325, 16384 : i32
    %dma_wait3A_327 = arith.constant 0 : i32
    %dma_wait3A_328 = arith.constant 0 : i32
    %dma_wait3A_329 = arith.constant 0 : i32
    %dma_wait3A_330 = tpu.memref_slice %arg5[%dma_wait3A_327, %dma_wait3A_329] : memref<2x16384xf32, #tpu.memory_space<vmem>> -> memref<1x16384xf32, #tpu.memory_space<vmem>>
    %dma_wait3A_331 = tpu.memref_squeeze %dma_wait3A_330 : memref<1x16384xf32, #tpu.memory_space<vmem>> -> memref<16384xf32, #tpu.memory_space<vmem>>
    %dma_wait3A_332 = tpu.memref_slice %arg2[%multiple_of3A_326] : memref<8388608xf32, #tpu.memory_space<hbm>> -> memref<16384xf32, #tpu.memory_space<hbm>>
    %dma_wait3A_333 = tpu.memref_slice %arg7[%dma_wait3A_328] : memref<2x!tpu.dma_semaphore, #tpu.memory_space<semaphore_mem>> -> memref<1x!tpu.dma_semaphore, #tpu.memory_space<semaphore_mem>>
    %dma_wait3A_334 = tpu.memref_squeeze %dma_wait3A_333 : memref<1x!tpu.dma_semaphore, #tpu.memory_space<semaphore_mem>> -> memref<!tpu.dma_semaphore, #tpu.memory_space<semaphore_mem>>
    %dma_wait3A_335 = arith.constant 0 : i32
    %dma_wait3A_336 = tpu.memref_slice %arg5[%dma_wait3A_327, %dma_wait3A_335] : memref<2x16384xf32, #tpu.memory_space<vmem>> -> memref<1x16384xf32, #tpu.memory_space<vmem>>
    %dma_wait3A_337 = tpu.memref_squeeze %dma_wait3A_336 : memref<1x16384xf32, #tpu.memory_space<vmem>> -> memref<16384xf32, #tpu.memory_space<vmem>>
    %dma_wait3A_338 = tpu.memref_slice %arg2[%multiple_of3A_326] : memref<8388608xf32, #tpu.memory_space<hbm>> -> memref<16384xf32, #tpu.memory_space<hbm>>
    tpu.wait_dma2 semaphore(%dma_wait3A_334 : memref<!tpu.dma_semaphore, #tpu.memory_space<semaphore_mem>>) src(%dma_wait3A_338 : memref<16384xf32, #tpu.memory_space<hbm>>) dst(%dma_wait3A_337 : memref<16384xf32, #tpu.memory_space<vmem>>)
    %parallel_loop3A_339 = arith.constant 0 : i32
    %parallel_loop3A_340 = arith.constant 1024 : i32
    %parallel_loop3A_341 = arith.constant 1 : i32
    scf.for %parallel_loop3A_1140 = %parallel_loop3A_339 to %parallel_loop3A_340 step %parallel_loop3A_341  : i32 {
      %parallel_loop3A_1141 = arith.constant 16 : i32
      %parallel_loop3A_1142 = arith.muli %parallel_loop3A_1140, %parallel_loop3A_1141 : i32
      %parallel_loop3A_1143 = arith.constant 0 : i32
      %parallel_loop3A_1144 = arith.addi %parallel_loop3A_1143, %parallel_loop3A_1142 : i32
      %parallel_loop3A_1145 = arith.index_cast %parallel_loop3A_1144 : i32 to index
      %parallel_loop3A_1146 = tpu.vector_load %arg6[%parallel_loop3A_1145] {strides = array<i32>} : memref<65536xf32, #tpu.memory_space<vmem>>, vector<16xf32>,
      %parallel_loop3A_1147 = vector.shape_cast %parallel_loop3A_1146 : vector<16xf32> to vector<16xf32>
      %parallel_loop3A_1148 = arith.constant 0 : i32
      %parallel_loop3A_1149 = arith.index_cast %parallel_loop3A_1148 : i32 to index
      %parallel_loop3A_1150 = arith.index_cast %parallel_loop3A_1142 : i32 to index
      %parallel_loop3A_1151 = tpu.vector_load %arg5[%parallel_loop3A_1149, %parallel_loop3A_1150] {strides = array<i32>} : memref<2x16384xf32, #tpu.memory_space<vmem>>, vector<1x16xf32>,
      %parallel_loop3A_1152 = vector.shape_cast %parallel_loop3A_1151 : vector<1x16xf32> to vector<16xf32>
      %parallel_loop3A_1153 = vector.shape_cast %parallel_loop3A_1147 : vector<16xf32> to vector<1x16xf32>
      tpu.vector_store %arg5[%parallel_loop3A_1149, %parallel_loop3A_1150], %parallel_loop3A_1153 {add = true, strides = array<i32>} : memref<2x16384xf32, #tpu.memory_space<vmem>>, vector<1x16xf32>,
    } {sc.loop_unroll_factor = 8 : i64, sc.parallel_access}
    %add3A_342 = arith.constant 2097152 : i32
    %add3A_343 = arith.addi %add3A_342, %multiple_of3A : i32
    %add3A_344 = arith.constant 0 : i32
    %add3A_345 = arith.addi %add3A_343, %add3A_344 : i32
    %multiple_of3A_346 = tpu.assume_multiple %add3A_345, 16384 : i32
    %dma_start3A_347 = arith.constant 0 : i32
    %dma_start3A_348 = arith.constant 0 : i32
    %dma_start3A_349 = arith.constant 0 : i32
    %dma_start3A_350 = tpu.memref_slice %arg5[%dma_start3A_347, %dma_start3A_349] : memref<2x16384xf32, #tpu.memory_space<vmem>> -> memref<1x16384xf32, #tpu.memory_space<vmem>>
    %dma_start3A_351 = tpu.memref_squeeze %dma_start3A_350 : memref<1x16384xf32, #tpu.memory_space<vmem>> -> memref<16384xf32, #tpu.memory_space<vmem>>
    %dma_start3A_352 = tpu.memref_slice %arg4[%multiple_of3A_346] : memref<8388608xf32, #tpu.memory_space<hbm>> -> memref<16384xf32, #tpu.memory_space<hbm>>
    %dma_start3A_353 = tpu.memref_slice %arg9[%dma_start3A_348] : memref<2x!tpu.dma_semaphore, #tpu.memory_space<semaphore_mem>> -> memref<1x!tpu.dma_semaphore, #tpu.memory_space<semaphore_mem>>
    %dma_start3A_354 = tpu.memref_squeeze %dma_start3A_353 : memref<1x!tpu.dma_semaphore, #tpu.memory_space<semaphore_mem>> -> memref<!tpu.dma_semaphore, #tpu.memory_space<semaphore_mem>>
    %dma_start3A_355 = tpu.memref_slice %arg4[%multiple_of3A_346] : memref<8388608xf32, #tpu.memory_space<hbm>> -> memref<16384xf32, #tpu.memory_space<hbm>>
    %dma_start3A_356 = arith.constant 0 : i32
    %dma_start3A_357 = tpu.memref_slice %arg5[%dma_start3A_347, %dma_start3A_356] : memref<2x16384xf32, #tpu.memory_space<vmem>> -> memref<1x16384xf32, #tpu.memory_space<vmem>>
    %dma_start3A_358 = tpu.memref_squeeze %dma_start3A_357 : memref<1x16384xf32, #tpu.memory_space<vmem>> -> memref<16384xf32, #tpu.memory_space<vmem>>
    tpu.enqueue_dma source(%dma_start3A_358 : memref<16384xf32, #tpu.memory_space<vmem>>) target(%dma_start3A_355 : memref<16384xf32, #tpu.memory_space<hbm>>) target_semaphore(%dma_start3A_354 : memref<!tpu.dma_semaphore, #tpu.memory_space<semaphore_mem>>)
    %add3A_359 = arith.constant 2097152 : i32
    %add3A_360 = arith.addi %add3A_359, %multiple_of3A : i32
    %add3A_361 = arith.constant 0 : i32
    %add3A_362 = arith.addi %add3A_360, %add3A_361 : i32
    %multiple_of3A_363 = tpu.assume_multiple %add3A_362, 16384 : i32
    %dma_wait3A_364 = arith.constant 0 : i32
    %dma_wait3A_365 = arith.constant 0 : i32
    %dma_wait3A_366 = arith.constant 0 : i32
    %dma_wait3A_367 = tpu.memref_slice %arg5[%dma_wait3A_364, %dma_wait3A_366] : memref<2x16384xf32, #tpu.memory_space<vmem>> -> memref<1x16384xf32, #tpu.memory_space<vmem>>
    %dma_wait3A_368 = tpu.memref_squeeze %dma_wait3A_367 : memref<1x16384xf32, #tpu.memory_space<vmem>> -> memref<16384xf32, #tpu.memory_space<vmem>>
    %dma_wait3A_369 = tpu.memref_slice %arg4[%multiple_of3A_363] : memref<8388608xf32, #tpu.memory_space<hbm>> -> memref<16384xf32, #tpu.memory_space<hbm>>
    %dma_wait3A_370 = tpu.memref_slice %arg9[%dma_wait3A_365] : memref<2x!tpu.dma_semaphore, #tpu.memory_space<semaphore_mem>> -> memref<1x!tpu.dma_semaphore, #tpu.memory_space<semaphore_mem>>
    %dma_wait3A_371 = tpu.memref_squeeze %dma_wait3A_370 : memref<1x!tpu.dma_semaphore, #tpu.memory_space<semaphore_mem>> -> memref<!tpu.dma_semaphore, #tpu.memory_space<semaphore_mem>>
    %dma_wait3A_372 = tpu.memref_slice %arg4[%multiple_of3A_363] : memref<8388608xf32, #tpu.memory_space<hbm>> -> memref<16384xf32, #tpu.memory_space<hbm>>
    %dma_wait3A_373 = arith.constant 0 : i32
    %dma_wait3A_374 = tpu.memref_slice %arg5[%dma_wait3A_364, %dma_wait3A_373] : memref<2x16384xf32, #tpu.memory_space<vmem>> -> memref<1x16384xf32, #tpu.memory_space<vmem>>
    %dma_wait3A_375 = tpu.memref_squeeze %dma_wait3A_374 : memref<1x16384xf32, #tpu.memory_space<vmem>> -> memref<16384xf32, #tpu.memory_space<vmem>>
    tpu.wait_dma2 semaphore(%dma_wait3A_371 : memref<!tpu.dma_semaphore, #tpu.memory_space<semaphore_mem>>) src(%dma_wait3A_375 : memref<16384xf32, #tpu.memory_space<vmem>>) dst(%dma_wait3A_372 : memref<16384xf32, #tpu.memory_space<hbm>>)
    %add3A_376 = arith.constant 2097152 : i32
    %add3A_377 = arith.addi %add3A_376, %multiple_of3A : i32
    %add3A_378 = arith.constant 32768 : i32
    %add3A_379 = arith.addi %add3A_377, %add3A_378 : i32
    %multiple_of3A_380 = tpu.assume_multiple %add3A_379, 16384 : i32
    %dma_start3A_381 = arith.constant 0 : i32
    %dma_start3A_382 = arith.constant 0 : i32
    %dma_start3A_383 = arith.constant 0 : i32
    %dma_start3A_384 = tpu.memref_slice %arg5[%dma_start3A_381, %dma_start3A_383] : memref<2x16384xf32, #tpu.memory_space<vmem>> -> memref<1x16384xf32, #tpu.memory_space<vmem>>
    %dma_start3A_385 = tpu.memref_squeeze %dma_start3A_384 : memref<1x16384xf32, #tpu.memory_space<vmem>> -> memref<16384xf32, #tpu.memory_space<vmem>>
    %dma_start3A_386 = tpu.memref_slice %arg2[%multiple_of3A_380] : memref<8388608xf32, #tpu.memory_space<hbm>> -> memref<16384xf32, #tpu.memory_space<hbm>>
    %dma_start3A_387 = tpu.memref_slice %arg7[%dma_start3A_382] : memref<2x!tpu.dma_semaphore, #tpu.memory_space<semaphore_mem>> -> memref<1x!tpu.dma_semaphore, #tpu.memory_space<semaphore_mem>>
    %dma_start3A_388 = tpu.memref_squeeze %dma_start3A_387 : memref<1x!tpu.dma_semaphore, #tpu.memory_space<semaphore_mem>> -> memref<!tpu.dma_semaphore, #tpu.memory_space<semaphore_mem>>
    %dma_start3A_389 = arith.constant 0 : i32
    %dma_start3A_390 = tpu.memref_slice %arg5[%dma_start3A_381, %dma_start3A_389] : memref<2x16384xf32, #tpu.memory_space<vmem>> -> memref<1x16384xf32, #tpu.memory_space<vmem>>
    %dma_start3A_391 = tpu.memref_squeeze %dma_start3A_390 : memref<1x16384xf32, #tpu.memory_space<vmem>> -> memref<16384xf32, #tpu.memory_space<vmem>>
    %dma_start3A_392 = tpu.memref_slice %arg2[%multiple_of3A_380] : memref<8388608xf32, #tpu.memory_space<hbm>> -> memref<16384xf32, #tpu.memory_space<hbm>>
    tpu.enqueue_dma source(%dma_start3A_392 : memref<16384xf32, #tpu.memory_space<hbm>>) target(%dma_start3A_391 : memref<16384xf32, #tpu.memory_space<vmem>>) target_semaphore(%dma_start3A_388 : memref<!tpu.dma_semaphore, #tpu.memory_space<semaphore_mem>>)
    %add3A_393 = arith.constant 2097152 : i32
    %add3A_394 = arith.addi %add3A_393, %multiple_of3A : i32
    %add3A_395 = arith.constant 16384 : i32
    %add3A_396 = arith.addi %add3A_394, %add3A_395 : i32
    %multiple_of3A_397 = tpu.assume_multiple %add3A_396, 16384 : i32
    %dma_wait3A_398 = arith.constant 1 : i32
    %dma_wait3A_399 = arith.constant 1 : i32
    %dma_wait3A_400 = arith.constant 0 : i32
    %dma_wait3A_401 = tpu.memref_slice %arg5[%dma_wait3A_398, %dma_wait3A_400] : memref<2x16384xf32, #tpu.memory_space<vmem>> -> memref<1x16384xf32, #tpu.memory_space<vmem>>
    %dma_wait3A_402 = tpu.memref_squeeze %dma_wait3A_401 : memref<1x16384xf32, #tpu.memory_space<vmem>> -> memref<16384xf32, #tpu.memory_space<vmem>>
    %dma_wait3A_403 = tpu.memref_slice %arg2[%multiple_of3A_397] : memref<8388608xf32, #tpu.memory_space<hbm>> -> memref<16384xf32, #tpu.memory_space<hbm>>
    %dma_wait3A_404 = tpu.memref_slice %arg7[%dma_wait3A_399] : memref<2x!tpu.dma_semaphore, #tpu.memory_space<semaphore_mem>> -> memref<1x!tpu.dma_semaphore, #tpu.memory_space<semaphore_mem>>
    %dma_wait3A_405 = tpu.memref_squeeze %dma_wait3A_404 : memref<1x!tpu.dma_semaphore, #tpu.memory_space<semaphore_mem>> -> memref<!tpu.dma_semaphore, #tpu.memory_space<semaphore_mem>>
    %dma_wait3A_406 = arith.constant 0 : i32
    %dma_wait3A_407 = tpu.memref_slice %arg5[%dma_wait3A_398, %dma_wait3A_406] : memref<2x16384xf32, #tpu.memory_space<vmem>> -> memref<1x16384xf32, #tpu.memory_space<vmem>>
    %dma_wait3A_408 = tpu.memref_squeeze %dma_wait3A_407 : memref<1x16384xf32, #tpu.memory_space<vmem>> -> memref<16384xf32, #tpu.memory_space<vmem>>
    %dma_wait3A_409 = tpu.memref_slice %arg2[%multiple_of3A_397] : memref<8388608xf32, #tpu.memory_space<hbm>> -> memref<16384xf32, #tpu.memory_space<hbm>>
    tpu.wait_dma2 semaphore(%dma_wait3A_405 : memref<!tpu.dma_semaphore, #tpu.memory_space<semaphore_mem>>) src(%dma_wait3A_409 : memref<16384xf32, #tpu.memory_space<hbm>>) dst(%dma_wait3A_408 : memref<16384xf32, #tpu.memory_space<vmem>>)
    %parallel_loop3A_410 = arith.constant 0 : i32
    %parallel_loop3A_411 = arith.constant 1024 : i32
    %parallel_loop3A_412 = arith.constant 1 : i32
    scf.for %parallel_loop3A_1140 = %parallel_loop3A_410 to %parallel_loop3A_411 step %parallel_loop3A_412  : i32 {
      %parallel_loop3A_1141 = arith.constant 16 : i32
      %parallel_loop3A_1142 = arith.muli %parallel_loop3A_1140, %parallel_loop3A_1141 : i32
      %parallel_loop3A_1143 = arith.constant 16384 : i32
      %parallel_loop3A_1144 = arith.addi %parallel_loop3A_1143, %parallel_loop3A_1142 : i32
      %parallel_loop3A_1145 = arith.index_cast %parallel_loop3A_1144 : i32 to index
      %parallel_loop3A_1146 = tpu.vector_load %arg6[%parallel_loop3A_1145] {strides = array<i32>} : memref<65536xf32, #tpu.memory_space<vmem>>, vector<16xf32>,
      %parallel_loop3A_1147 = vector.shape_cast %parallel_loop3A_1146 : vector<16xf32> to vector<16xf32>
      %parallel_loop3A_1148 = arith.constant 1 : i32
      %parallel_loop3A_1149 = arith.index_cast %parallel_loop3A_1148 : i32 to index
      %parallel_loop3A_1150 = arith.index_cast %parallel_loop3A_1142 : i32 to index
      %parallel_loop3A_1151 = tpu.vector_load %arg5[%parallel_loop3A_1149, %parallel_loop3A_1150] {strides = array<i32>} : memref<2x16384xf32, #tpu.memory_space<vmem>>, vector<1x16xf32>,
      %parallel_loop3A_1152 = vector.shape_cast %parallel_loop3A_1151 : vector<1x16xf32> to vector<16xf32>
      %parallel_loop3A_1153 = vector.shape_cast %parallel_loop3A_1147 : vector<16xf32> to vector<1x16xf32>
      tpu.vector_store %arg5[%parallel_loop3A_1149, %parallel_loop3A_1150], %parallel_loop3A_1153 {add = true, strides = array<i32>} : memref<2x16384xf32, #tpu.memory_space<vmem>>, vector<1x16xf32>,
    } {sc.loop_unroll_factor = 8 : i64, sc.parallel_access}
    %add3A_413 = arith.constant 2097152 : i32
    %add3A_414 = arith.addi %add3A_413, %multiple_of3A : i32
    %add3A_415 = arith.constant 16384 : i32
    %add3A_416 = arith.addi %add3A_414, %add3A_415 : i32
    %multiple_of3A_417 = tpu.assume_multiple %add3A_416, 16384 : i32
    %dma_start3A_418 = arith.constant 1 : i32
    %dma_start3A_419 = arith.constant 1 : i32
    %dma_start3A_420 = arith.constant 0 : i32
    %dma_start3A_421 = tpu.memref_slice %arg5[%dma_start3A_418, %dma_start3A_420] : memref<2x16384xf32, #tpu.memory_space<vmem>> -> memref<1x16384xf32, #tpu.memory_space<vmem>>
    %dma_start3A_422 = tpu.memref_squeeze %dma_start3A_421 : memref<1x16384xf32, #tpu.memory_space<vmem>> -> memref<16384xf32, #tpu.memory_space<vmem>>
    %dma_start3A_423 = tpu.memref_slice %arg4[%multiple_of3A_417] : memref<8388608xf32, #tpu.memory_space<hbm>> -> memref<16384xf32, #tpu.memory_space<hbm>>
    %dma_start3A_424 = tpu.memref_slice %arg9[%dma_start3A_419] : memref<2x!tpu.dma_semaphore, #tpu.memory_space<semaphore_mem>> -> memref<1x!tpu.dma_semaphore, #tpu.memory_space<semaphore_mem>>
    %dma_start3A_425 = tpu.memref_squeeze %dma_start3A_424 : memref<1x!tpu.dma_semaphore, #tpu.memory_space<semaphore_mem>> -> memref<!tpu.dma_semaphore, #tpu.memory_space<semaphore_mem>>
    %dma_start3A_426 = tpu.memref_slice %arg4[%multiple_of3A_417] : memref<8388608xf32, #tpu.memory_space<hbm>> -> memref<16384xf32, #tpu.memory_space<hbm>>
    %dma_start3A_427 = arith.constant 0 : i32
    %dma_start3A_428 = tpu.memref_slice %arg5[%dma_start3A_418, %dma_start3A_427] : memref<2x16384xf32, #tpu.memory_space<vmem>> -> memref<1x16384xf32, #tpu.memory_space<vmem>>
    %dma_start3A_429 = tpu.memref_squeeze %dma_start3A_428 : memref<1x16384xf32, #tpu.memory_space<vmem>> -> memref<16384xf32, #tpu.memory_space<vmem>>
    tpu.enqueue_dma source(%dma_start3A_429 : memref<16384xf32, #tpu.memory_space<vmem>>) target(%dma_start3A_426 : memref<16384xf32, #tpu.memory_space<hbm>>) target_semaphore(%dma_start3A_425 : memref<!tpu.dma_semaphore, #tpu.memory_space<semaphore_mem>>)
    %add3A_430 = arith.constant 2097152 : i32
    %add3A_431 = arith.addi %add3A_430, %multiple_of3A : i32
    %add3A_432 = arith.constant 16384 : i32
    %add3A_433 = arith.addi %add3A_431, %add3A_432 : i32
    %multiple_of3A_434 = tpu.assume_multiple %add3A_433, 16384 : i32
    %dma_wait3A_435 = arith.constant 1 : i32
    %dma_wait3A_436 = arith.constant 1 : i32
    %dma_wait3A_437 = arith.constant 0 : i32
    %dma_wait3A_438 = tpu.memref_slice %arg5[%dma_wait3A_435, %dma_wait3A_437] : memref<2x16384xf32, #tpu.memory_space<vmem>> -> memref<1x16384xf32, #tpu.memory_space<vmem>>
    %dma_wait3A_439 = tpu.memref_squeeze %dma_wait3A_438 : memref<1x16384xf32, #tpu.memory_space<vmem>> -> memref<16384xf32, #tpu.memory_space<vmem>>
    %dma_wait3A_440 = tpu.memref_slice %arg4[%multiple_of3A_434] : memref<8388608xf32, #tpu.memory_space<hbm>> -> memref<16384xf32, #tpu.memory_space<hbm>>
    %dma_wait3A_441 = tpu.memref_slice %arg9[%dma_wait3A_436] : memref<2x!tpu.dma_semaphore, #tpu.memory_space<semaphore_mem>> -> memref<1x!tpu.dma_semaphore, #tpu.memory_space<semaphore_mem>>
    %dma_wait3A_442 = tpu.memref_squeeze %dma_wait3A_441 : memref<1x!tpu.dma_semaphore, #tpu.memory_space<semaphore_mem>> -> memref<!tpu.dma_semaphore, #tpu.memory_space<semaphore_mem>>
    %dma_wait3A_443 = tpu.memref_slice %arg4[%multiple_of3A_434] : memref<8388608xf32, #tpu.memory_space<hbm>> -> memref<16384xf32, #tpu.memory_space<hbm>>
    %dma_wait3A_444 = arith.constant 0 : i32
    %dma_wait3A_445 = tpu.memref_slice %arg5[%dma_wait3A_435, %dma_wait3A_444] : memref<2x16384xf32, #tpu.memory_space<vmem>> -> memref<1x16384xf32, #tpu.memory_space<vmem>>
    %dma_wait3A_446 = tpu.memref_squeeze %dma_wait3A_445 : memref<1x16384xf32, #tpu.memory_space<vmem>> -> memref<16384xf32, #tpu.memory_space<vmem>>
    tpu.wait_dma2 semaphore(%dma_wait3A_442 : memref<!tpu.dma_semaphore, #tpu.memory_space<semaphore_mem>>) src(%dma_wait3A_446 : memref<16384xf32, #tpu.memory_space<vmem>>) dst(%dma_wait3A_443 : memref<16384xf32, #tpu.memory_space<hbm>>)
    %add3A_447 = arith.constant 2097152 : i32
    %add3A_448 = arith.addi %add3A_447, %multiple_of3A : i32
    %add3A_449 = arith.constant 49152 : i32
    %add3A_450 = arith.addi %add3A_448, %add3A_449 : i32
    %multiple_of3A_451 = tpu.assume_multiple %add3A_450, 16384 : i32
    %dma_start3A_452 = arith.constant 1 : i32
    %dma_start3A_453 = arith.constant 1 : i32
    %dma_start3A_454 = arith.constant 0 : i32
    %dma_start3A_455 = tpu.memref_slice %arg5[%dma_start3A_452, %dma_start3A_454] : memref<2x16384xf32, #tpu.memory_space<vmem>> -> memref<1x16384xf32, #tpu.memory_space<vmem>>
    %dma_start3A_456 = tpu.memref_squeeze %dma_start3A_455 : memref<1x16384xf32, #tpu.memory_space<vmem>> -> memref<16384xf32, #tpu.memory_space<vmem>>
    %dma_start3A_457 = tpu.memref_slice %arg2[%multiple_of3A_451] : memref<8388608xf32, #tpu.memory_space<hbm>> -> memref<16384xf32, #tpu.memory_space<hbm>>
    %dma_start3A_458 = tpu.memref_slice %arg7[%dma_start3A_453] : memref<2x!tpu.dma_semaphore, #tpu.memory_space<semaphore_mem>> -> memref<1x!tpu.dma_semaphore, #tpu.memory_space<semaphore_mem>>
    %dma_start3A_459 = tpu.memref_squeeze %dma_start3A_458 : memref<1x!tpu.dma_semaphore, #tpu.memory_space<semaphore_mem>> -> memref<!tpu.dma_semaphore, #tpu.memory_space<semaphore_mem>>
    %dma_start3A_460 = arith.constant 0 : i32
    %dma_start3A_461 = tpu.memref_slice %arg5[%dma_start3A_452, %dma_start3A_460] : memref<2x16384xf32, #tpu.memory_space<vmem>> -> memref<1x16384xf32, #tpu.memory_space<vmem>>
    %dma_start3A_462 = tpu.memref_squeeze %dma_start3A_461 : memref<1x16384xf32, #tpu.memory_space<vmem>> -> memref<16384xf32, #tpu.memory_space<vmem>>
    %dma_start3A_463 = tpu.memref_slice %arg2[%multiple_of3A_451] : memref<8388608xf32, #tpu.memory_space<hbm>> -> memref<16384xf32, #tpu.memory_space<hbm>>
    tpu.enqueue_dma source(%dma_start3A_463 : memref<16384xf32, #tpu.memory_space<hbm>>) target(%dma_start3A_462 : memref<16384xf32, #tpu.memory_space<vmem>>) target_semaphore(%dma_start3A_459 : memref<!tpu.dma_semaphore, #tpu.memory_space<semaphore_mem>>)
    %add3A_464 = arith.constant 2097152 : i32
    %add3A_465 = arith.addi %add3A_464, %multiple_of3A : i32
    %add3A_466 = arith.constant 32768 : i32
    %add3A_467 = arith.addi %add3A_465, %add3A_466 : i32
    %multiple_of3A_468 = tpu.assume_multiple %add3A_467, 16384 : i32
    %dma_wait3A_469 = arith.constant 0 : i32
    %dma_wait3A_470 = arith.constant 0 : i32
    %dma_wait3A_471 = arith.constant 0 : i32
    %dma_wait3A_472 = tpu.memref_slice %arg5[%dma_wait3A_469, %dma_wait3A_471] : memref<2x16384xf32, #tpu.memory_space<vmem>> -> memref<1x16384xf32, #tpu.memory_space<vmem>>
    %dma_wait3A_473 = tpu.memref_squeeze %dma_wait3A_472 : memref<1x16384xf32, #tpu.memory_space<vmem>> -> memref<16384xf32, #tpu.memory_space<vmem>>
    %dma_wait3A_474 = tpu.memref_slice %arg2[%multiple_of3A_468] : memref<8388608xf32, #tpu.memory_space<hbm>> -> memref<16384xf32, #tpu.memory_space<hbm>>
    %dma_wait3A_475 = tpu.memref_slice %arg7[%dma_wait3A_470] : memref<2x!tpu.dma_semaphore, #tpu.memory_space<semaphore_mem>> -> memref<1x!tpu.dma_semaphore, #tpu.memory_space<semaphore_mem>>
    %dma_wait3A_476 = tpu.memref_squeeze %dma_wait3A_475 : memref<1x!tpu.dma_semaphore, #tpu.memory_space<semaphore_mem>> -> memref<!tpu.dma_semaphore, #tpu.memory_space<semaphore_mem>>
    %dma_wait3A_477 = arith.constant 0 : i32
    %dma_wait3A_478 = tpu.memref_slice %arg5[%dma_wait3A_469, %dma_wait3A_477] : memref<2x16384xf32, #tpu.memory_space<vmem>> -> memref<1x16384xf32, #tpu.memory_space<vmem>>
    %dma_wait3A_479 = tpu.memref_squeeze %dma_wait3A_478 : memref<1x16384xf32, #tpu.memory_space<vmem>> -> memref<16384xf32, #tpu.memory_space<vmem>>
    %dma_wait3A_480 = tpu.memref_slice %arg2[%multiple_of3A_468] : memref<8388608xf32, #tpu.memory_space<hbm>> -> memref<16384xf32, #tpu.memory_space<hbm>>
    tpu.wait_dma2 semaphore(%dma_wait3A_476 : memref<!tpu.dma_semaphore, #tpu.memory_space<semaphore_mem>>) src(%dma_wait3A_480 : memref<16384xf32, #tpu.memory_space<hbm>>) dst(%dma_wait3A_479 : memref<16384xf32, #tpu.memory_space<vmem>>)
    %parallel_loop3A_481 = arith.constant 0 : i32
    %parallel_loop3A_482 = arith.constant 1024 : i32
    %parallel_loop3A_483 = arith.constant 1 : i32
    scf.for %parallel_loop3A_1140 = %parallel_loop3A_481 to %parallel_loop3A_482 step %parallel_loop3A_483  : i32 {
      %parallel_loop3A_1141 = arith.constant 16 : i32
      %parallel_loop3A_1142 = arith.muli %parallel_loop3A_1140, %parallel_loop3A_1141 : i32
      %parallel_loop3A_1143 = arith.constant 32768 : i32
      %parallel_loop3A_1144 = arith.addi %parallel_loop3A_1143, %parallel_loop3A_1142 : i32
      %parallel_loop3A_1145 = arith.index_cast %parallel_loop3A_1144 : i32 to index
      %parallel_loop3A_1146 = tpu.vector_load %arg6[%parallel_loop3A_1145] {strides = array<i32>} : memref<65536xf32, #tpu.memory_space<vmem>>, vector<16xf32>,
      %parallel_loop3A_1147 = vector.shape_cast %parallel_loop3A_1146 : vector<16xf32> to vector<16xf32>
      %parallel_loop3A_1148 = arith.constant 0 : i32
      %parallel_loop3A_1149 = arith.index_cast %parallel_loop3A_1148 : i32 to index
      %parallel_loop3A_1150 = arith.index_cast %parallel_loop3A_1142 : i32 to index
      %parallel_loop3A_1151 = tpu.vector_load %arg5[%parallel_loop3A_1149, %parallel_loop3A_1150] {strides = array<i32>} : memref<2x16384xf32, #tpu.memory_space<vmem>>, vector<1x16xf32>,
      %parallel_loop3A_1152 = vector.shape_cast %parallel_loop3A_1151 : vector<1x16xf32> to vector<16xf32>
      %parallel_loop3A_1153 = vector.shape_cast %parallel_loop3A_1147 : vector<16xf32> to vector<1x16xf32>
      tpu.vector_store %arg5[%parallel_loop3A_1149, %parallel_loop3A_1150], %parallel_loop3A_1153 {add = true, strides = array<i32>} : memref<2x16384xf32, #tpu.memory_space<vmem>>, vector<1x16xf32>,
    } {sc.loop_unroll_factor = 8 : i64, sc.parallel_access}
    %add3A_484 = arith.constant 2097152 : i32
    %add3A_485 = arith.addi %add3A_484, %multiple_of3A : i32
    %add3A_486 = arith.constant 32768 : i32
    %add3A_487 = arith.addi %add3A_485, %add3A_486 : i32
    %multiple_of3A_488 = tpu.assume_multiple %add3A_487, 16384 : i32
    %dma_start3A_489 = arith.constant 0 : i32
    %dma_start3A_490 = arith.constant 0 : i32
    %dma_start3A_491 = arith.constant 0 : i32
    %dma_start3A_492 = tpu.memref_slice %arg5[%dma_start3A_489, %dma_start3A_491] : memref<2x16384xf32, #tpu.memory_space<vmem>> -> memref<1x16384xf32, #tpu.memory_space<vmem>>
    %dma_start3A_493 = tpu.memref_squeeze %dma_start3A_492 : memref<1x16384xf32, #tpu.memory_space<vmem>> -> memref<16384xf32, #tpu.memory_space<vmem>>
    %dma_start3A_494 = tpu.memref_slice %arg4[%multiple_of3A_488] : memref<8388608xf32, #tpu.memory_space<hbm>> -> memref<16384xf32, #tpu.memory_space<hbm>>
    %dma_start3A_495 = tpu.memref_slice %arg9[%dma_start3A_490] : memref<2x!tpu.dma_semaphore, #tpu.memory_space<semaphore_mem>> -> memref<1x!tpu.dma_semaphore, #tpu.memory_space<semaphore_mem>>
    %dma_start3A_496 = tpu.memref_squeeze %dma_start3A_495 : memref<1x!tpu.dma_semaphore, #tpu.memory_space<semaphore_mem>> -> memref<!tpu.dma_semaphore, #tpu.memory_space<semaphore_mem>>
    %dma_start3A_497 = tpu.memref_slice %arg4[%multiple_of3A_488] : memref<8388608xf32, #tpu.memory_space<hbm>> -> memref<16384xf32, #tpu.memory_space<hbm>>
    %dma_start3A_498 = arith.constant 0 : i32
    %dma_start3A_499 = tpu.memref_slice %arg5[%dma_start3A_489, %dma_start3A_498] : memref<2x16384xf32, #tpu.memory_space<vmem>> -> memref<1x16384xf32, #tpu.memory_space<vmem>>
    %dma_start3A_500 = tpu.memref_squeeze %dma_start3A_499 : memref<1x16384xf32, #tpu.memory_space<vmem>> -> memref<16384xf32, #tpu.memory_space<vmem>>
    tpu.enqueue_dma source(%dma_start3A_500 : memref<16384xf32, #tpu.memory_space<vmem>>) target(%dma_start3A_497 : memref<16384xf32, #tpu.memory_space<hbm>>) target_semaphore(%dma_start3A_496 : memref<!tpu.dma_semaphore, #tpu.memory_space<semaphore_mem>>)
    %add3A_501 = arith.constant 2097152 : i32
    %add3A_502 = arith.addi %add3A_501, %multiple_of3A : i32
    %add3A_503 = arith.constant 32768 : i32
    %add3A_504 = arith.addi %add3A_502, %add3A_503 : i32
    %multiple_of3A_505 = tpu.assume_multiple %add3A_504, 16384 : i32
    %dma_wait3A_506 = arith.constant 0 : i32
    %dma_wait3A_507 = arith.constant 0 : i32
    %dma_wait3A_508 = arith.constant 0 : i32
    %dma_wait3A_509 = tpu.memref_slice %arg5[%dma_wait3A_506, %dma_wait3A_508] : memref<2x16384xf32, #tpu.memory_space<vmem>> -> memref<1x16384xf32, #tpu.memory_space<vmem>>
    %dma_wait3A_510 = tpu.memref_squeeze %dma_wait3A_509 : memref<1x16384xf32, #tpu.memory_space<vmem>> -> memref<16384xf32, #tpu.memory_space<vmem>>
    %dma_wait3A_511 = tpu.memref_slice %arg4[%multiple_of3A_505] : memref<8388608xf32, #tpu.memory_space<hbm>> -> memref<16384xf32, #tpu.memory_space<hbm>>
    %dma_wait3A_512 = tpu.memref_slice %arg9[%dma_wait3A_507] : memref<2x!tpu.dma_semaphore, #tpu.memory_space<semaphore_mem>> -> memref<1x!tpu.dma_semaphore, #tpu.memory_space<semaphore_mem>>
    %dma_wait3A_513 = tpu.memref_squeeze %dma_wait3A_512 : memref<1x!tpu.dma_semaphore, #tpu.memory_space<semaphore_mem>> -> memref<!tpu.dma_semaphore, #tpu.memory_space<semaphore_mem>>
    %dma_wait3A_514 = tpu.memref_slice %arg4[%multiple_of3A_505] : memref<8388608xf32, #tpu.memory_space<hbm>> -> memref<16384xf32, #tpu.memory_space<hbm>>
    %dma_wait3A_515 = arith.constant 0 : i32
    %dma_wait3A_516 = tpu.memref_slice %arg5[%dma_wait3A_506, %dma_wait3A_515] : memref<2x16384xf32, #tpu.memory_space<vmem>> -> memref<1x16384xf32, #tpu.memory_space<vmem>>
    %dma_wait3A_517 = tpu.memref_squeeze %dma_wait3A_516 : memref<1x16384xf32, #tpu.memory_space<vmem>> -> memref<16384xf32, #tpu.memory_space<vmem>>
    tpu.wait_dma2 semaphore(%dma_wait3A_513 : memref<!tpu.dma_semaphore, #tpu.memory_space<semaphore_mem>>) src(%dma_wait3A_517 : memref<16384xf32, #tpu.memory_space<vmem>>) dst(%dma_wait3A_514 : memref<16384xf32, #tpu.memory_space<hbm>>)
    %add3A_518 = arith.constant 4194304 : i32
    %add3A_519 = arith.addi %add3A_518, %multiple_of3A : i32
    %add3A_520 = arith.constant 0 : i32
    %add3A_521 = arith.addi %add3A_519, %add3A_520 : i32
    %multiple_of3A_522 = tpu.assume_multiple %add3A_521, 16384 : i32
    %dma_start3A_523 = arith.constant 0 : i32
    %dma_start3A_524 = arith.constant 0 : i32
    %dma_start3A_525 = arith.constant 0 : i32
    %dma_start3A_526 = tpu.memref_slice %arg5[%dma_start3A_523, %dma_start3A_525] : memref<2x16384xf32, #tpu.memory_space<vmem>> -> memref<1x16384xf32, #tpu.memory_space<vmem>>
    %dma_start3A_527 = tpu.memref_squeeze %dma_start3A_526 : memref<1x16384xf32, #tpu.memory_space<vmem>> -> memref<16384xf32, #tpu.memory_space<vmem>>
    %dma_start3A_528 = tpu.memref_slice %arg2[%multiple_of3A_522] : memref<8388608xf32, #tpu.memory_space<hbm>> -> memref<16384xf32, #tpu.memory_space<hbm>>
    %dma_start3A_529 = tpu.memref_slice %arg7[%dma_start3A_524] : memref<2x!tpu.dma_semaphore, #tpu.memory_space<semaphore_mem>> -> memref<1x!tpu.dma_semaphore, #tpu.memory_space<semaphore_mem>>
    %dma_start3A_530 = tpu.memref_squeeze %dma_start3A_529 : memref<1x!tpu.dma_semaphore, #tpu.memory_space<semaphore_mem>> -> memref<!tpu.dma_semaphore, #tpu.memory_space<semaphore_mem>>
    %dma_start3A_531 = arith.constant 0 : i32
    %dma_start3A_532 = tpu.memref_slice %arg5[%dma_start3A_523, %dma_start3A_531] : memref<2x16384xf32, #tpu.memory_space<vmem>> -> memref<1x16384xf32, #tpu.memory_space<vmem>>
    %dma_start3A_533 = tpu.memref_squeeze %dma_start3A_532 : memref<1x16384xf32, #tpu.memory_space<vmem>> -> memref<16384xf32, #tpu.memory_space<vmem>>
    %dma_start3A_534 = tpu.memref_slice %arg2[%multiple_of3A_522] : memref<8388608xf32, #tpu.memory_space<hbm>> -> memref<16384xf32, #tpu.memory_space<hbm>>
    tpu.enqueue_dma source(%dma_start3A_534 : memref<16384xf32, #tpu.memory_space<hbm>>) target(%dma_start3A_533 : memref<16384xf32, #tpu.memory_space<vmem>>) target_semaphore(%dma_start3A_530 : memref<!tpu.dma_semaphore, #tpu.memory_space<semaphore_mem>>)
    %add3A_535 = arith.constant 2097152 : i32
    %add3A_536 = arith.addi %add3A_535, %multiple_of3A : i32
    %add3A_537 = arith.constant 49152 : i32
    %add3A_538 = arith.addi %add3A_536, %add3A_537 : i32
    %multiple_of3A_539 = tpu.assume_multiple %add3A_538, 16384 : i32
    %dma_wait3A_540 = arith.constant 1 : i32
    %dma_wait3A_541 = arith.constant 1 : i32
    %dma_wait3A_542 = arith.constant 0 : i32
    %dma_wait3A_543 = tpu.memref_slice %arg5[%dma_wait3A_540, %dma_wait3A_542] : memref<2x16384xf32, #tpu.memory_space<vmem>> -> memref<1x16384xf32, #tpu.memory_space<vmem>>
    %dma_wait3A_544 = tpu.memref_squeeze %dma_wait3A_543 : memref<1x16384xf32, #tpu.memory_space<vmem>> -> memref<16384xf32, #tpu.memory_space<vmem>>
    %dma_wait3A_545 = tpu.memref_slice %arg2[%multiple_of3A_539] : memref<8388608xf32, #tpu.memory_space<hbm>> -> memref<16384xf32, #tpu.memory_space<hbm>>
    %dma_wait3A_546 = tpu.memref_slice %arg7[%dma_wait3A_541] : memref<2x!tpu.dma_semaphore, #tpu.memory_space<semaphore_mem>> -> memref<1x!tpu.dma_semaphore, #tpu.memory_space<semaphore_mem>>
    %dma_wait3A_547 = tpu.memref_squeeze %dma_wait3A_546 : memref<1x!tpu.dma_semaphore, #tpu.memory_space<semaphore_mem>> -> memref<!tpu.dma_semaphore, #tpu.memory_space<semaphore_mem>>
    %dma_wait3A_548 = arith.constant 0 : i32
    %dma_wait3A_549 = tpu.memref_slice %arg5[%dma_wait3A_540, %dma_wait3A_548] : memref<2x16384xf32, #tpu.memory_space<vmem>> -> memref<1x16384xf32, #tpu.memory_space<vmem>>
    %dma_wait3A_550 = tpu.memref_squeeze %dma_wait3A_549 : memref<1x16384xf32, #tpu.memory_space<vmem>> -> memref<16384xf32, #tpu.memory_space<vmem>>
    %dma_wait3A_551 = tpu.memref_slice %arg2[%multiple_of3A_539] : memref<8388608xf32, #tpu.memory_space<hbm>> -> memref<16384xf32, #tpu.memory_space<hbm>>
    tpu.wait_dma2 semaphore(%dma_wait3A_547 : memref<!tpu.dma_semaphore, #tpu.memory_space<semaphore_mem>>) src(%dma_wait3A_551 : memref<16384xf32, #tpu.memory_space<hbm>>) dst(%dma_wait3A_550 : memref<16384xf32, #tpu.memory_space<vmem>>)
    %parallel_loop3A_552 = arith.constant 0 : i32
    %parallel_loop3A_553 = arith.constant 1024 : i32
    %parallel_loop3A_554 = arith.constant 1 : i32
    scf.for %parallel_loop3A_1140 = %parallel_loop3A_552 to %parallel_loop3A_553 step %parallel_loop3A_554  : i32 {
      %parallel_loop3A_1141 = arith.constant 16 : i32
      %parallel_loop3A_1142 = arith.muli %parallel_loop3A_1140, %parallel_loop3A_1141 : i32
      %parallel_loop3A_1143 = arith.constant 49152 : i32
      %parallel_loop3A_1144 = arith.addi %parallel_loop3A_1143, %parallel_loop3A_1142 : i32
      %parallel_loop3A_1145 = arith.index_cast %parallel_loop3A_1144 : i32 to index
      %parallel_loop3A_1146 = tpu.vector_load %arg6[%parallel_loop3A_1145] {strides = array<i32>} : memref<65536xf32, #tpu.memory_space<vmem>>, vector<16xf32>,
      %parallel_loop3A_1147 = vector.shape_cast %parallel_loop3A_1146 : vector<16xf32> to vector<16xf32>
      %parallel_loop3A_1148 = arith.constant 1 : i32
      %parallel_loop3A_1149 = arith.index_cast %parallel_loop3A_1148 : i32 to index
      %parallel_loop3A_1150 = arith.index_cast %parallel_loop3A_1142 : i32 to index
      %parallel_loop3A_1151 = tpu.vector_load %arg5[%parallel_loop3A_1149, %parallel_loop3A_1150] {strides = array<i32>} : memref<2x16384xf32, #tpu.memory_space<vmem>>, vector<1x16xf32>,
      %parallel_loop3A_1152 = vector.shape_cast %parallel_loop3A_1151 : vector<1x16xf32> to vector<16xf32>
      %parallel_loop3A_1153 = vector.shape_cast %parallel_loop3A_1147 : vector<16xf32> to vector<1x16xf32>
      tpu.vector_store %arg5[%parallel_loop3A_1149, %parallel_loop3A_1150], %parallel_loop3A_1153 {add = true, strides = array<i32>} : memref<2x16384xf32, #tpu.memory_space<vmem>>, vector<1x16xf32>,
    } {sc.loop_unroll_factor = 8 : i64, sc.parallel_access}
    %add3A_555 = arith.constant 2097152 : i32
    %add3A_556 = arith.addi %add3A_555, %multiple_of3A : i32
    %add3A_557 = arith.constant 49152 : i32
    %add3A_558 = arith.addi %add3A_556, %add3A_557 : i32
    %multiple_of3A_559 = tpu.assume_multiple %add3A_558, 16384 : i32
    %dma_start3A_560 = arith.constant 1 : i32
    %dma_start3A_561 = arith.constant 1 : i32
    %dma_start3A_562 = arith.constant 0 : i32
    %dma_start3A_563 = tpu.memref_slice %arg5[%dma_start3A_560, %dma_start3A_562] : memref<2x16384xf32, #tpu.memory_space<vmem>> -> memref<1x16384xf32, #tpu.memory_space<vmem>>
    %dma_start3A_564 = tpu.memref_squeeze %dma_start3A_563 : memref<1x16384xf32, #tpu.memory_space<vmem>> -> memref<16384xf32, #tpu.memory_space<vmem>>
    %dma_start3A_565 = tpu.memref_slice %arg4[%multiple_of3A_559] : memref<8388608xf32, #tpu.memory_space<hbm>> -> memref<16384xf32, #tpu.memory_space<hbm>>
    %dma_start3A_566 = tpu.memref_slice %arg9[%dma_start3A_561] : memref<2x!tpu.dma_semaphore, #tpu.memory_space<semaphore_mem>> -> memref<1x!tpu.dma_semaphore, #tpu.memory_space<semaphore_mem>>
    %dma_start3A_567 = tpu.memref_squeeze %dma_start3A_566 : memref<1x!tpu.dma_semaphore, #tpu.memory_space<semaphore_mem>> -> memref<!tpu.dma_semaphore, #tpu.memory_space<semaphore_mem>>
    %dma_start3A_568 = tpu.memref_slice %arg4[%multiple_of3A_559] : memref<8388608xf32, #tpu.memory_space<hbm>> -> memref<16384xf32, #tpu.memory_space<hbm>>
    %dma_start3A_569 = arith.constant 0 : i32
    %dma_start3A_570 = tpu.memref_slice %arg5[%dma_start3A_560, %dma_start3A_569] : memref<2x16384xf32, #tpu.memory_space<vmem>> -> memref<1x16384xf32, #tpu.memory_space<vmem>>
    %dma_start3A_571 = tpu.memref_squeeze %dma_start3A_570 : memref<1x16384xf32, #tpu.memory_space<vmem>> -> memref<16384xf32, #tpu.memory_space<vmem>>
    tpu.enqueue_dma source(%dma_start3A_571 : memref<16384xf32, #tpu.memory_space<vmem>>) target(%dma_start3A_568 : memref<16384xf32, #tpu.memory_space<hbm>>) target_semaphore(%dma_start3A_567 : memref<!tpu.dma_semaphore, #tpu.memory_space<semaphore_mem>>)
    %add3A_572 = arith.constant 2097152 : i32
    %add3A_573 = arith.addi %add3A_572, %multiple_of3A : i32
    %add3A_574 = arith.constant 49152 : i32
    %add3A_575 = arith.addi %add3A_573, %add3A_574 : i32
    %multiple_of3A_576 = tpu.assume_multiple %add3A_575, 16384 : i32
    %dma_wait3A_577 = arith.constant 1 : i32
    %dma_wait3A_578 = arith.constant 1 : i32
    %dma_wait3A_579 = arith.constant 0 : i32
    %dma_wait3A_580 = tpu.memref_slice %arg5[%dma_wait3A_577, %dma_wait3A_579] : memref<2x16384xf32, #tpu.memory_space<vmem>> -> memref<1x16384xf32, #tpu.memory_space<vmem>>
    %dma_wait3A_581 = tpu.memref_squeeze %dma_wait3A_580 : memref<1x16384xf32, #tpu.memory_space<vmem>> -> memref<16384xf32, #tpu.memory_space<vmem>>
    %dma_wait3A_582 = tpu.memref_slice %arg4[%multiple_of3A_576] : memref<8388608xf32, #tpu.memory_space<hbm>> -> memref<16384xf32, #tpu.memory_space<hbm>>
    %dma_wait3A_583 = tpu.memref_slice %arg9[%dma_wait3A_578] : memref<2x!tpu.dma_semaphore, #tpu.memory_space<semaphore_mem>> -> memref<1x!tpu.dma_semaphore, #tpu.memory_space<semaphore_mem>>
    %dma_wait3A_584 = tpu.memref_squeeze %dma_wait3A_583 : memref<1x!tpu.dma_semaphore, #tpu.memory_space<semaphore_mem>> -> memref<!tpu.dma_semaphore, #tpu.memory_space<semaphore_mem>>
    %dma_wait3A_585 = tpu.memref_slice %arg4[%multiple_of3A_576] : memref<8388608xf32, #tpu.memory_space<hbm>> -> memref<16384xf32, #tpu.memory_space<hbm>>
    %dma_wait3A_586 = arith.constant 0 : i32
    %dma_wait3A_587 = tpu.memref_slice %arg5[%dma_wait3A_577, %dma_wait3A_586] : memref<2x16384xf32, #tpu.memory_space<vmem>> -> memref<1x16384xf32, #tpu.memory_space<vmem>>
    %dma_wait3A_588 = tpu.memref_squeeze %dma_wait3A_587 : memref<1x16384xf32, #tpu.memory_space<vmem>> -> memref<16384xf32, #tpu.memory_space<vmem>>
    tpu.wait_dma2 semaphore(%dma_wait3A_584 : memref<!tpu.dma_semaphore, #tpu.memory_space<semaphore_mem>>) src(%dma_wait3A_588 : memref<16384xf32, #tpu.memory_space<vmem>>) dst(%dma_wait3A_585 : memref<16384xf32, #tpu.memory_space<hbm>>)
    %add3A_589 = arith.constant 4194304 : i32
    %add3A_590 = arith.addi %add3A_589, %multiple_of3A : i32
    %add3A_591 = arith.constant 16384 : i32
    %add3A_592 = arith.addi %add3A_590, %add3A_591 : i32
    %multiple_of3A_593 = tpu.assume_multiple %add3A_592, 16384 : i32
    %dma_start3A_594 = arith.constant 1 : i32
    %dma_start3A_595 = arith.constant 1 : i32
    %dma_start3A_596 = arith.constant 0 : i32
    %dma_start3A_597 = tpu.memref_slice %arg5[%dma_start3A_594, %dma_start3A_596] : memref<2x16384xf32, #tpu.memory_space<vmem>> -> memref<1x16384xf32, #tpu.memory_space<vmem>>
    %dma_start3A_598 = tpu.memref_squeeze %dma_start3A_597 : memref<1x16384xf32, #tpu.memory_space<vmem>> -> memref<16384xf32, #tpu.memory_space<vmem>>
    %dma_start3A_599 = tpu.memref_slice %arg2[%multiple_of3A_593] : memref<8388608xf32, #tpu.memory_space<hbm>> -> memref<16384xf32, #tpu.memory_space<hbm>>
    %dma_start3A_600 = tpu.memref_slice %arg7[%dma_start3A_595] : memref<2x!tpu.dma_semaphore, #tpu.memory_space<semaphore_mem>> -> memref<1x!tpu.dma_semaphore, #tpu.memory_space<semaphore_mem>>
    %dma_start3A_601 = tpu.memref_squeeze %dma_start3A_600 : memref<1x!tpu.dma_semaphore, #tpu.memory_space<semaphore_mem>> -> memref<!tpu.dma_semaphore, #tpu.memory_space<semaphore_mem>>
    %dma_start3A_602 = arith.constant 0 : i32
    %dma_start3A_603 = tpu.memref_slice %arg5[%dma_start3A_594, %dma_start3A_602] : memref<2x16384xf32, #tpu.memory_space<vmem>> -> memref<1x16384xf32, #tpu.memory_space<vmem>>
    %dma_start3A_604 = tpu.memref_squeeze %dma_start3A_603 : memref<1x16384xf32, #tpu.memory_space<vmem>> -> memref<16384xf32, #tpu.memory_space<vmem>>
    %dma_start3A_605 = tpu.memref_slice %arg2[%multiple_of3A_593] : memref<8388608xf32, #tpu.memory_space<hbm>> -> memref<16384xf32, #tpu.memory_space<hbm>>
    tpu.enqueue_dma source(%dma_start3A_605 : memref<16384xf32, #tpu.memory_space<hbm>>) target(%dma_start3A_604 : memref<16384xf32, #tpu.memory_space<vmem>>) target_semaphore(%dma_start3A_601 : memref<!tpu.dma_semaphore, #tpu.memory_space<semaphore_mem>>)
    %add3A_606 = arith.constant 4194304 : i32
    %add3A_607 = arith.addi %add3A_606, %multiple_of3A : i32
    %add3A_608 = arith.constant 0 : i32
    %add3A_609 = arith.addi %add3A_607, %add3A_608 : i32
    %multiple_of3A_610 = tpu.assume_multiple %add3A_609, 16384 : i32
    %dma_wait3A_611 = arith.constant 0 : i32
    %dma_wait3A_612 = arith.constant 0 : i32
    %dma_wait3A_613 = arith.constant 0 : i32
    %dma_wait3A_614 = tpu.memref_slice %arg5[%dma_wait3A_611, %dma_wait3A_613] : memref<2x16384xf32, #tpu.memory_space<vmem>> -> memref<1x16384xf32, #tpu.memory_space<vmem>>
    %dma_wait3A_615 = tpu.memref_squeeze %dma_wait3A_614 : memref<1x16384xf32, #tpu.memory_space<vmem>> -> memref<16384xf32, #tpu.memory_space<vmem>>
    %dma_wait3A_616 = tpu.memref_slice %arg2[%multiple_of3A_610] : memref<8388608xf32, #tpu.memory_space<hbm>> -> memref<16384xf32, #tpu.memory_space<hbm>>
    %dma_wait3A_617 = tpu.memref_slice %arg7[%dma_wait3A_612] : memref<2x!tpu.dma_semaphore, #tpu.memory_space<semaphore_mem>> -> memref<1x!tpu.dma_semaphore, #tpu.memory_space<semaphore_mem>>
    %dma_wait3A_618 = tpu.memref_squeeze %dma_wait3A_617 : memref<1x!tpu.dma_semaphore, #tpu.memory_space<semaphore_mem>> -> memref<!tpu.dma_semaphore, #tpu.memory_space<semaphore_mem>>
    %dma_wait3A_619 = arith.constant 0 : i32
    %dma_wait3A_620 = tpu.memref_slice %arg5[%dma_wait3A_611, %dma_wait3A_619] : memref<2x16384xf32, #tpu.memory_space<vmem>> -> memref<1x16384xf32, #tpu.memory_space<vmem>>
    %dma_wait3A_621 = tpu.memref_squeeze %dma_wait3A_620 : memref<1x16384xf32, #tpu.memory_space<vmem>> -> memref<16384xf32, #tpu.memory_space<vmem>>
    %dma_wait3A_622 = tpu.memref_slice %arg2[%multiple_of3A_610] : memref<8388608xf32, #tpu.memory_space<hbm>> -> memref<16384xf32, #tpu.memory_space<hbm>>
    tpu.wait_dma2 semaphore(%dma_wait3A_618 : memref<!tpu.dma_semaphore, #tpu.memory_space<semaphore_mem>>) src(%dma_wait3A_622 : memref<16384xf32, #tpu.memory_space<hbm>>) dst(%dma_wait3A_621 : memref<16384xf32, #tpu.memory_space<vmem>>)
    %parallel_loop3A_623 = arith.constant 0 : i32
    %parallel_loop3A_624 = arith.constant 1024 : i32
    %parallel_loop3A_625 = arith.constant 1 : i32
    scf.for %parallel_loop3A_1140 = %parallel_loop3A_623 to %parallel_loop3A_624 step %parallel_loop3A_625  : i32 {
      %parallel_loop3A_1141 = arith.constant 16 : i32
      %parallel_loop3A_1142 = arith.muli %parallel_loop3A_1140, %parallel_loop3A_1141 : i32
      %parallel_loop3A_1143 = arith.constant 0 : i32
      %parallel_loop3A_1144 = arith.addi %parallel_loop3A_1143, %parallel_loop3A_1142 : i32
      %parallel_loop3A_1145 = arith.index_cast %parallel_loop3A_1144 : i32 to index
      %parallel_loop3A_1146 = tpu.vector_load %arg6[%parallel_loop3A_1145] {strides = array<i32>} : memref<65536xf32, #tpu.memory_space<vmem>>, vector<16xf32>,
      %parallel_loop3A_1147 = vector.shape_cast %parallel_loop3A_1146 : vector<16xf32> to vector<16xf32>
      %parallel_loop3A_1148 = arith.constant 0 : i32
      %parallel_loop3A_1149 = arith.index_cast %parallel_loop3A_1148 : i32 to index
      %parallel_loop3A_1150 = arith.index_cast %parallel_loop3A_1142 : i32 to index
      %parallel_loop3A_1151 = tpu.vector_load %arg5[%parallel_loop3A_1149, %parallel_loop3A_1150] {strides = array<i32>} : memref<2x16384xf32, #tpu.memory_space<vmem>>, vector<1x16xf32>,
      %parallel_loop3A_1152 = vector.shape_cast %parallel_loop3A_1151 : vector<1x16xf32> to vector<16xf32>
      %parallel_loop3A_1153 = vector.shape_cast %parallel_loop3A_1147 : vector<16xf32> to vector<1x16xf32>
      tpu.vector_store %arg5[%parallel_loop3A_1149, %parallel_loop3A_1150], %parallel_loop3A_1153 {add = true, strides = array<i32>} : memref<2x16384xf32, #tpu.memory_space<vmem>>, vector<1x16xf32>,
    } {sc.loop_unroll_factor = 8 : i64, sc.parallel_access}
    %add3A_626 = arith.constant 4194304 : i32
    %add3A_627 = arith.addi %add3A_626, %multiple_of3A : i32
    %add3A_628 = arith.constant 0 : i32
    %add3A_629 = arith.addi %add3A_627, %add3A_628 : i32
    %multiple_of3A_630 = tpu.assume_multiple %add3A_629, 16384 : i32
    %dma_start3A_631 = arith.constant 0 : i32
    %dma_start3A_632 = arith.constant 0 : i32
    %dma_start3A_633 = arith.constant 0 : i32
    %dma_start3A_634 = tpu.memref_slice %arg5[%dma_start3A_631, %dma_start3A_633] : memref<2x16384xf32, #tpu.memory_space<vmem>> -> memref<1x16384xf32, #tpu.memory_space<vmem>>
    %dma_start3A_635 = tpu.memref_squeeze %dma_start3A_634 : memref<1x16384xf32, #tpu.memory_space<vmem>> -> memref<16384xf32, #tpu.memory_space<vmem>>
    %dma_start3A_636 = tpu.memref_slice %arg4[%multiple_of3A_630] : memref<8388608xf32, #tpu.memory_space<hbm>> -> memref<16384xf32, #tpu.memory_space<hbm>>
    %dma_start3A_637 = tpu.memref_slice %arg9[%dma_start3A_632] : memref<2x!tpu.dma_semaphore, #tpu.memory_space<semaphore_mem>> -> memref<1x!tpu.dma_semaphore, #tpu.memory_space<semaphore_mem>>
    %dma_start3A_638 = tpu.memref_squeeze %dma_start3A_637 : memref<1x!tpu.dma_semaphore, #tpu.memory_space<semaphore_mem>> -> memref<!tpu.dma_semaphore, #tpu.memory_space<semaphore_mem>>
    %dma_start3A_639 = tpu.memref_slice %arg4[%multiple_of3A_630] : memref<8388608xf32, #tpu.memory_space<hbm>> -> memref<16384xf32, #tpu.memory_space<hbm>>
    %dma_start3A_640 = arith.constant 0 : i32
    %dma_start3A_641 = tpu.memref_slice %arg5[%dma_start3A_631, %dma_start3A_640] : memref<2x16384xf32, #tpu.memory_space<vmem>> -> memref<1x16384xf32, #tpu.memory_space<vmem>>
    %dma_start3A_642 = tpu.memref_squeeze %dma_start3A_641 : memref<1x16384xf32, #tpu.memory_space<vmem>> -> memref<16384xf32, #tpu.memory_space<vmem>>
    tpu.enqueue_dma source(%dma_start3A_642 : memref<16384xf32, #tpu.memory_space<vmem>>) target(%dma_start3A_639 : memref<16384xf32, #tpu.memory_space<hbm>>) target_semaphore(%dma_start3A_638 : memref<!tpu.dma_semaphore, #tpu.memory_space<semaphore_mem>>)
    %add3A_643 = arith.constant 4194304 : i32
    %add3A_644 = arith.addi %add3A_643, %multiple_of3A : i32
    %add3A_645 = arith.constant 0 : i32
    %add3A_646 = arith.addi %add3A_644, %add3A_645 : i32
    %multiple_of3A_647 = tpu.assume_multiple %add3A_646, 16384 : i32
    %dma_wait3A_648 = arith.constant 0 : i32
    %dma_wait3A_649 = arith.constant 0 : i32
    %dma_wait3A_650 = arith.constant 0 : i32
    %dma_wait3A_651 = tpu.memref_slice %arg5[%dma_wait3A_648, %dma_wait3A_650] : memref<2x16384xf32, #tpu.memory_space<vmem>> -> memref<1x16384xf32, #tpu.memory_space<vmem>>
    %dma_wait3A_652 = tpu.memref_squeeze %dma_wait3A_651 : memref<1x16384xf32, #tpu.memory_space<vmem>> -> memref<16384xf32, #tpu.memory_space<vmem>>
    %dma_wait3A_653 = tpu.memref_slice %arg4[%multiple_of3A_647] : memref<8388608xf32, #tpu.memory_space<hbm>> -> memref<16384xf32, #tpu.memory_space<hbm>>
    %dma_wait3A_654 = tpu.memref_slice %arg9[%dma_wait3A_649] : memref<2x!tpu.dma_semaphore, #tpu.memory_space<semaphore_mem>> -> memref<1x!tpu.dma_semaphore, #tpu.memory_space<semaphore_mem>>
    %dma_wait3A_655 = tpu.memref_squeeze %dma_wait3A_654 : memref<1x!tpu.dma_semaphore, #tpu.memory_space<semaphore_mem>> -> memref<!tpu.dma_semaphore, #tpu.memory_space<semaphore_mem>>
    %dma_wait3A_656 = tpu.memref_slice %arg4[%multiple_of3A_647] : memref<8388608xf32, #tpu.memory_space<hbm>> -> memref<16384xf32, #tpu.memory_space<hbm>>
    %dma_wait3A_657 = arith.constant 0 : i32
    %dma_wait3A_658 = tpu.memref_slice %arg5[%dma_wait3A_648, %dma_wait3A_657] : memref<2x16384xf32, #tpu.memory_space<vmem>> -> memref<1x16384xf32, #tpu.memory_space<vmem>>
    %dma_wait3A_659 = tpu.memref_squeeze %dma_wait3A_658 : memref<1x16384xf32, #tpu.memory_space<vmem>> -> memref<16384xf32, #tpu.memory_space<vmem>>
    tpu.wait_dma2 semaphore(%dma_wait3A_655 : memref<!tpu.dma_semaphore, #tpu.memory_space<semaphore_mem>>) src(%dma_wait3A_659 : memref<16384xf32, #tpu.memory_space<vmem>>) dst(%dma_wait3A_656 : memref<16384xf32, #tpu.memory_space<hbm>>)
    %add3A_660 = arith.constant 4194304 : i32
    %add3A_661 = arith.addi %add3A_660, %multiple_of3A : i32
    %add3A_662 = arith.constant 32768 : i32
    %add3A_663 = arith.addi %add3A_661, %add3A_662 : i32
    %multiple_of3A_664 = tpu.assume_multiple %add3A_663, 16384 : i32
    %dma_start3A_665 = arith.constant 0 : i32
    %dma_start3A_666 = arith.constant 0 : i32
    %dma_start3A_667 = arith.constant 0 : i32
    %dma_start3A_668 = tpu.memref_slice %arg5[%dma_start3A_665, %dma_start3A_667] : memref<2x16384xf32, #tpu.memory_space<vmem>> -> memref<1x16384xf32, #tpu.memory_space<vmem>>
    %dma_start3A_669 = tpu.memref_squeeze %dma_start3A_668 : memref<1x16384xf32, #tpu.memory_space<vmem>> -> memref<16384xf32, #tpu.memory_space<vmem>>
    %dma_start3A_670 = tpu.memref_slice %arg2[%multiple_of3A_664] : memref<8388608xf32, #tpu.memory_space<hbm>> -> memref<16384xf32, #tpu.memory_space<hbm>>
    %dma_start3A_671 = tpu.memref_slice %arg7[%dma_start3A_666] : memref<2x!tpu.dma_semaphore, #tpu.memory_space<semaphore_mem>> -> memref<1x!tpu.dma_semaphore, #tpu.memory_space<semaphore_mem>>
    %dma_start3A_672 = tpu.memref_squeeze %dma_start3A_671 : memref<1x!tpu.dma_semaphore, #tpu.memory_space<semaphore_mem>> -> memref<!tpu.dma_semaphore, #tpu.memory_space<semaphore_mem>>
    %dma_start3A_673 = arith.constant 0 : i32
    %dma_start3A_674 = tpu.memref_slice %arg5[%dma_start3A_665, %dma_start3A_673] : memref<2x16384xf32, #tpu.memory_space<vmem>> -> memref<1x16384xf32, #tpu.memory_space<vmem>>
    %dma_start3A_675 = tpu.memref_squeeze %dma_start3A_674 : memref<1x16384xf32, #tpu.memory_space<vmem>> -> memref<16384xf32, #tpu.memory_space<vmem>>
    %dma_start3A_676 = tpu.memref_slice %arg2[%multiple_of3A_664] : memref<8388608xf32, #tpu.memory_space<hbm>> -> memref<16384xf32, #tpu.memory_space<hbm>>
    tpu.enqueue_dma source(%dma_start3A_676 : memref<16384xf32, #tpu.memory_space<hbm>>) target(%dma_start3A_675 : memref<16384xf32, #tpu.memory_space<vmem>>) target_semaphore(%dma_start3A_672 : memref<!tpu.dma_semaphore, #tpu.memory_space<semaphore_mem>>)
    %add3A_677 = arith.constant 4194304 : i32
    %add3A_678 = arith.addi %add3A_677, %multiple_of3A : i32
    %add3A_679 = arith.constant 16384 : i32
    %add3A_680 = arith.addi %add3A_678, %add3A_679 : i32
    %multiple_of3A_681 = tpu.assume_multiple %add3A_680, 16384 : i32
    %dma_wait3A_682 = arith.constant 1 : i32
    %dma_wait3A_683 = arith.constant 1 : i32
    %dma_wait3A_684 = arith.constant 0 : i32
    %dma_wait3A_685 = tpu.memref_slice %arg5[%dma_wait3A_682, %dma_wait3A_684] : memref<2x16384xf32, #tpu.memory_space<vmem>> -> memref<1x16384xf32, #tpu.memory_space<vmem>>
    %dma_wait3A_686 = tpu.memref_squeeze %dma_wait3A_685 : memref<1x16384xf32, #tpu.memory_space<vmem>> -> memref<16384xf32, #tpu.memory_space<vmem>>
    %dma_wait3A_687 = tpu.memref_slice %arg2[%multiple_of3A_681] : memref<8388608xf32, #tpu.memory_space<hbm>> -> memref<16384xf32, #tpu.memory_space<hbm>>
    %dma_wait3A_688 = tpu.memref_slice %arg7[%dma_wait3A_683] : memref<2x!tpu.dma_semaphore, #tpu.memory_space<semaphore_mem>> -> memref<1x!tpu.dma_semaphore, #tpu.memory_space<semaphore_mem>>
    %dma_wait3A_689 = tpu.memref_squeeze %dma_wait3A_688 : memref<1x!tpu.dma_semaphore, #tpu.memory_space<semaphore_mem>> -> memref<!tpu.dma_semaphore, #tpu.memory_space<semaphore_mem>>
    %dma_wait3A_690 = arith.constant 0 : i32
    %dma_wait3A_691 = tpu.memref_slice %arg5[%dma_wait3A_682, %dma_wait3A_690] : memref<2x16384xf32, #tpu.memory_space<vmem>> -> memref<1x16384xf32, #tpu.memory_space<vmem>>
    %dma_wait3A_692 = tpu.memref_squeeze %dma_wait3A_691 : memref<1x16384xf32, #tpu.memory_space<vmem>> -> memref<16384xf32, #tpu.memory_space<vmem>>
    %dma_wait3A_693 = tpu.memref_slice %arg2[%multiple_of3A_681] : memref<8388608xf32, #tpu.memory_space<hbm>> -> memref<16384xf32, #tpu.memory_space<hbm>>
    tpu.wait_dma2 semaphore(%dma_wait3A_689 : memref<!tpu.dma_semaphore, #tpu.memory_space<semaphore_mem>>) src(%dma_wait3A_693 : memref<16384xf32, #tpu.memory_space<hbm>>) dst(%dma_wait3A_692 : memref<16384xf32, #tpu.memory_space<vmem>>)
    %parallel_loop3A_694 = arith.constant 0 : i32
    %parallel_loop3A_695 = arith.constant 1024 : i32
    %parallel_loop3A_696 = arith.constant 1 : i32
    scf.for %parallel_loop3A_1140 = %parallel_loop3A_694 to %parallel_loop3A_695 step %parallel_loop3A_696  : i32 {
      %parallel_loop3A_1141 = arith.constant 16 : i32
      %parallel_loop3A_1142 = arith.muli %parallel_loop3A_1140, %parallel_loop3A_1141 : i32
      %parallel_loop3A_1143 = arith.constant 16384 : i32
      %parallel_loop3A_1144 = arith.addi %parallel_loop3A_1143, %parallel_loop3A_1142 : i32
      %parallel_loop3A_1145 = arith.index_cast %parallel_loop3A_1144 : i32 to index
      %parallel_loop3A_1146 = tpu.vector_load %arg6[%parallel_loop3A_1145] {strides = array<i32>} : memref<65536xf32, #tpu.memory_space<vmem>>, vector<16xf32>,
      %parallel_loop3A_1147 = vector.shape_cast %parallel_loop3A_1146 : vector<16xf32> to vector<16xf32>
      %parallel_loop3A_1148 = arith.constant 1 : i32
      %parallel_loop3A_1149 = arith.index_cast %parallel_loop3A_1148 : i32 to index
      %parallel_loop3A_1150 = arith.index_cast %parallel_loop3A_1142 : i32 to index
      %parallel_loop3A_1151 = tpu.vector_load %arg5[%parallel_loop3A_1149, %parallel_loop3A_1150] {strides = array<i32>} : memref<2x16384xf32, #tpu.memory_space<vmem>>, vector<1x16xf32>,
      %parallel_loop3A_1152 = vector.shape_cast %parallel_loop3A_1151 : vector<1x16xf32> to vector<16xf32>
      %parallel_loop3A_1153 = vector.shape_cast %parallel_loop3A_1147 : vector<16xf32> to vector<1x16xf32>
      tpu.vector_store %arg5[%parallel_loop3A_1149, %parallel_loop3A_1150], %parallel_loop3A_1153 {add = true, strides = array<i32>} : memref<2x16384xf32, #tpu.memory_space<vmem>>, vector<1x16xf32>,
    } {sc.loop_unroll_factor = 8 : i64, sc.parallel_access}
    %add3A_697 = arith.constant 4194304 : i32
    %add3A_698 = arith.addi %add3A_697, %multiple_of3A : i32
    %add3A_699 = arith.constant 16384 : i32
    %add3A_700 = arith.addi %add3A_698, %add3A_699 : i32
    %multiple_of3A_701 = tpu.assume_multiple %add3A_700, 16384 : i32
    %dma_start3A_702 = arith.constant 1 : i32
    %dma_start3A_703 = arith.constant 1 : i32
    %dma_start3A_704 = arith.constant 0 : i32
    %dma_start3A_705 = tpu.memref_slice %arg5[%dma_start3A_702, %dma_start3A_704] : memref<2x16384xf32, #tpu.memory_space<vmem>> -> memref<1x16384xf32, #tpu.memory_space<vmem>>
    %dma_start3A_706 = tpu.memref_squeeze %dma_start3A_705 : memref<1x16384xf32, #tpu.memory_space<vmem>> -> memref<16384xf32, #tpu.memory_space<vmem>>
    %dma_start3A_707 = tpu.memref_slice %arg4[%multiple_of3A_701] : memref<8388608xf32, #tpu.memory_space<hbm>> -> memref<16384xf32, #tpu.memory_space<hbm>>
    %dma_start3A_708 = tpu.memref_slice %arg9[%dma_start3A_703] : memref<2x!tpu.dma_semaphore, #tpu.memory_space<semaphore_mem>> -> memref<1x!tpu.dma_semaphore, #tpu.memory_space<semaphore_mem>>
    %dma_start3A_709 = tpu.memref_squeeze %dma_start3A_708 : memref<1x!tpu.dma_semaphore, #tpu.memory_space<semaphore_mem>> -> memref<!tpu.dma_semaphore, #tpu.memory_space<semaphore_mem>>
    %dma_start3A_710 = tpu.memref_slice %arg4[%multiple_of3A_701] : memref<8388608xf32, #tpu.memory_space<hbm>> -> memref<16384xf32, #tpu.memory_space<hbm>>
    %dma_start3A_711 = arith.constant 0 : i32
    %dma_start3A_712 = tpu.memref_slice %arg5[%dma_start3A_702, %dma_start3A_711] : memref<2x16384xf32, #tpu.memory_space<vmem>> -> memref<1x16384xf32, #tpu.memory_space<vmem>>
    %dma_start3A_713 = tpu.memref_squeeze %dma_start3A_712 : memref<1x16384xf32, #tpu.memory_space<vmem>> -> memref<16384xf32, #tpu.memory_space<vmem>>
    tpu.enqueue_dma source(%dma_start3A_713 : memref<16384xf32, #tpu.memory_space<vmem>>) target(%dma_start3A_710 : memref<16384xf32, #tpu.memory_space<hbm>>) target_semaphore(%dma_start3A_709 : memref<!tpu.dma_semaphore, #tpu.memory_space<semaphore_mem>>)
    %add3A_714 = arith.constant 4194304 : i32
    %add3A_715 = arith.addi %add3A_714, %multiple_of3A : i32
    %add3A_716 = arith.constant 16384 : i32
    %add3A_717 = arith.addi %add3A_715, %add3A_716 : i32
    %multiple_of3A_718 = tpu.assume_multiple %add3A_717, 16384 : i32
    %dma_wait3A_719 = arith.constant 1 : i32
    %dma_wait3A_720 = arith.constant 1 : i32
    %dma_wait3A_721 = arith.constant 0 : i32
    %dma_wait3A_722 = tpu.memref_slice %arg5[%dma_wait3A_719, %dma_wait3A_721] : memref<2x16384xf32, #tpu.memory_space<vmem>> -> memref<1x16384xf32, #tpu.memory_space<vmem>>
    %dma_wait3A_723 = tpu.memref_squeeze %dma_wait3A_722 : memref<1x16384xf32, #tpu.memory_space<vmem>> -> memref<16384xf32, #tpu.memory_space<vmem>>
    %dma_wait3A_724 = tpu.memref_slice %arg4[%multiple_of3A_718] : memref<8388608xf32, #tpu.memory_space<hbm>> -> memref<16384xf32, #tpu.memory_space<hbm>>
    %dma_wait3A_725 = tpu.memref_slice %arg9[%dma_wait3A_720] : memref<2x!tpu.dma_semaphore, #tpu.memory_space<semaphore_mem>> -> memref<1x!tpu.dma_semaphore, #tpu.memory_space<semaphore_mem>>
    %dma_wait3A_726 = tpu.memref_squeeze %dma_wait3A_725 : memref<1x!tpu.dma_semaphore, #tpu.memory_space<semaphore_mem>> -> memref<!tpu.dma_semaphore, #tpu.memory_space<semaphore_mem>>
    %dma_wait3A_727 = tpu.memref_slice %arg4[%multiple_of3A_718] : memref<8388608xf32, #tpu.memory_space<hbm>> -> memref<16384xf32, #tpu.memory_space<hbm>>
    %dma_wait3A_728 = arith.constant 0 : i32
    %dma_wait3A_729 = tpu.memref_slice %arg5[%dma_wait3A_719, %dma_wait3A_728] : memref<2x16384xf32, #tpu.memory_space<vmem>> -> memref<1x16384xf32, #tpu.memory_space<vmem>>
    %dma_wait3A_730 = tpu.memref_squeeze %dma_wait3A_729 : memref<1x16384xf32, #tpu.memory_space<vmem>> -> memref<16384xf32, #tpu.memory_space<vmem>>
    tpu.wait_dma2 semaphore(%dma_wait3A_726 : memref<!tpu.dma_semaphore, #tpu.memory_space<semaphore_mem>>) src(%dma_wait3A_730 : memref<16384xf32, #tpu.memory_space<vmem>>) dst(%dma_wait3A_727 : memref<16384xf32, #tpu.memory_space<hbm>>)
    %add3A_731 = arith.constant 4194304 : i32
    %add3A_732 = arith.addi %add3A_731, %multiple_of3A : i32
    %add3A_733 = arith.constant 49152 : i32
    %add3A_734 = arith.addi %add3A_732, %add3A_733 : i32
    %multiple_of3A_735 = tpu.assume_multiple %add3A_734, 16384 : i32
    %dma_start3A_736 = arith.constant 1 : i32
    %dma_start3A_737 = arith.constant 1 : i32
    %dma_start3A_738 = arith.constant 0 : i32
    %dma_start3A_739 = tpu.memref_slice %arg5[%dma_start3A_736, %dma_start3A_738] : memref<2x16384xf32, #tpu.memory_space<vmem>> -> memref<1x16384xf32, #tpu.memory_space<vmem>>
    %dma_start3A_740 = tpu.memref_squeeze %dma_start3A_739 : memref<1x16384xf32, #tpu.memory_space<vmem>> -> memref<16384xf32, #tpu.memory_space<vmem>>
    %dma_start3A_741 = tpu.memref_slice %arg2[%multiple_of3A_735] : memref<8388608xf32, #tpu.memory_space<hbm>> -> memref<16384xf32, #tpu.memory_space<hbm>>
    %dma_start3A_742 = tpu.memref_slice %arg7[%dma_start3A_737] : memref<2x!tpu.dma_semaphore, #tpu.memory_space<semaphore_mem>> -> memref<1x!tpu.dma_semaphore, #tpu.memory_space<semaphore_mem>>
    %dma_start3A_743 = tpu.memref_squeeze %dma_start3A_742 : memref<1x!tpu.dma_semaphore, #tpu.memory_space<semaphore_mem>> -> memref<!tpu.dma_semaphore, #tpu.memory_space<semaphore_mem>>
    %dma_start3A_744 = arith.constant 0 : i32
    %dma_start3A_745 = tpu.memref_slice %arg5[%dma_start3A_736, %dma_start3A_744] : memref<2x16384xf32, #tpu.memory_space<vmem>> -> memref<1x16384xf32, #tpu.memory_space<vmem>>
    %dma_start3A_746 = tpu.memref_squeeze %dma_start3A_745 : memref<1x16384xf32, #tpu.memory_space<vmem>> -> memref<16384xf32, #tpu.memory_space<vmem>>
    %dma_start3A_747 = tpu.memref_slice %arg2[%multiple_of3A_735] : memref<8388608xf32, #tpu.memory_space<hbm>> -> memref<16384xf32, #tpu.memory_space<hbm>>
    tpu.enqueue_dma source(%dma_start3A_747 : memref<16384xf32, #tpu.memory_space<hbm>>) target(%dma_start3A_746 : memref<16384xf32, #tpu.memory_space<vmem>>) target_semaphore(%dma_start3A_743 : memref<!tpu.dma_semaphore, #tpu.memory_space<semaphore_mem>>)
    %add3A_748 = arith.constant 4194304 : i32
    %add3A_749 = arith.addi %add3A_748, %multiple_of3A : i32
    %add3A_750 = arith.constant 32768 : i32
    %add3A_751 = arith.addi %add3A_749, %add3A_750 : i32
    %multiple_of3A_752 = tpu.assume_multiple %add3A_751, 16384 : i32
    %dma_wait3A_753 = arith.constant 0 : i32
    %dma_wait3A_754 = arith.constant 0 : i32
    %dma_wait3A_755 = arith.constant 0 : i32
    %dma_wait3A_756 = tpu.memref_slice %arg5[%dma_wait3A_753, %dma_wait3A_755] : memref<2x16384xf32, #tpu.memory_space<vmem>> -> memref<1x16384xf32, #tpu.memory_space<vmem>>
    %dma_wait3A_757 = tpu.memref_squeeze %dma_wait3A_756 : memref<1x16384xf32, #tpu.memory_space<vmem>> -> memref<16384xf32, #tpu.memory_space<vmem>>
    %dma_wait3A_758 = tpu.memref_slice %arg2[%multiple_of3A_752] : memref<8388608xf32, #tpu.memory_space<hbm>> -> memref<16384xf32, #tpu.memory_space<hbm>>
    %dma_wait3A_759 = tpu.memref_slice %arg7[%dma_wait3A_754] : memref<2x!tpu.dma_semaphore, #tpu.memory_space<semaphore_mem>> -> memref<1x!tpu.dma_semaphore, #tpu.memory_space<semaphore_mem>>
    %dma_wait3A_760 = tpu.memref_squeeze %dma_wait3A_759 : memref<1x!tpu.dma_semaphore, #tpu.memory_space<semaphore_mem>> -> memref<!tpu.dma_semaphore, #tpu.memory_space<semaphore_mem>>
    %dma_wait3A_761 = arith.constant 0 : i32
    %dma_wait3A_762 = tpu.memref_slice %arg5[%dma_wait3A_753, %dma_wait3A_761] : memref<2x16384xf32, #tpu.memory_space<vmem>> -> memref<1x16384xf32, #tpu.memory_space<vmem>>
    %dma_wait3A_763 = tpu.memref_squeeze %dma_wait3A_762 : memref<1x16384xf32, #tpu.memory_space<vmem>> -> memref<16384xf32, #tpu.memory_space<vmem>>
    %dma_wait3A_764 = tpu.memref_slice %arg2[%multiple_of3A_752] : memref<8388608xf32, #tpu.memory_space<hbm>> -> memref<16384xf32, #tpu.memory_space<hbm>>
    tpu.wait_dma2 semaphore(%dma_wait3A_760 : memref<!tpu.dma_semaphore, #tpu.memory_space<semaphore_mem>>) src(%dma_wait3A_764 : memref<16384xf32, #tpu.memory_space<hbm>>) dst(%dma_wait3A_763 : memref<16384xf32, #tpu.memory_space<vmem>>)
    %parallel_loop3A_765 = arith.constant 0 : i32
    %parallel_loop3A_766 = arith.constant 1024 : i32
    %parallel_loop3A_767 = arith.constant 1 : i32
    scf.for %parallel_loop3A_1140 = %parallel_loop3A_765 to %parallel_loop3A_766 step %parallel_loop3A_767  : i32 {
      %parallel_loop3A_1141 = arith.constant 16 : i32
      %parallel_loop3A_1142 = arith.muli %parallel_loop3A_1140, %parallel_loop3A_1141 : i32
      %parallel_loop3A_1143 = arith.constant 32768 : i32
      %parallel_loop3A_1144 = arith.addi %parallel_loop3A_1143, %parallel_loop3A_1142 : i32
      %parallel_loop3A_1145 = arith.index_cast %parallel_loop3A_1144 : i32 to index
      %parallel_loop3A_1146 = tpu.vector_load %arg6[%parallel_loop3A_1145] {strides = array<i32>} : memref<65536xf32, #tpu.memory_space<vmem>>, vector<16xf32>,
      %parallel_loop3A_1147 = vector.shape_cast %parallel_loop3A_1146 : vector<16xf32> to vector<16xf32>
      %parallel_loop3A_1148 = arith.constant 0 : i32
      %parallel_loop3A_1149 = arith.index_cast %parallel_loop3A_1148 : i32 to index
      %parallel_loop3A_1150 = arith.index_cast %parallel_loop3A_1142 : i32 to index
      %parallel_loop3A_1151 = tpu.vector_load %arg5[%parallel_loop3A_1149, %parallel_loop3A_1150] {strides = array<i32>} : memref<2x16384xf32, #tpu.memory_space<vmem>>, vector<1x16xf32>,
      %parallel_loop3A_1152 = vector.shape_cast %parallel_loop3A_1151 : vector<1x16xf32> to vector<16xf32>
      %parallel_loop3A_1153 = vector.shape_cast %parallel_loop3A_1147 : vector<16xf32> to vector<1x16xf32>
      tpu.vector_store %arg5[%parallel_loop3A_1149, %parallel_loop3A_1150], %parallel_loop3A_1153 {add = true, strides = array<i32>} : memref<2x16384xf32, #tpu.memory_space<vmem>>, vector<1x16xf32>,
    } {sc.loop_unroll_factor = 8 : i64, sc.parallel_access}
    %add3A_768 = arith.constant 4194304 : i32
    %add3A_769 = arith.addi %add3A_768, %multiple_of3A : i32
    %add3A_770 = arith.constant 32768 : i32
    %add3A_771 = arith.addi %add3A_769, %add3A_770 : i32
    %multiple_of3A_772 = tpu.assume_multiple %add3A_771, 16384 : i32
    %dma_start3A_773 = arith.constant 0 : i32
    %dma_start3A_774 = arith.constant 0 : i32
    %dma_start3A_775 = arith.constant 0 : i32
    %dma_start3A_776 = tpu.memref_slice %arg5[%dma_start3A_773, %dma_start3A_775] : memref<2x16384xf32, #tpu.memory_space<vmem>> -> memref<1x16384xf32, #tpu.memory_space<vmem>>
    %dma_start3A_777 = tpu.memref_squeeze %dma_start3A_776 : memref<1x16384xf32, #tpu.memory_space<vmem>> -> memref<16384xf32, #tpu.memory_space<vmem>>
    %dma_start3A_778 = tpu.memref_slice %arg4[%multiple_of3A_772] : memref<8388608xf32, #tpu.memory_space<hbm>> -> memref<16384xf32, #tpu.memory_space<hbm>>
    %dma_start3A_779 = tpu.memref_slice %arg9[%dma_start3A_774] : memref<2x!tpu.dma_semaphore, #tpu.memory_space<semaphore_mem>> -> memref<1x!tpu.dma_semaphore, #tpu.memory_space<semaphore_mem>>
    %dma_start3A_780 = tpu.memref_squeeze %dma_start3A_779 : memref<1x!tpu.dma_semaphore, #tpu.memory_space<semaphore_mem>> -> memref<!tpu.dma_semaphore, #tpu.memory_space<semaphore_mem>>
    %dma_start3A_781 = tpu.memref_slice %arg4[%multiple_of3A_772] : memref<8388608xf32, #tpu.memory_space<hbm>> -> memref<16384xf32, #tpu.memory_space<hbm>>
    %dma_start3A_782 = arith.constant 0 : i32
    %dma_start3A_783 = tpu.memref_slice %arg5[%dma_start3A_773, %dma_start3A_782] : memref<2x16384xf32, #tpu.memory_space<vmem>> -> memref<1x16384xf32, #tpu.memory_space<vmem>>
    %dma_start3A_784 = tpu.memref_squeeze %dma_start3A_783 : memref<1x16384xf32, #tpu.memory_space<vmem>> -> memref<16384xf32, #tpu.memory_space<vmem>>
    tpu.enqueue_dma source(%dma_start3A_784 : memref<16384xf32, #tpu.memory_space<vmem>>) target(%dma_start3A_781 : memref<16384xf32, #tpu.memory_space<hbm>>) target_semaphore(%dma_start3A_780 : memref<!tpu.dma_semaphore, #tpu.memory_space<semaphore_mem>>)
    %add3A_785 = arith.constant 4194304 : i32
    %add3A_786 = arith.addi %add3A_785, %multiple_of3A : i32
    %add3A_787 = arith.constant 32768 : i32
    %add3A_788 = arith.addi %add3A_786, %add3A_787 : i32
    %multiple_of3A_789 = tpu.assume_multiple %add3A_788, 16384 : i32
    %dma_wait3A_790 = arith.constant 0 : i32
    %dma_wait3A_791 = arith.constant 0 : i32
    %dma_wait3A_792 = arith.constant 0 : i32
    %dma_wait3A_793 = tpu.memref_slice %arg5[%dma_wait3A_790, %dma_wait3A_792] : memref<2x16384xf32, #tpu.memory_space<vmem>> -> memref<1x16384xf32, #tpu.memory_space<vmem>>
    %dma_wait3A_794 = tpu.memref_squeeze %dma_wait3A_793 : memref<1x16384xf32, #tpu.memory_space<vmem>> -> memref<16384xf32, #tpu.memory_space<vmem>>
    %dma_wait3A_795 = tpu.memref_slice %arg4[%multiple_of3A_789] : memref<8388608xf32, #tpu.memory_space<hbm>> -> memref<16384xf32, #tpu.memory_space<hbm>>
    %dma_wait3A_796 = tpu.memref_slice %arg9[%dma_wait3A_791] : memref<2x!tpu.dma_semaphore, #tpu.memory_space<semaphore_mem>> -> memref<1x!tpu.dma_semaphore, #tpu.memory_space<semaphore_mem>>
    %dma_wait3A_797 = tpu.memref_squeeze %dma_wait3A_796 : memref<1x!tpu.dma_semaphore, #tpu.memory_space<semaphore_mem>> -> memref<!tpu.dma_semaphore, #tpu.memory_space<semaphore_mem>>
    %dma_wait3A_798 = tpu.memref_slice %arg4[%multiple_of3A_789] : memref<8388608xf32, #tpu.memory_space<hbm>> -> memref<16384xf32, #tpu.memory_space<hbm>>
    %dma_wait3A_799 = arith.constant 0 : i32
    %dma_wait3A_800 = tpu.memref_slice %arg5[%dma_wait3A_790, %dma_wait3A_799] : memref<2x16384xf32, #tpu.memory_space<vmem>> -> memref<1x16384xf32, #tpu.memory_space<vmem>>
    %dma_wait3A_801 = tpu.memref_squeeze %dma_wait3A_800 : memref<1x16384xf32, #tpu.memory_space<vmem>> -> memref<16384xf32, #tpu.memory_space<vmem>>
    tpu.wait_dma2 semaphore(%dma_wait3A_797 : memref<!tpu.dma_semaphore, #tpu.memory_space<semaphore_mem>>) src(%dma_wait3A_801 : memref<16384xf32, #tpu.memory_space<vmem>>) dst(%dma_wait3A_798 : memref<16384xf32, #tpu.memory_space<hbm>>)
    %add3A_802 = arith.constant 6291456 : i32
    %add3A_803 = arith.addi %add3A_802, %multiple_of3A : i32
    %add3A_804 = arith.constant 0 : i32
    %add3A_805 = arith.addi %add3A_803, %add3A_804 : i32
    %multiple_of3A_806 = tpu.assume_multiple %add3A_805, 16384 : i32
    %dma_start3A_807 = arith.constant 0 : i32
    %dma_start3A_808 = arith.constant 0 : i32
    %dma_start3A_809 = arith.constant 0 : i32
    %dma_start3A_810 = tpu.memref_slice %arg5[%dma_start3A_807, %dma_start3A_809] : memref<2x16384xf32, #tpu.memory_space<vmem>> -> memref<1x16384xf32, #tpu.memory_space<vmem>>
    %dma_start3A_811 = tpu.memref_squeeze %dma_start3A_810 : memref<1x16384xf32, #tpu.memory_space<vmem>> -> memref<16384xf32, #tpu.memory_space<vmem>>
    %dma_start3A_812 = tpu.memref_slice %arg2[%multiple_of3A_806] : memref<8388608xf32, #tpu.memory_space<hbm>> -> memref<16384xf32, #tpu.memory_space<hbm>>
    %dma_start3A_813 = tpu.memref_slice %arg7[%dma_start3A_808] : memref<2x!tpu.dma_semaphore, #tpu.memory_space<semaphore_mem>> -> memref<1x!tpu.dma_semaphore, #tpu.memory_space<semaphore_mem>>
    %dma_start3A_814 = tpu.memref_squeeze %dma_start3A_813 : memref<1x!tpu.dma_semaphore, #tpu.memory_space<semaphore_mem>> -> memref<!tpu.dma_semaphore, #tpu.memory_space<semaphore_mem>>
    %dma_start3A_815 = arith.constant 0 : i32
    %dma_start3A_816 = tpu.memref_slice %arg5[%dma_start3A_807, %dma_start3A_815] : memref<2x16384xf32, #tpu.memory_space<vmem>> -> memref<1x16384xf32, #tpu.memory_space<vmem>>
    %dma_start3A_817 = tpu.memref_squeeze %dma_start3A_816 : memref<1x16384xf32, #tpu.memory_space<vmem>> -> memref<16384xf32, #tpu.memory_space<vmem>>
    %dma_start3A_818 = tpu.memref_slice %arg2[%multiple_of3A_806] : memref<8388608xf32, #tpu.memory_space<hbm>> -> memref<16384xf32, #tpu.memory_space<hbm>>
    tpu.enqueue_dma source(%dma_start3A_818 : memref<16384xf32, #tpu.memory_space<hbm>>) target(%dma_start3A_817 : memref<16384xf32, #tpu.memory_space<vmem>>) target_semaphore(%dma_start3A_814 : memref<!tpu.dma_semaphore, #tpu.memory_space<semaphore_mem>>)
    %add3A_819 = arith.constant 4194304 : i32
    %add3A_820 = arith.addi %add3A_819, %multiple_of3A : i32
    %add3A_821 = arith.constant 49152 : i32
    %add3A_822 = arith.addi %add3A_820, %add3A_821 : i32
    %multiple_of3A_823 = tpu.assume_multiple %add3A_822, 16384 : i32
    %dma_wait3A_824 = arith.constant 1 : i32
    %dma_wait3A_825 = arith.constant 1 : i32
    %dma_wait3A_826 = arith.constant 0 : i32
    %dma_wait3A_827 = tpu.memref_slice %arg5[%dma_wait3A_824, %dma_wait3A_826] : memref<2x16384xf32, #tpu.memory_space<vmem>> -> memref<1x16384xf32, #tpu.memory_space<vmem>>
    %dma_wait3A_828 = tpu.memref_squeeze %dma_wait3A_827 : memref<1x16384xf32, #tpu.memory_space<vmem>> -> memref<16384xf32, #tpu.memory_space<vmem>>
    %dma_wait3A_829 = tpu.memref_slice %arg2[%multiple_of3A_823] : memref<8388608xf32, #tpu.memory_space<hbm>> -> memref<16384xf32, #tpu.memory_space<hbm>>
    %dma_wait3A_830 = tpu.memref_slice %arg7[%dma_wait3A_825] : memref<2x!tpu.dma_semaphore, #tpu.memory_space<semaphore_mem>> -> memref<1x!tpu.dma_semaphore, #tpu.memory_space<semaphore_mem>>
    %dma_wait3A_831 = tpu.memref_squeeze %dma_wait3A_830 : memref<1x!tpu.dma_semaphore, #tpu.memory_space<semaphore_mem>> -> memref<!tpu.dma_semaphore, #tpu.memory_space<semaphore_mem>>
    %dma_wait3A_832 = arith.constant 0 : i32
    %dma_wait3A_833 = tpu.memref_slice %arg5[%dma_wait3A_824, %dma_wait3A_832] : memref<2x16384xf32, #tpu.memory_space<vmem>> -> memref<1x16384xf32, #tpu.memory_space<vmem>>
    %dma_wait3A_834 = tpu.memref_squeeze %dma_wait3A_833 : memref<1x16384xf32, #tpu.memory_space<vmem>> -> memref<16384xf32, #tpu.memory_space<vmem>>
    %dma_wait3A_835 = tpu.memref_slice %arg2[%multiple_of3A_823] : memref<8388608xf32, #tpu.memory_space<hbm>> -> memref<16384xf32, #tpu.memory_space<hbm>>
    tpu.wait_dma2 semaphore(%dma_wait3A_831 : memref<!tpu.dma_semaphore, #tpu.memory_space<semaphore_mem>>) src(%dma_wait3A_835 : memref<16384xf32, #tpu.memory_space<hbm>>) dst(%dma_wait3A_834 : memref<16384xf32, #tpu.memory_space<vmem>>)
    %parallel_loop3A_836 = arith.constant 0 : i32
    %parallel_loop3A_837 = arith.constant 1024 : i32
    %parallel_loop3A_838 = arith.constant 1 : i32
    scf.for %parallel_loop3A_1140 = %parallel_loop3A_836 to %parallel_loop3A_837 step %parallel_loop3A_838  : i32 {
      %parallel_loop3A_1141 = arith.constant 16 : i32
      %parallel_loop3A_1142 = arith.muli %parallel_loop3A_1140, %parallel_loop3A_1141 : i32
      %parallel_loop3A_1143 = arith.constant 49152 : i32
      %parallel_loop3A_1144 = arith.addi %parallel_loop3A_1143, %parallel_loop3A_1142 : i32
      %parallel_loop3A_1145 = arith.index_cast %parallel_loop3A_1144 : i32 to index
      %parallel_loop3A_1146 = tpu.vector_load %arg6[%parallel_loop3A_1145] {strides = array<i32>} : memref<65536xf32, #tpu.memory_space<vmem>>, vector<16xf32>,
      %parallel_loop3A_1147 = vector.shape_cast %parallel_loop3A_1146 : vector<16xf32> to vector<16xf32>
      %parallel_loop3A_1148 = arith.constant 1 : i32
      %parallel_loop3A_1149 = arith.index_cast %parallel_loop3A_1148 : i32 to index
      %parallel_loop3A_1150 = arith.index_cast %parallel_loop3A_1142 : i32 to index
      %parallel_loop3A_1151 = tpu.vector_load %arg5[%parallel_loop3A_1149, %parallel_loop3A_1150] {strides = array<i32>} : memref<2x16384xf32, #tpu.memory_space<vmem>>, vector<1x16xf32>,
      %parallel_loop3A_1152 = vector.shape_cast %parallel_loop3A_1151 : vector<1x16xf32> to vector<16xf32>
      %parallel_loop3A_1153 = vector.shape_cast %parallel_loop3A_1147 : vector<16xf32> to vector<1x16xf32>
      tpu.vector_store %arg5[%parallel_loop3A_1149, %parallel_loop3A_1150], %parallel_loop3A_1153 {add = true, strides = array<i32>} : memref<2x16384xf32, #tpu.memory_space<vmem>>, vector<1x16xf32>,
    } {sc.loop_unroll_factor = 8 : i64, sc.parallel_access}
    %add3A_839 = arith.constant 4194304 : i32
    %add3A_840 = arith.addi %add3A_839, %multiple_of3A : i32
    %add3A_841 = arith.constant 49152 : i32
    %add3A_842 = arith.addi %add3A_840, %add3A_841 : i32
    %multiple_of3A_843 = tpu.assume_multiple %add3A_842, 16384 : i32
    %dma_start3A_844 = arith.constant 1 : i32
    %dma_start3A_845 = arith.constant 1 : i32
    %dma_start3A_846 = arith.constant 0 : i32
    %dma_start3A_847 = tpu.memref_slice %arg5[%dma_start3A_844, %dma_start3A_846] : memref<2x16384xf32, #tpu.memory_space<vmem>> -> memref<1x16384xf32, #tpu.memory_space<vmem>>
    %dma_start3A_848 = tpu.memref_squeeze %dma_start3A_847 : memref<1x16384xf32, #tpu.memory_space<vmem>> -> memref<16384xf32, #tpu.memory_space<vmem>>
    %dma_start3A_849 = tpu.memref_slice %arg4[%multiple_of3A_843] : memref<8388608xf32, #tpu.memory_space<hbm>> -> memref<16384xf32, #tpu.memory_space<hbm>>
    %dma_start3A_850 = tpu.memref_slice %arg9[%dma_start3A_845] : memref<2x!tpu.dma_semaphore, #tpu.memory_space<semaphore_mem>> -> memref<1x!tpu.dma_semaphore, #tpu.memory_space<semaphore_mem>>
    %dma_start3A_851 = tpu.memref_squeeze %dma_start3A_850 : memref<1x!tpu.dma_semaphore, #tpu.memory_space<semaphore_mem>> -> memref<!tpu.dma_semaphore, #tpu.memory_space<semaphore_mem>>
    %dma_start3A_852 = tpu.memref_slice %arg4[%multiple_of3A_843] : memref<8388608xf32, #tpu.memory_space<hbm>> -> memref<16384xf32, #tpu.memory_space<hbm>>
    %dma_start3A_853 = arith.constant 0 : i32
    %dma_start3A_854 = tpu.memref_slice %arg5[%dma_start3A_844, %dma_start3A_853] : memref<2x16384xf32, #tpu.memory_space<vmem>> -> memref<1x16384xf32, #tpu.memory_space<vmem>>
    %dma_start3A_855 = tpu.memref_squeeze %dma_start3A_854 : memref<1x16384xf32, #tpu.memory_space<vmem>> -> memref<16384xf32, #tpu.memory_space<vmem>>
    tpu.enqueue_dma source(%dma_start3A_855 : memref<16384xf32, #tpu.memory_space<vmem>>) target(%dma_start3A_852 : memref<16384xf32, #tpu.memory_space<hbm>>) target_semaphore(%dma_start3A_851 : memref<!tpu.dma_semaphore, #tpu.memory_space<semaphore_mem>>)
    %add3A_856 = arith.constant 4194304 : i32
    %add3A_857 = arith.addi %add3A_856, %multiple_of3A : i32
    %add3A_858 = arith.constant 49152 : i32
    %add3A_859 = arith.addi %add3A_857, %add3A_858 : i32
    %multiple_of3A_860 = tpu.assume_multiple %add3A_859, 16384 : i32
    %dma_wait3A_861 = arith.constant 1 : i32
    %dma_wait3A_862 = arith.constant 1 : i32
    %dma_wait3A_863 = arith.constant 0 : i32
    %dma_wait3A_864 = tpu.memref_slice %arg5[%dma_wait3A_861, %dma_wait3A_863] : memref<2x16384xf32, #tpu.memory_space<vmem>> -> memref<1x16384xf32, #tpu.memory_space<vmem>>
    %dma_wait3A_865 = tpu.memref_squeeze %dma_wait3A_864 : memref<1x16384xf32, #tpu.memory_space<vmem>> -> memref<16384xf32, #tpu.memory_space<vmem>>
    %dma_wait3A_866 = tpu.memref_slice %arg4[%multiple_of3A_860] : memref<8388608xf32, #tpu.memory_space<hbm>> -> memref<16384xf32, #tpu.memory_space<hbm>>
    %dma_wait3A_867 = tpu.memref_slice %arg9[%dma_wait3A_862] : memref<2x!tpu.dma_semaphore, #tpu.memory_space<semaphore_mem>> -> memref<1x!tpu.dma_semaphore, #tpu.memory_space<semaphore_mem>>
    %dma_wait3A_868 = tpu.memref_squeeze %dma_wait3A_867 : memref<1x!tpu.dma_semaphore, #tpu.memory_space<semaphore_mem>> -> memref<!tpu.dma_semaphore, #tpu.memory_space<semaphore_mem>>
    %dma_wait3A_869 = tpu.memref_slice %arg4[%multiple_of3A_860] : memref<8388608xf32, #tpu.memory_space<hbm>> -> memref<16384xf32, #tpu.memory_space<hbm>>
    %dma_wait3A_870 = arith.constant 0 : i32
    %dma_wait3A_871 = tpu.memref_slice %arg5[%dma_wait3A_861, %dma_wait3A_870] : memref<2x16384xf32, #tpu.memory_space<vmem>> -> memref<1x16384xf32, #tpu.memory_space<vmem>>
    %dma_wait3A_872 = tpu.memref_squeeze %dma_wait3A_871 : memref<1x16384xf32, #tpu.memory_space<vmem>> -> memref<16384xf32, #tpu.memory_space<vmem>>
    tpu.wait_dma2 semaphore(%dma_wait3A_868 : memref<!tpu.dma_semaphore, #tpu.memory_space<semaphore_mem>>) src(%dma_wait3A_872 : memref<16384xf32, #tpu.memory_space<vmem>>) dst(%dma_wait3A_869 : memref<16384xf32, #tpu.memory_space<hbm>>)
    %add3A_873 = arith.constant 6291456 : i32
    %add3A_874 = arith.addi %add3A_873, %multiple_of3A : i32
    %add3A_875 = arith.constant 16384 : i32
    %add3A_876 = arith.addi %add3A_874, %add3A_875 : i32
    %multiple_of3A_877 = tpu.assume_multiple %add3A_876, 16384 : i32
    %dma_start3A_878 = arith.constant 1 : i32
    %dma_start3A_879 = arith.constant 1 : i32
    %dma_start3A_880 = arith.constant 0 : i32
    %dma_start3A_881 = tpu.memref_slice %arg5[%dma_start3A_878, %dma_start3A_880] : memref<2x16384xf32, #tpu.memory_space<vmem>> -> memref<1x16384xf32, #tpu.memory_space<vmem>>
    %dma_start3A_882 = tpu.memref_squeeze %dma_start3A_881 : memref<1x16384xf32, #tpu.memory_space<vmem>> -> memref<16384xf32, #tpu.memory_space<vmem>>
    %dma_start3A_883 = tpu.memref_slice %arg2[%multiple_of3A_877] : memref<8388608xf32, #tpu.memory_space<hbm>> -> memref<16384xf32, #tpu.memory_space<hbm>>
    %dma_start3A_884 = tpu.memref_slice %arg7[%dma_start3A_879] : memref<2x!tpu.dma_semaphore, #tpu.memory_space<semaphore_mem>> -> memref<1x!tpu.dma_semaphore, #tpu.memory_space<semaphore_mem>>
    %dma_start3A_885 = tpu.memref_squeeze %dma_start3A_884 : memref<1x!tpu.dma_semaphore, #tpu.memory_space<semaphore_mem>> -> memref<!tpu.dma_semaphore, #tpu.memory_space<semaphore_mem>>
    %dma_start3A_886 = arith.constant 0 : i32
    %dma_start3A_887 = tpu.memref_slice %arg5[%dma_start3A_878, %dma_start3A_886] : memref<2x16384xf32, #tpu.memory_space<vmem>> -> memref<1x16384xf32, #tpu.memory_space<vmem>>
    %dma_start3A_888 = tpu.memref_squeeze %dma_start3A_887 : memref<1x16384xf32, #tpu.memory_space<vmem>> -> memref<16384xf32, #tpu.memory_space<vmem>>
    %dma_start3A_889 = tpu.memref_slice %arg2[%multiple_of3A_877] : memref<8388608xf32, #tpu.memory_space<hbm>> -> memref<16384xf32, #tpu.memory_space<hbm>>
    tpu.enqueue_dma source(%dma_start3A_889 : memref<16384xf32, #tpu.memory_space<hbm>>) target(%dma_start3A_888 : memref<16384xf32, #tpu.memory_space<vmem>>) target_semaphore(%dma_start3A_885 : memref<!tpu.dma_semaphore, #tpu.memory_space<semaphore_mem>>)
    %add3A_890 = arith.constant 6291456 : i32
    %add3A_891 = arith.addi %add3A_890, %multiple_of3A : i32
    %add3A_892 = arith.constant 0 : i32
    %add3A_893 = arith.addi %add3A_891, %add3A_892 : i32
    %multiple_of3A_894 = tpu.assume_multiple %add3A_893, 16384 : i32
    %dma_wait3A_895 = arith.constant 0 : i32
    %dma_wait3A_896 = arith.constant 0 : i32
    %dma_wait3A_897 = arith.constant 0 : i32
    %dma_wait3A_898 = tpu.memref_slice %arg5[%dma_wait3A_895, %dma_wait3A_897] : memref<2x16384xf32, #tpu.memory_space<vmem>> -> memref<1x16384xf32, #tpu.memory_space<vmem>>
    %dma_wait3A_899 = tpu.memref_squeeze %dma_wait3A_898 : memref<1x16384xf32, #tpu.memory_space<vmem>> -> memref<16384xf32, #tpu.memory_space<vmem>>
    %dma_wait3A_900 = tpu.memref_slice %arg2[%multiple_of3A_894] : memref<8388608xf32, #tpu.memory_space<hbm>> -> memref<16384xf32, #tpu.memory_space<hbm>>
    %dma_wait3A_901 = tpu.memref_slice %arg7[%dma_wait3A_896] : memref<2x!tpu.dma_semaphore, #tpu.memory_space<semaphore_mem>> -> memref<1x!tpu.dma_semaphore, #tpu.memory_space<semaphore_mem>>
    %dma_wait3A_902 = tpu.memref_squeeze %dma_wait3A_901 : memref<1x!tpu.dma_semaphore, #tpu.memory_space<semaphore_mem>> -> memref<!tpu.dma_semaphore, #tpu.memory_space<semaphore_mem>>
    %dma_wait3A_903 = arith.constant 0 : i32
    %dma_wait3A_904 = tpu.memref_slice %arg5[%dma_wait3A_895, %dma_wait3A_903] : memref<2x16384xf32, #tpu.memory_space<vmem>> -> memref<1x16384xf32, #tpu.memory_space<vmem>>
    %dma_wait3A_905 = tpu.memref_squeeze %dma_wait3A_904 : memref<1x16384xf32, #tpu.memory_space<vmem>> -> memref<16384xf32, #tpu.memory_space<vmem>>
    %dma_wait3A_906 = tpu.memref_slice %arg2[%multiple_of3A_894] : memref<8388608xf32, #tpu.memory_space<hbm>> -> memref<16384xf32, #tpu.memory_space<hbm>>
    tpu.wait_dma2 semaphore(%dma_wait3A_902 : memref<!tpu.dma_semaphore, #tpu.memory_space<semaphore_mem>>) src(%dma_wait3A_906 : memref<16384xf32, #tpu.memory_space<hbm>>) dst(%dma_wait3A_905 : memref<16384xf32, #tpu.memory_space<vmem>>)
    %parallel_loop3A_907 = arith.constant 0 : i32
    %parallel_loop3A_908 = arith.constant 1024 : i32
    %parallel_loop3A_909 = arith.constant 1 : i32
    scf.for %parallel_loop3A_1140 = %parallel_loop3A_907 to %parallel_loop3A_908 step %parallel_loop3A_909  : i32 {
      %parallel_loop3A_1141 = arith.constant 16 : i32
      %parallel_loop3A_1142 = arith.muli %parallel_loop3A_1140, %parallel_loop3A_1141 : i32
      %parallel_loop3A_1143 = arith.constant 0 : i32
      %parallel_loop3A_1144 = arith.addi %parallel_loop3A_1143, %parallel_loop3A_1142 : i32
      %parallel_loop3A_1145 = arith.index_cast %parallel_loop3A_1144 : i32 to index
      %parallel_loop3A_1146 = tpu.vector_load %arg6[%parallel_loop3A_1145] {strides = array<i32>} : memref<65536xf32, #tpu.memory_space<vmem>>, vector<16xf32>,
      %parallel_loop3A_1147 = vector.shape_cast %parallel_loop3A_1146 : vector<16xf32> to vector<16xf32>
      %parallel_loop3A_1148 = arith.constant 0 : i32
      %parallel_loop3A_1149 = arith.index_cast %parallel_loop3A_1148 : i32 to index
      %parallel_loop3A_1150 = arith.index_cast %parallel_loop3A_1142 : i32 to index
      %parallel_loop3A_1151 = tpu.vector_load %arg5[%parallel_loop3A_1149, %parallel_loop3A_1150] {strides = array<i32>} : memref<2x16384xf32, #tpu.memory_space<vmem>>, vector<1x16xf32>,
      %parallel_loop3A_1152 = vector.shape_cast %parallel_loop3A_1151 : vector<1x16xf32> to vector<16xf32>
      %parallel_loop3A_1153 = vector.shape_cast %parallel_loop3A_1147 : vector<16xf32> to vector<1x16xf32>
      tpu.vector_store %arg5[%parallel_loop3A_1149, %parallel_loop3A_1150], %parallel_loop3A_1153 {add = true, strides = array<i32>} : memref<2x16384xf32, #tpu.memory_space<vmem>>, vector<1x16xf32>,
    } {sc.loop_unroll_factor = 8 : i64, sc.parallel_access}
    %add3A_910 = arith.constant 6291456 : i32
    %add3A_911 = arith.addi %add3A_910, %multiple_of3A : i32
    %add3A_912 = arith.constant 0 : i32
    %add3A_913 = arith.addi %add3A_911, %add3A_912 : i32
    %multiple_of3A_914 = tpu.assume_multiple %add3A_913, 16384 : i32
    %dma_start3A_915 = arith.constant 0 : i32
    %dma_start3A_916 = arith.constant 0 : i32
    %dma_start3A_917 = arith.constant 0 : i32
    %dma_start3A_918 = tpu.memref_slice %arg5[%dma_start3A_915, %dma_start3A_917] : memref<2x16384xf32, #tpu.memory_space<vmem>> -> memref<1x16384xf32, #tpu.memory_space<vmem>>
    %dma_start3A_919 = tpu.memref_squeeze %dma_start3A_918 : memref<1x16384xf32, #tpu.memory_space<vmem>> -> memref<16384xf32, #tpu.memory_space<vmem>>
    %dma_start3A_920 = tpu.memref_slice %arg4[%multiple_of3A_914] : memref<8388608xf32, #tpu.memory_space<hbm>> -> memref<16384xf32, #tpu.memory_space<hbm>>
    %dma_start3A_921 = tpu.memref_slice %arg9[%dma_start3A_916] : memref<2x!tpu.dma_semaphore, #tpu.memory_space<semaphore_mem>> -> memref<1x!tpu.dma_semaphore, #tpu.memory_space<semaphore_mem>>
    %dma_start3A_922 = tpu.memref_squeeze %dma_start3A_921 : memref<1x!tpu.dma_semaphore, #tpu.memory_space<semaphore_mem>> -> memref<!tpu.dma_semaphore, #tpu.memory_space<semaphore_mem>>
    %dma_start3A_923 = tpu.memref_slice %arg4[%multiple_of3A_914] : memref<8388608xf32, #tpu.memory_space<hbm>> -> memref<16384xf32, #tpu.memory_space<hbm>>
    %dma_start3A_924 = arith.constant 0 : i32
    %dma_start3A_925 = tpu.memref_slice %arg5[%dma_start3A_915, %dma_start3A_924] : memref<2x16384xf32, #tpu.memory_space<vmem>> -> memref<1x16384xf32, #tpu.memory_space<vmem>>
    %dma_start3A_926 = tpu.memref_squeeze %dma_start3A_925 : memref<1x16384xf32, #tpu.memory_space<vmem>> -> memref<16384xf32, #tpu.memory_space<vmem>>
    tpu.enqueue_dma source(%dma_start3A_926 : memref<16384xf32, #tpu.memory_space<vmem>>) target(%dma_start3A_923 : memref<16384xf32, #tpu.memory_space<hbm>>) target_semaphore(%dma_start3A_922 : memref<!tpu.dma_semaphore, #tpu.memory_space<semaphore_mem>>)
    %add3A_927 = arith.constant 6291456 : i32
    %add3A_928 = arith.addi %add3A_927, %multiple_of3A : i32
    %add3A_929 = arith.constant 0 : i32
    %add3A_930 = arith.addi %add3A_928, %add3A_929 : i32
    %multiple_of3A_931 = tpu.assume_multiple %add3A_930, 16384 : i32
    %dma_wait3A_932 = arith.constant 0 : i32
    %dma_wait3A_933 = arith.constant 0 : i32
    %dma_wait3A_934 = arith.constant 0 : i32
    %dma_wait3A_935 = tpu.memref_slice %arg5[%dma_wait3A_932, %dma_wait3A_934] : memref<2x16384xf32, #tpu.memory_space<vmem>> -> memref<1x16384xf32, #tpu.memory_space<vmem>>
    %dma_wait3A_936 = tpu.memref_squeeze %dma_wait3A_935 : memref<1x16384xf32, #tpu.memory_space<vmem>> -> memref<16384xf32, #tpu.memory_space<vmem>>
    %dma_wait3A_937 = tpu.memref_slice %arg4[%multiple_of3A_931] : memref<8388608xf32, #tpu.memory_space<hbm>> -> memref<16384xf32, #tpu.memory_space<hbm>>
    %dma_wait3A_938 = tpu.memref_slice %arg9[%dma_wait3A_933] : memref<2x!tpu.dma_semaphore, #tpu.memory_space<semaphore_mem>> -> memref<1x!tpu.dma_semaphore, #tpu.memory_space<semaphore_mem>>
    %dma_wait3A_939 = tpu.memref_squeeze %dma_wait3A_938 : memref<1x!tpu.dma_semaphore, #tpu.memory_space<semaphore_mem>> -> memref<!tpu.dma_semaphore, #tpu.memory_space<semaphore_mem>>
    %dma_wait3A_940 = tpu.memref_slice %arg4[%multiple_of3A_931] : memref<8388608xf32, #tpu.memory_space<hbm>> -> memref<16384xf32, #tpu.memory_space<hbm>>
    %dma_wait3A_941 = arith.constant 0 : i32
    %dma_wait3A_942 = tpu.memref_slice %arg5[%dma_wait3A_932, %dma_wait3A_941] : memref<2x16384xf32, #tpu.memory_space<vmem>> -> memref<1x16384xf32, #tpu.memory_space<vmem>>
    %dma_wait3A_943 = tpu.memref_squeeze %dma_wait3A_942 : memref<1x16384xf32, #tpu.memory_space<vmem>> -> memref<16384xf32, #tpu.memory_space<vmem>>
    tpu.wait_dma2 semaphore(%dma_wait3A_939 : memref<!tpu.dma_semaphore, #tpu.memory_space<semaphore_mem>>) src(%dma_wait3A_943 : memref<16384xf32, #tpu.memory_space<vmem>>) dst(%dma_wait3A_940 : memref<16384xf32, #tpu.memory_space<hbm>>)
    %add3A_944 = arith.constant 6291456 : i32
    %add3A_945 = arith.addi %add3A_944, %multiple_of3A : i32
    %add3A_946 = arith.constant 32768 : i32
    %add3A_947 = arith.addi %add3A_945, %add3A_946 : i32
    %multiple_of3A_948 = tpu.assume_multiple %add3A_947, 16384 : i32
    %dma_start3A_949 = arith.constant 0 : i32
    %dma_start3A_950 = arith.constant 0 : i32
    %dma_start3A_951 = arith.constant 0 : i32
    %dma_start3A_952 = tpu.memref_slice %arg5[%dma_start3A_949, %dma_start3A_951] : memref<2x16384xf32, #tpu.memory_space<vmem>> -> memref<1x16384xf32, #tpu.memory_space<vmem>>
    %dma_start3A_953 = tpu.memref_squeeze %dma_start3A_952 : memref<1x16384xf32, #tpu.memory_space<vmem>> -> memref<16384xf32, #tpu.memory_space<vmem>>
    %dma_start3A_954 = tpu.memref_slice %arg2[%multiple_of3A_948] : memref<8388608xf32, #tpu.memory_space<hbm>> -> memref<16384xf32, #tpu.memory_space<hbm>>
    %dma_start3A_955 = tpu.memref_slice %arg7[%dma_start3A_950] : memref<2x!tpu.dma_semaphore, #tpu.memory_space<semaphore_mem>> -> memref<1x!tpu.dma_semaphore, #tpu.memory_space<semaphore_mem>>
    %dma_start3A_956 = tpu.memref_squeeze %dma_start3A_955 : memref<1x!tpu.dma_semaphore, #tpu.memory_space<semaphore_mem>> -> memref<!tpu.dma_semaphore, #tpu.memory_space<semaphore_mem>>
    %dma_start3A_957 = arith.constant 0 : i32
    %dma_start3A_958 = tpu.memref_slice %arg5[%dma_start3A_949, %dma_start3A_957] : memref<2x16384xf32, #tpu.memory_space<vmem>> -> memref<1x16384xf32, #tpu.memory_space<vmem>>
    %dma_start3A_959 = tpu.memref_squeeze %dma_start3A_958 : memref<1x16384xf32, #tpu.memory_space<vmem>> -> memref<16384xf32, #tpu.memory_space<vmem>>
    %dma_start3A_960 = tpu.memref_slice %arg2[%multiple_of3A_948] : memref<8388608xf32, #tpu.memory_space<hbm>> -> memref<16384xf32, #tpu.memory_space<hbm>>
    tpu.enqueue_dma source(%dma_start3A_960 : memref<16384xf32, #tpu.memory_space<hbm>>) target(%dma_start3A_959 : memref<16384xf32, #tpu.memory_space<vmem>>) target_semaphore(%dma_start3A_956 : memref<!tpu.dma_semaphore, #tpu.memory_space<semaphore_mem>>)
    %add3A_961 = arith.constant 6291456 : i32
    %add3A_962 = arith.addi %add3A_961, %multiple_of3A : i32
    %add3A_963 = arith.constant 16384 : i32
    %add3A_964 = arith.addi %add3A_962, %add3A_963 : i32
    %multiple_of3A_965 = tpu.assume_multiple %add3A_964, 16384 : i32
    %dma_wait3A_966 = arith.constant 1 : i32
    %dma_wait3A_967 = arith.constant 1 : i32
    %dma_wait3A_968 = arith.constant 0 : i32
    %dma_wait3A_969 = tpu.memref_slice %arg5[%dma_wait3A_966, %dma_wait3A_968] : memref<2x16384xf32, #tpu.memory_space<vmem>> -> memref<1x16384xf32, #tpu.memory_space<vmem>>
    %dma_wait3A_970 = tpu.memref_squeeze %dma_wait3A_969 : memref<1x16384xf32, #tpu.memory_space<vmem>> -> memref<16384xf32, #tpu.memory_space<vmem>>
    %dma_wait3A_971 = tpu.memref_slice %arg2[%multiple_of3A_965] : memref<8388608xf32, #tpu.memory_space<hbm>> -> memref<16384xf32, #tpu.memory_space<hbm>>
    %dma_wait3A_972 = tpu.memref_slice %arg7[%dma_wait3A_967] : memref<2x!tpu.dma_semaphore, #tpu.memory_space<semaphore_mem>> -> memref<1x!tpu.dma_semaphore, #tpu.memory_space<semaphore_mem>>
    %dma_wait3A_973 = tpu.memref_squeeze %dma_wait3A_972 : memref<1x!tpu.dma_semaphore, #tpu.memory_space<semaphore_mem>> -> memref<!tpu.dma_semaphore, #tpu.memory_space<semaphore_mem>>
    %dma_wait3A_974 = arith.constant 0 : i32
    %dma_wait3A_975 = tpu.memref_slice %arg5[%dma_wait3A_966, %dma_wait3A_974] : memref<2x16384xf32, #tpu.memory_space<vmem>> -> memref<1x16384xf32, #tpu.memory_space<vmem>>
    %dma_wait3A_976 = tpu.memref_squeeze %dma_wait3A_975 : memref<1x16384xf32, #tpu.memory_space<vmem>> -> memref<16384xf32, #tpu.memory_space<vmem>>
    %dma_wait3A_977 = tpu.memref_slice %arg2[%multiple_of3A_965] : memref<8388608xf32, #tpu.memory_space<hbm>> -> memref<16384xf32, #tpu.memory_space<hbm>>
    tpu.wait_dma2 semaphore(%dma_wait3A_973 : memref<!tpu.dma_semaphore, #tpu.memory_space<semaphore_mem>>) src(%dma_wait3A_977 : memref<16384xf32, #tpu.memory_space<hbm>>) dst(%dma_wait3A_976 : memref<16384xf32, #tpu.memory_space<vmem>>)
    %parallel_loop3A_978 = arith.constant 0 : i32
    %parallel_loop3A_979 = arith.constant 1024 : i32
    %parallel_loop3A_980 = arith.constant 1 : i32
    scf.for %parallel_loop3A_1140 = %parallel_loop3A_978 to %parallel_loop3A_979 step %parallel_loop3A_980  : i32 {
      %parallel_loop3A_1141 = arith.constant 16 : i32
      %parallel_loop3A_1142 = arith.muli %parallel_loop3A_1140, %parallel_loop3A_1141 : i32
      %parallel_loop3A_1143 = arith.constant 16384 : i32
      %parallel_loop3A_1144 = arith.addi %parallel_loop3A_1143, %parallel_loop3A_1142 : i32
      %parallel_loop3A_1145 = arith.index_cast %parallel_loop3A_1144 : i32 to index
      %parallel_loop3A_1146 = tpu.vector_load %arg6[%parallel_loop3A_1145] {strides = array<i32>} : memref<65536xf32, #tpu.memory_space<vmem>>, vector<16xf32>,
      %parallel_loop3A_1147 = vector.shape_cast %parallel_loop3A_1146 : vector<16xf32> to vector<16xf32>
      %parallel_loop3A_1148 = arith.constant 1 : i32
      %parallel_loop3A_1149 = arith.index_cast %parallel_loop3A_1148 : i32 to index
      %parallel_loop3A_1150 = arith.index_cast %parallel_loop3A_1142 : i32 to index
      %parallel_loop3A_1151 = tpu.vector_load %arg5[%parallel_loop3A_1149, %parallel_loop3A_1150] {strides = array<i32>} : memref<2x16384xf32, #tpu.memory_space<vmem>>, vector<1x16xf32>,
      %parallel_loop3A_1152 = vector.shape_cast %parallel_loop3A_1151 : vector<1x16xf32> to vector<16xf32>
      %parallel_loop3A_1153 = vector.shape_cast %parallel_loop3A_1147 : vector<16xf32> to vector<1x16xf32>
      tpu.vector_store %arg5[%parallel_loop3A_1149, %parallel_loop3A_1150], %parallel_loop3A_1153 {add = true, strides = array<i32>} : memref<2x16384xf32, #tpu.memory_space<vmem>>, vector<1x16xf32>,
    } {sc.loop_unroll_factor = 8 : i64, sc.parallel_access}
    %add3A_981 = arith.constant 6291456 : i32
    %add3A_982 = arith.addi %add3A_981, %multiple_of3A : i32
    %add3A_983 = arith.constant 16384 : i32
    %add3A_984 = arith.addi %add3A_982, %add3A_983 : i32
    %multiple_of3A_985 = tpu.assume_multiple %add3A_984, 16384 : i32
    %dma_start3A_986 = arith.constant 1 : i32
    %dma_start3A_987 = arith.constant 1 : i32
    %dma_start3A_988 = arith.constant 0 : i32
    %dma_start3A_989 = tpu.memref_slice %arg5[%dma_start3A_986, %dma_start3A_988] : memref<2x16384xf32, #tpu.memory_space<vmem>> -> memref<1x16384xf32, #tpu.memory_space<vmem>>
    %dma_start3A_990 = tpu.memref_squeeze %dma_start3A_989 : memref<1x16384xf32, #tpu.memory_space<vmem>> -> memref<16384xf32, #tpu.memory_space<vmem>>
    %dma_start3A_991 = tpu.memref_slice %arg4[%multiple_of3A_985] : memref<8388608xf32, #tpu.memory_space<hbm>> -> memref<16384xf32, #tpu.memory_space<hbm>>
    %dma_start3A_992 = tpu.memref_slice %arg9[%dma_start3A_987] : memref<2x!tpu.dma_semaphore, #tpu.memory_space<semaphore_mem>> -> memref<1x!tpu.dma_semaphore, #tpu.memory_space<semaphore_mem>>
    %dma_start3A_993 = tpu.memref_squeeze %dma_start3A_992 : memref<1x!tpu.dma_semaphore, #tpu.memory_space<semaphore_mem>> -> memref<!tpu.dma_semaphore, #tpu.memory_space<semaphore_mem>>
    %dma_start3A_994 = tpu.memref_slice %arg4[%multiple_of3A_985] : memref<8388608xf32, #tpu.memory_space<hbm>> -> memref<16384xf32, #tpu.memory_space<hbm>>
    %dma_start3A_995 = arith.constant 0 : i32
    %dma_start3A_996 = tpu.memref_slice %arg5[%dma_start3A_986, %dma_start3A_995] : memref<2x16384xf32, #tpu.memory_space<vmem>> -> memref<1x16384xf32, #tpu.memory_space<vmem>>
    %dma_start3A_997 = tpu.memref_squeeze %dma_start3A_996 : memref<1x16384xf32, #tpu.memory_space<vmem>> -> memref<16384xf32, #tpu.memory_space<vmem>>
    tpu.enqueue_dma source(%dma_start3A_997 : memref<16384xf32, #tpu.memory_space<vmem>>) target(%dma_start3A_994 : memref<16384xf32, #tpu.memory_space<hbm>>) target_semaphore(%dma_start3A_993 : memref<!tpu.dma_semaphore, #tpu.memory_space<semaphore_mem>>)
    %add3A_998 = arith.constant 6291456 : i32
    %add3A_999 = arith.addi %add3A_998, %multiple_of3A : i32
    %add3A_1000 = arith.constant 16384 : i32
    %add3A_1001 = arith.addi %add3A_999, %add3A_1000 : i32
    %multiple_of3A_1002 = tpu.assume_multiple %add3A_1001, 16384 : i32
    %dma_wait3A_1003 = arith.constant 1 : i32
    %dma_wait3A_1004 = arith.constant 1 : i32
    %dma_wait3A_1005 = arith.constant 0 : i32
    %dma_wait3A_1006 = tpu.memref_slice %arg5[%dma_wait3A_1003, %dma_wait3A_1005] : memref<2x16384xf32, #tpu.memory_space<vmem>> -> memref<1x16384xf32, #tpu.memory_space<vmem>>
    %dma_wait3A_1007 = tpu.memref_squeeze %dma_wait3A_1006 : memref<1x16384xf32, #tpu.memory_space<vmem>> -> memref<16384xf32, #tpu.memory_space<vmem>>
    %dma_wait3A_1008 = tpu.memref_slice %arg4[%multiple_of3A_1002] : memref<8388608xf32, #tpu.memory_space<hbm>> -> memref<16384xf32, #tpu.memory_space<hbm>>
    %dma_wait3A_1009 = tpu.memref_slice %arg9[%dma_wait3A_1004] : memref<2x!tpu.dma_semaphore, #tpu.memory_space<semaphore_mem>> -> memref<1x!tpu.dma_semaphore, #tpu.memory_space<semaphore_mem>>
    %dma_wait3A_1010 = tpu.memref_squeeze %dma_wait3A_1009 : memref<1x!tpu.dma_semaphore, #tpu.memory_space<semaphore_mem>> -> memref<!tpu.dma_semaphore, #tpu.memory_space<semaphore_mem>>
    %dma_wait3A_1011 = tpu.memref_slice %arg4[%multiple_of3A_1002] : memref<8388608xf32, #tpu.memory_space<hbm>> -> memref<16384xf32, #tpu.memory_space<hbm>>
    %dma_wait3A_1012 = arith.constant 0 : i32
    %dma_wait3A_1013 = tpu.memref_slice %arg5[%dma_wait3A_1003, %dma_wait3A_1012] : memref<2x16384xf32, #tpu.memory_space<vmem>> -> memref<1x16384xf32, #tpu.memory_space<vmem>>
    %dma_wait3A_1014 = tpu.memref_squeeze %dma_wait3A_1013 : memref<1x16384xf32, #tpu.memory_space<vmem>> -> memref<16384xf32, #tpu.memory_space<vmem>>
    tpu.wait_dma2 semaphore(%dma_wait3A_1010 : memref<!tpu.dma_semaphore, #tpu.memory_space<semaphore_mem>>) src(%dma_wait3A_1014 : memref<16384xf32, #tpu.memory_space<vmem>>) dst(%dma_wait3A_1011 : memref<16384xf32, #tpu.memory_space<hbm>>)
    %add3A_1015 = arith.constant 6291456 : i32
    %add3A_1016 = arith.addi %add3A_1015, %multiple_of3A : i32
    %add3A_1017 = arith.constant 49152 : i32
    %add3A_1018 = arith.addi %add3A_1016, %add3A_1017 : i32
    %multiple_of3A_1019 = tpu.assume_multiple %add3A_1018, 16384 : i32
    %dma_start3A_1020 = arith.constant 1 : i32
    %dma_start3A_1021 = arith.constant 1 : i32
    %dma_start3A_1022 = arith.constant 0 : i32
    %dma_start3A_1023 = tpu.memref_slice %arg5[%dma_start3A_1020, %dma_start3A_1022] : memref<2x16384xf32, #tpu.memory_space<vmem>> -> memref<1x16384xf32, #tpu.memory_space<vmem>>
    %dma_start3A_1024 = tpu.memref_squeeze %dma_start3A_1023 : memref<1x16384xf32, #tpu.memory_space<vmem>> -> memref<16384xf32, #tpu.memory_space<vmem>>
    %dma_start3A_1025 = tpu.memref_slice %arg2[%multiple_of3A_1019] : memref<8388608xf32, #tpu.memory_space<hbm>> -> memref<16384xf32, #tpu.memory_space<hbm>>
    %dma_start3A_1026 = tpu.memref_slice %arg7[%dma_start3A_1021] : memref<2x!tpu.dma_semaphore, #tpu.memory_space<semaphore_mem>> -> memref<1x!tpu.dma_semaphore, #tpu.memory_space<semaphore_mem>>
    %dma_start3A_1027 = tpu.memref_squeeze %dma_start3A_1026 : memref<1x!tpu.dma_semaphore, #tpu.memory_space<semaphore_mem>> -> memref<!tpu.dma_semaphore, #tpu.memory_space<semaphore_mem>>
    %dma_start3A_1028 = arith.constant 0 : i32
    %dma_start3A_1029 = tpu.memref_slice %arg5[%dma_start3A_1020, %dma_start3A_1028] : memref<2x16384xf32, #tpu.memory_space<vmem>> -> memref<1x16384xf32, #tpu.memory_space<vmem>>
    %dma_start3A_1030 = tpu.memref_squeeze %dma_start3A_1029 : memref<1x16384xf32, #tpu.memory_space<vmem>> -> memref<16384xf32, #tpu.memory_space<vmem>>
    %dma_start3A_1031 = tpu.memref_slice %arg2[%multiple_of3A_1019] : memref<8388608xf32, #tpu.memory_space<hbm>> -> memref<16384xf32, #tpu.memory_space<hbm>>
    tpu.enqueue_dma source(%dma_start3A_1031 : memref<16384xf32, #tpu.memory_space<hbm>>) target(%dma_start3A_1030 : memref<16384xf32, #tpu.memory_space<vmem>>) target_semaphore(%dma_start3A_1027 : memref<!tpu.dma_semaphore, #tpu.memory_space<semaphore_mem>>)
    %add3A_1032 = arith.constant 6291456 : i32
    %add3A_1033 = arith.addi %add3A_1032, %multiple_of3A : i32
    %add3A_1034 = arith.constant 32768 : i32
    %add3A_1035 = arith.addi %add3A_1033, %add3A_1034 : i32
    %multiple_of3A_1036 = tpu.assume_multiple %add3A_1035, 16384 : i32
    %dma_wait3A_1037 = arith.constant 0 : i32
    %dma_wait3A_1038 = arith.constant 0 : i32
    %dma_wait3A_1039 = arith.constant 0 : i32
    %dma_wait3A_1040 = tpu.memref_slice %arg5[%dma_wait3A_1037, %dma_wait3A_1039] : memref<2x16384xf32, #tpu.memory_space<vmem>> -> memref<1x16384xf32, #tpu.memory_space<vmem>>
    %dma_wait3A_1041 = tpu.memref_squeeze %dma_wait3A_1040 : memref<1x16384xf32, #tpu.memory_space<vmem>> -> memref<16384xf32, #tpu.memory_space<vmem>>
    %dma_wait3A_1042 = tpu.memref_slice %arg2[%multiple_of3A_1036] : memref<8388608xf32, #tpu.memory_space<hbm>> -> memref<16384xf32, #tpu.memory_space<hbm>>
    %dma_wait3A_1043 = tpu.memref_slice %arg7[%dma_wait3A_1038] : memref<2x!tpu.dma_semaphore, #tpu.memory_space<semaphore_mem>> -> memref<1x!tpu.dma_semaphore, #tpu.memory_space<semaphore_mem>>
    %dma_wait3A_1044 = tpu.memref_squeeze %dma_wait3A_1043 : memref<1x!tpu.dma_semaphore, #tpu.memory_space<semaphore_mem>> -> memref<!tpu.dma_semaphore, #tpu.memory_space<semaphore_mem>>
    %dma_wait3A_1045 = arith.constant 0 : i32
    %dma_wait3A_1046 = tpu.memref_slice %arg5[%dma_wait3A_1037, %dma_wait3A_1045] : memref<2x16384xf32, #tpu.memory_space<vmem>> -> memref<1x16384xf32, #tpu.memory_space<vmem>>
    %dma_wait3A_1047 = tpu.memref_squeeze %dma_wait3A_1046 : memref<1x16384xf32, #tpu.memory_space<vmem>> -> memref<16384xf32, #tpu.memory_space<vmem>>
    %dma_wait3A_1048 = tpu.memref_slice %arg2[%multiple_of3A_1036] : memref<8388608xf32, #tpu.memory_space<hbm>> -> memref<16384xf32, #tpu.memory_space<hbm>>
    tpu.wait_dma2 semaphore(%dma_wait3A_1044 : memref<!tpu.dma_semaphore, #tpu.memory_space<semaphore_mem>>) src(%dma_wait3A_1048 : memref<16384xf32, #tpu.memory_space<hbm>>) dst(%dma_wait3A_1047 : memref<16384xf32, #tpu.memory_space<vmem>>)
    %parallel_loop3A_1049 = arith.constant 0 : i32
    %parallel_loop3A_1050 = arith.constant 1024 : i32
    %parallel_loop3A_1051 = arith.constant 1 : i32
    scf.for %parallel_loop3A_1140 = %parallel_loop3A_1049 to %parallel_loop3A_1050 step %parallel_loop3A_1051  : i32 {
      %parallel_loop3A_1141 = arith.constant 16 : i32
      %parallel_loop3A_1142 = arith.muli %parallel_loop3A_1140, %parallel_loop3A_1141 : i32
      %parallel_loop3A_1143 = arith.constant 32768 : i32
      %parallel_loop3A_1144 = arith.addi %parallel_loop3A_1143, %parallel_loop3A_1142 : i32
      %parallel_loop3A_1145 = arith.index_cast %parallel_loop3A_1144 : i32 to index
      %parallel_loop3A_1146 = tpu.vector_load %arg6[%parallel_loop3A_1145] {strides = array<i32>} : memref<65536xf32, #tpu.memory_space<vmem>>, vector<16xf32>,
      %parallel_loop3A_1147 = vector.shape_cast %parallel_loop3A_1146 : vector<16xf32> to vector<16xf32>
      %parallel_loop3A_1148 = arith.constant 0 : i32
      %parallel_loop3A_1149 = arith.index_cast %parallel_loop3A_1148 : i32 to index
      %parallel_loop3A_1150 = arith.index_cast %parallel_loop3A_1142 : i32 to index
      %parallel_loop3A_1151 = tpu.vector_load %arg5[%parallel_loop3A_1149, %parallel_loop3A_1150] {strides = array<i32>} : memref<2x16384xf32, #tpu.memory_space<vmem>>, vector<1x16xf32>,
      %parallel_loop3A_1152 = vector.shape_cast %parallel_loop3A_1151 : vector<1x16xf32> to vector<16xf32>
      %parallel_loop3A_1153 = vector.shape_cast %parallel_loop3A_1147 : vector<16xf32> to vector<1x16xf32>
      tpu.vector_store %arg5[%parallel_loop3A_1149, %parallel_loop3A_1150], %parallel_loop3A_1153 {add = true, strides = array<i32>} : memref<2x16384xf32, #tpu.memory_space<vmem>>, vector<1x16xf32>,
    } {sc.loop_unroll_factor = 8 : i64, sc.parallel_access}
    %add3A_1052 = arith.constant 6291456 : i32
    %add3A_1053 = arith.addi %add3A_1052, %multiple_of3A : i32
    %add3A_1054 = arith.constant 32768 : i32
    %add3A_1055 = arith.addi %add3A_1053, %add3A_1054 : i32
    %multiple_of3A_1056 = tpu.assume_multiple %add3A_1055, 16384 : i32
    %dma_start3A_1057 = arith.constant 0 : i32
    %dma_start3A_1058 = arith.constant 0 : i32
    %dma_start3A_1059 = arith.constant 0 : i32
    %dma_start3A_1060 = tpu.memref_slice %arg5[%dma_start3A_1057, %dma_start3A_1059] : memref<2x16384xf32, #tpu.memory_space<vmem>> -> memref<1x16384xf32, #tpu.memory_space<vmem>>
    %dma_start3A_1061 = tpu.memref_squeeze %dma_start3A_1060 : memref<1x16384xf32, #tpu.memory_space<vmem>> -> memref<16384xf32, #tpu.memory_space<vmem>>
    %dma_start3A_1062 = tpu.memref_slice %arg4[%multiple_of3A_1056] : memref<8388608xf32, #tpu.memory_space<hbm>> -> memref<16384xf32, #tpu.memory_space<hbm>>
    %dma_start3A_1063 = tpu.memref_slice %arg9[%dma_start3A_1058] : memref<2x!tpu.dma_semaphore, #tpu.memory_space<semaphore_mem>> -> memref<1x!tpu.dma_semaphore, #tpu.memory_space<semaphore_mem>>
    %dma_start3A_1064 = tpu.memref_squeeze %dma_start3A_1063 : memref<1x!tpu.dma_semaphore, #tpu.memory_space<semaphore_mem>> -> memref<!tpu.dma_semaphore, #tpu.memory_space<semaphore_mem>>
    %dma_start3A_1065 = tpu.memref_slice %arg4[%multiple_of3A_1056] : memref<8388608xf32, #tpu.memory_space<hbm>> -> memref<16384xf32, #tpu.memory_space<hbm>>
    %dma_start3A_1066 = arith.constant 0 : i32
    %dma_start3A_1067 = tpu.memref_slice %arg5[%dma_start3A_1057, %dma_start3A_1066] : memref<2x16384xf32, #tpu.memory_space<vmem>> -> memref<1x16384xf32, #tpu.memory_space<vmem>>
    %dma_start3A_1068 = tpu.memref_squeeze %dma_start3A_1067 : memref<1x16384xf32, #tpu.memory_space<vmem>> -> memref<16384xf32, #tpu.memory_space<vmem>>
    tpu.enqueue_dma source(%dma_start3A_1068 : memref<16384xf32, #tpu.memory_space<vmem>>) target(%dma_start3A_1065 : memref<16384xf32, #tpu.memory_space<hbm>>) target_semaphore(%dma_start3A_1064 : memref<!tpu.dma_semaphore, #tpu.memory_space<semaphore_mem>>)
    %add3A_1069 = arith.constant 6291456 : i32
    %add3A_1070 = arith.addi %add3A_1069, %multiple_of3A : i32
    %add3A_1071 = arith.constant 49152 : i32
    %add3A_1072 = arith.addi %add3A_1070, %add3A_1071 : i32
    %multiple_of3A_1073 = tpu.assume_multiple %add3A_1072, 16384 : i32
    %dma_wait3A_1074 = arith.constant 1 : i32
    %dma_wait3A_1075 = arith.constant 1 : i32
    %dma_wait3A_1076 = arith.constant 0 : i32
    %dma_wait3A_1077 = tpu.memref_slice %arg5[%dma_wait3A_1074, %dma_wait3A_1076] : memref<2x16384xf32, #tpu.memory_space<vmem>> -> memref<1x16384xf32, #tpu.memory_space<vmem>>
    %dma_wait3A_1078 = tpu.memref_squeeze %dma_wait3A_1077 : memref<1x16384xf32, #tpu.memory_space<vmem>> -> memref<16384xf32, #tpu.memory_space<vmem>>
    %dma_wait3A_1079 = tpu.memref_slice %arg2[%multiple_of3A_1073] : memref<8388608xf32, #tpu.memory_space<hbm>> -> memref<16384xf32, #tpu.memory_space<hbm>>
    %dma_wait3A_1080 = tpu.memref_slice %arg7[%dma_wait3A_1075] : memref<2x!tpu.dma_semaphore, #tpu.memory_space<semaphore_mem>> -> memref<1x!tpu.dma_semaphore, #tpu.memory_space<semaphore_mem>>
    %dma_wait3A_1081 = tpu.memref_squeeze %dma_wait3A_1080 : memref<1x!tpu.dma_semaphore, #tpu.memory_space<semaphore_mem>> -> memref<!tpu.dma_semaphore, #tpu.memory_space<semaphore_mem>>
    %dma_wait3A_1082 = arith.constant 0 : i32
    %dma_wait3A_1083 = tpu.memref_slice %arg5[%dma_wait3A_1074, %dma_wait3A_1082] : memref<2x16384xf32, #tpu.memory_space<vmem>> -> memref<1x16384xf32, #tpu.memory_space<vmem>>
    %dma_wait3A_1084 = tpu.memref_squeeze %dma_wait3A_1083 : memref<1x16384xf32, #tpu.memory_space<vmem>> -> memref<16384xf32, #tpu.memory_space<vmem>>
    %dma_wait3A_1085 = tpu.memref_slice %arg2[%multiple_of3A_1073] : memref<8388608xf32, #tpu.memory_space<hbm>> -> memref<16384xf32, #tpu.memory_space<hbm>>
    tpu.wait_dma2 semaphore(%dma_wait3A_1081 : memref<!tpu.dma_semaphore, #tpu.memory_space<semaphore_mem>>) src(%dma_wait3A_1085 : memref<16384xf32, #tpu.memory_space<hbm>>) dst(%dma_wait3A_1084 : memref<16384xf32, #tpu.memory_space<vmem>>)
    %parallel_loop3A_1086 = arith.constant 0 : i32
    %parallel_loop3A_1087 = arith.constant 1024 : i32
    %parallel_loop3A_1088 = arith.constant 1 : i32
    scf.for %parallel_loop3A_1140 = %parallel_loop3A_1086 to %parallel_loop3A_1087 step %parallel_loop3A_1088  : i32 {
      %parallel_loop3A_1141 = arith.constant 16 : i32
      %parallel_loop3A_1142 = arith.muli %parallel_loop3A_1140, %parallel_loop3A_1141 : i32
      %parallel_loop3A_1143 = arith.constant 49152 : i32
      %parallel_loop3A_1144 = arith.addi %parallel_loop3A_1143, %parallel_loop3A_1142 : i32
      %parallel_loop3A_1145 = arith.index_cast %parallel_loop3A_1144 : i32 to index
      %parallel_loop3A_1146 = tpu.vector_load %arg6[%parallel_loop3A_1145] {strides = array<i32>} : memref<65536xf32, #tpu.memory_space<vmem>>, vector<16xf32>,
      %parallel_loop3A_1147 = vector.shape_cast %parallel_loop3A_1146 : vector<16xf32> to vector<16xf32>
      %parallel_loop3A_1148 = arith.constant 1 : i32
      %parallel_loop3A_1149 = arith.index_cast %parallel_loop3A_1148 : i32 to index
      %parallel_loop3A_1150 = arith.index_cast %parallel_loop3A_1142 : i32 to index
      %parallel_loop3A_1151 = tpu.vector_load %arg5[%parallel_loop3A_1149, %parallel_loop3A_1150] {strides = array<i32>} : memref<2x16384xf32, #tpu.memory_space<vmem>>, vector<1x16xf32>,
      %parallel_loop3A_1152 = vector.shape_cast %parallel_loop3A_1151 : vector<1x16xf32> to vector<16xf32>
      %parallel_loop3A_1153 = vector.shape_cast %parallel_loop3A_1147 : vector<16xf32> to vector<1x16xf32>
      tpu.vector_store %arg5[%parallel_loop3A_1149, %parallel_loop3A_1150], %parallel_loop3A_1153 {add = true, strides = array<i32>} : memref<2x16384xf32, #tpu.memory_space<vmem>>, vector<1x16xf32>,
    } {sc.loop_unroll_factor = 8 : i64, sc.parallel_access}
    %add3A_1089 = arith.constant 6291456 : i32
    %add3A_1090 = arith.addi %add3A_1089, %multiple_of3A : i32
    %add3A_1091 = arith.constant 49152 : i32
    %add3A_1092 = arith.addi %add3A_1090, %add3A_1091 : i32
    %multiple_of3A_1093 = tpu.assume_multiple %add3A_1092, 16384 : i32
    %dma_start3A_1094 = arith.constant 1 : i32
    %dma_start3A_1095 = arith.constant 1 : i32
    %dma_start3A_1096 = arith.constant 0 : i32
    %dma_start3A_1097 = tpu.memref_slice %arg5[%dma_start3A_1094, %dma_start3A_1096] : memref<2x16384xf32, #tpu.memory_space<vmem>> -> memref<1x16384xf32, #tpu.memory_space<vmem>>
    %dma_start3A_1098 = tpu.memref_squeeze %dma_start3A_1097 : memref<1x16384xf32, #tpu.memory_space<vmem>> -> memref<16384xf32, #tpu.memory_space<vmem>>
    %dma_start3A_1099 = tpu.memref_slice %arg4[%multiple_of3A_1093] : memref<8388608xf32, #tpu.memory_space<hbm>> -> memref<16384xf32, #tpu.memory_space<hbm>>
    %dma_start3A_1100 = tpu.memref_slice %arg9[%dma_start3A_1095] : memref<2x!tpu.dma_semaphore, #tpu.memory_space<semaphore_mem>> -> memref<1x!tpu.dma_semaphore, #tpu.memory_space<semaphore_mem>>
    %dma_start3A_1101 = tpu.memref_squeeze %dma_start3A_1100 : memref<1x!tpu.dma_semaphore, #tpu.memory_space<semaphore_mem>> -> memref<!tpu.dma_semaphore, #tpu.memory_space<semaphore_mem>>
    %dma_start3A_1102 = tpu.memref_slice %arg4[%multiple_of3A_1093] : memref<8388608xf32, #tpu.memory_space<hbm>> -> memref<16384xf32, #tpu.memory_space<hbm>>
    %dma_start3A_1103 = arith.constant 0 : i32
    %dma_start3A_1104 = tpu.memref_slice %arg5[%dma_start3A_1094, %dma_start3A_1103] : memref<2x16384xf32, #tpu.memory_space<vmem>> -> memref<1x16384xf32, #tpu.memory_space<vmem>>
    %dma_start3A_1105 = tpu.memref_squeeze %dma_start3A_1104 : memref<1x16384xf32, #tpu.memory_space<vmem>> -> memref<16384xf32, #tpu.memory_space<vmem>>
    tpu.enqueue_dma source(%dma_start3A_1105 : memref<16384xf32, #tpu.memory_space<vmem>>) target(%dma_start3A_1102 : memref<16384xf32, #tpu.memory_space<hbm>>) target_semaphore(%dma_start3A_1101 : memref<!tpu.dma_semaphore, #tpu.memory_space<semaphore_mem>>)
    %add3A_1106 = arith.constant 6291456 : i32
    %add3A_1107 = arith.addi %add3A_1106, %multiple_of3A : i32
    %add3A_1108 = arith.constant 32768 : i32
    %add3A_1109 = arith.addi %add3A_1107, %add3A_1108 : i32
    %multiple_of3A_1110 = tpu.assume_multiple %add3A_1109, 16384 : i32
    %dma_wait3A_1111 = arith.constant 0 : i32
    %dma_wait3A_1112 = arith.constant 0 : i32
    %dma_wait3A_1113 = arith.constant 0 : i32
    %dma_wait3A_1114 = tpu.memref_slice %arg5[%dma_wait3A_1111, %dma_wait3A_1113] : memref<2x16384xf32, #tpu.memory_space<vmem>> -> memref<1x16384xf32, #tpu.memory_space<vmem>>
    %dma_wait3A_1115 = tpu.memref_squeeze %dma_wait3A_1114 : memref<1x16384xf32, #tpu.memory_space<vmem>> -> memref<16384xf32, #tpu.memory_space<vmem>>
    %dma_wait3A_1116 = tpu.memref_slice %arg4[%multiple_of3A_1110] : memref<8388608xf32, #tpu.memory_space<hbm>> -> memref<16384xf32, #tpu.memory_space<hbm>>
    %dma_wait3A_1117 = tpu.memref_slice %arg9[%dma_wait3A_1112] : memref<2x!tpu.dma_semaphore, #tpu.memory_space<semaphore_mem>> -> memref<1x!tpu.dma_semaphore, #tpu.memory_space<semaphore_mem>>
    %dma_wait3A_1118 = tpu.memref_squeeze %dma_wait3A_1117 : memref<1x!tpu.dma_semaphore, #tpu.memory_space<semaphore_mem>> -> memref<!tpu.dma_semaphore, #tpu.memory_space<semaphore_mem>>
    %dma_wait3A_1119 = tpu.memref_slice %arg4[%multiple_of3A_1110] : memref<8388608xf32, #tpu.memory_space<hbm>> -> memref<16384xf32, #tpu.memory_space<hbm>>
    %dma_wait3A_1120 = arith.constant 0 : i32
    %dma_wait3A_1121 = tpu.memref_slice %arg5[%dma_wait3A_1111, %dma_wait3A_1120] : memref<2x16384xf32, #tpu.memory_space<vmem>> -> memref<1x16384xf32, #tpu.memory_space<vmem>>
    %dma_wait3A_1122 = tpu.memref_squeeze %dma_wait3A_1121 : memref<1x16384xf32, #tpu.memory_space<vmem>> -> memref<16384xf32, #tpu.memory_space<vmem>>
    tpu.wait_dma2 semaphore(%dma_wait3A_1118 : memref<!tpu.dma_semaphore, #tpu.memory_space<semaphore_mem>>) src(%dma_wait3A_1122 : memref<16384xf32, #tpu.memory_space<vmem>>) dst(%dma_wait3A_1119 : memref<16384xf32, #tpu.memory_space<hbm>>)
    %add3A_1123 = arith.constant 6291456 : i32
    %add3A_1124 = arith.addi %add3A_1123, %multiple_of3A : i32
    %add3A_1125 = arith.constant 49152 : i32
    %add3A_1126 = arith.addi %add3A_1124, %add3A_1125 : i32
    %multiple_of3A_1127 = tpu.assume_multiple %add3A_1126, 16384 : i32
    %dma_wait3A_1128 = arith.constant 1 : i32
    %dma_wait3A_1129 = arith.constant 1 : i32
    %dma_wait3A_1130 = arith.constant 0 : i32
    %dma_wait3A_1131 = tpu.memref_slice %arg5[%dma_wait3A_1128, %dma_wait3A_1130] : memref<2x16384xf32, #tpu.memory_space<vmem>> -> memref<1x16384xf32, #tpu.memory_space<vmem>>
    %dma_wait3A_1132 = tpu.memref_squeeze %dma_wait3A_1131 : memref<1x16384xf32, #tpu.memory_space<vmem>> -> memref<16384xf32, #tpu.memory_space<vmem>>
    %dma_wait3A_1133 = tpu.memref_slice %arg4[%multiple_of3A_1127] : memref<8388608xf32, #tpu.memory_space<hbm>> -> memref<16384xf32, #tpu.memory_space<hbm>>
    %dma_wait3A_1134 = tpu.memref_slice %arg9[%dma_wait3A_1129] : memref<2x!tpu.dma_semaphore, #tpu.memory_space<semaphore_mem>> -> memref<1x!tpu.dma_semaphore, #tpu.memory_space<semaphore_mem>>
    %dma_wait3A_1135 = tpu.memref_squeeze %dma_wait3A_1134 : memref<1x!tpu.dma_semaphore, #tpu.memory_space<semaphore_mem>> -> memref<!tpu.dma_semaphore, #tpu.memory_space<semaphore_mem>>
    %dma_wait3A_1136 = tpu.memref_slice %arg4[%multiple_of3A_1127] : memref<8388608xf32, #tpu.memory_space<hbm>> -> memref<16384xf32, #tpu.memory_space<hbm>>
    %dma_wait3A_1137 = arith.constant 0 : i32
    %dma_wait3A_1138 = tpu.memref_slice %arg5[%dma_wait3A_1128, %dma_wait3A_1137] : memref<2x16384xf32, #tpu.memory_space<vmem>> -> memref<1x16384xf32, #tpu.memory_space<vmem>>
    %dma_wait3A_1139 = tpu.memref_squeeze %dma_wait3A_1138 : memref<1x16384xf32, #tpu.memory_space<vmem>> -> memref<16384xf32, #tpu.memory_space<vmem>>
    tpu.wait_dma2 semaphore(%dma_wait3A_1135 : memref<!tpu.dma_semaphore, #tpu.memory_space<semaphore_mem>>) src(%dma_wait3A_1139 : memref<16384xf32, #tpu.memory_space<vmem>>) dst(%dma_wait3A_1136 : memref<16384xf32, #tpu.memory_space<hbm>>)
    return
  }
}

</mosaic_0001>

<sc_bundles>
// kernel: kernel.3.cloned.1.call-start
scs
__scs_entry_jumppad:
0x0: {  	(pc) =	sbr.rel $0x88, $3  }
0x1: {  	(tag) =	ssettag $0x0;
	lr =	simm.s32 $0x1  }
0x2: {  	[smem:$0x3F9F] =	sst lr;
	_ =	strace $0xD0000000  }
0x3: {  	_ = 	snop  }
0x4: {  	_ = 	snop  }
0x5: {  	_ = 	snop  }
0x6: {  	_ = 	snop  }
0x7: {  	_ = 	snop  }
__scs_overlays_trampoline_lowered:
0x8: {  	[smem:$0x3FAE] =	sst s0  }
0x9: {  	[smem:$0x3FAF] =	sst s1  }
0xa: {  	[smem:$0x3FB0] =	sst s2  }
0xb: {  	[smem:$0x3FB1] =	sst s3  }
0xc: {  	[smem:$0x3FB2] =	sst s4  }
0xd: {  	[smem:$0x3FB3] =	sst s5  }
0xe: {  	[smem:$0x3FB4] =	sst s6  }
0xf: {  	[smem:$0x3FB5] =	sst s7  }
0x10: {  	[smem:$0x3FB6] =	sst s8  }
0x11: {  	[smem:$0x3FB7] =	sst s9;
	s0 =	simm.s32 @!p0 $0x0  }
0x12: {  	s1 =	sld [smem:$0x3F9D];
	s0 =	simm.s32 @p0 $0x1  }
0x13: {  	[smem:$0x3FB8] =	sst s0;
	s0 =	simm.s32 @!p1 $0x0  }
0x14: {  	s2 =	sld [smem:$0x3F9C];
	s0 =	simm.s32 @p1 $0x1  }
0x15: {  	[smem:$0x3FB9] =	sst s0;
	s0 =	simm.s32 @!p2 $0x0  }
0x16: {  	s3 =	sld [smem:$0x3FDB];
	s0 =	simm.s32 @p2 $0x1  }
0x17: {  	s4 =	simm.s32 $0x1BF5;
	[smem:$0x3FBB] =	sst s0  }
0x18: {  	s0 =	sld [smem:$0x3F9E];
	_ =	swait.ge [sflag:s4], $0x0  }
0x19: {  	s7 =	sld [smem:$0x3F9F]  }
0x1a: {  	s8 =	sadd.s32 $0xFFFFE003, lr  }
0x1b: {  	s9 =	sadd.s32 $0xFFFFFEF7, lr;
	s5 =	simm.s32 $0xFFFFFFFF;
	p2 =	slt.u32 s8, $0xFFFFF086  }
0x1c: {  	p1 =	slt.u32 s9, $0xF7A;
	s5 =	simm.s32 @!p2 $0x0  }
0x1d: {  	s5 =	simm.s32 @p1 $0x1;
	p0 =	seq.s32 s7, s2  }
0x1e: {  	s7 =	smul.u32 @!p0 $0xF7A, s2;
	p2 =	seq.s32 @!p0 s5, $0x0  }
0x1f: {  	s9 =	smul.u32 $0xF7A, s1;
	s8 =	simm.s32 @!p0 $0x1BF5;
	p2 =	por !p2, p0  }
0x20: {  	[sflag:s8] =	ssyncset.s32 @!p0 $0xFFFFF086;
	s6 =	sadd.s32 @!p0 s3, s7;
	s7 =	simm.s32 @!p0 $0x108  }
0x21: {  	s3 =	sadd.s32 s3, s9;
	s6 =	sadd.s32 @!p0 $0x88, s6;
	s7 =	simm.s32 @p2 $0x1082  }
0x22: {  	[simem:s7], [sflag:s8] =	dma.local @!p0 [hbm:s6], $0xF7A  }
0x23: {  	s9 =	sor.u32 $0xD0000000, s2;
	s6 =	simm.s32 $0x108;
	_ =	swait.ge @!p0 [sflag:s8], $0x0  }
0x24: {  	s3 =	sadd.s32 $0x88, s3;
	s6 =	simm.s32 @!p1 $0x1082;
	[sflag:s4] =	ssyncset.s32 $0xFFFFF086  }
0x25: {  	[simem:s6], [sflag:s4] =	dma.local [hbm:s3], $0xF7A  }
0x26: {  	[smem:$0x3F9F] =	sst s1;
	(tag) =	ssettag s2;
	_ =	strace s9  }
0x27: {  	s1 =	sld [smem:$0x3FAF]  }
0x28: {  	s2 =	sld [smem:$0x3FB0]  }
0x29: {  	s4 =	sld [smem:$0x3FB2]  }
0x2a: {  	p0 =	seq.s32 s5, $0x0;
	s5 =	sld [smem:$0x3FB3]  }
0x2b: {  	s6 =	sld [smem:$0x3FB4]  }
0x2c: {  	s7 =	sld [smem:$0x3FB5]  }
0x2d: {  	s3 =	simm.s32 $0x108;
	s8 =	sld [smem:$0x3FB6]  }
0x2e: {  	s3 =	simm.s32 @!p0 $0x1082;
	s9 =	sld [smem:$0x3FB7]  }
0x2f: {  	lr =	sadd.s32 s0, s3;
	s0 =	sld [smem:$0x3FAE]  }
0x30: {  	s3 =	sld [smem:$0x3FB1]  }
0x31: {  	[smem:$0x3FBA] =	sst s10  }
0x32: {  	s10 =	sld [smem:$0x3FB8];
	_ =	sdelay $0x3  }
0x33: {  	p0 =	seq.s32 s10, $0x1;
	s10 =	sld [smem:$0x3FBA];
	_ =	sdelay $0x3  }
0x34: {  	[smem:$0x3FBA] =	sst s10  }
0x35: {  	s10 =	sld [smem:$0x3FB9];
	_ =	sdelay $0x3  }
0x36: {  	p1 =	seq.s32 s10, $0x1;
	s10 =	sld [smem:$0x3FBA];
	_ =	sdelay $0x3  }
0x37: {  	[smem:$0x3FBA] =	sst s10  }
0x38: {  	s10 =	sld [smem:$0x3FBB]  }
0x39: {  	_ = 	snop;
	(pc) =	sbr.ind lr, $3  }
0x3a: {  	_ = 	snop  }
0x3b: {  	_ = 	snop  }
0x3c: {  	p2 =	seq.s32 s10, $0x1;
	s10 =	sld [smem:$0x3FBA]  }
0x3d: {  	_ =	shalt  }
0x3e: {  	_ =	shalt  }
0x3f: {  	_ =	shalt  }
0x40: {  	_ =	shalt  }
0x41: {  	_ =	shalt  }
0x42: {  	_ =	shalt  }
0x43: {  	_ =	shalt  }
0x44: {  	_ =	shalt  }
0x45: {  	_ =	shalt  }
0x46: {  	_ =	shalt  }
0x47: {  	_ =	shalt  }
0x48: {  	_ =	shalt  }
0x49: {  	_ =	shalt  }
0x4a: {  	_ =	shalt  }
0x4b: {  	_ =	shalt  }
0x4c: {  	_ =	shalt  }
0x4d: {  	_ =	shalt  }
0x4e: {  	_ =	shalt  }
0x4f: {  	_ =	shalt  }
0x50: {  	_ =	shalt  }
0x51: {  	_ =	shalt  }
0x52: {  	_ =	shalt  }
0x53: {  	_ =	shalt  }
0x54: {  	_ =	shalt  }
0x55: {  	_ =	shalt  }
0x56: {  	_ =	shalt  }
0x57: {  	_ =	shalt  }
0x58: {  	_ =	shalt  }
0x59: {  	_ =	shalt  }
0x5a: {  	_ =	shalt  }
0x5b: {  	_ =	shalt  }
0x5c: {  	_ =	shalt  }
0x5d: {  	_ =	shalt  }
0x5e: {  	_ =	shalt  }
0x5f: {  	_ =	shalt  }
0x60: {  	_ =	shalt  }
0x61: {  	_ =	shalt  }
0x62: {  	_ =	shalt  }
0x63: {  	_ =	shalt  }
0x64: {  	_ =	shalt  }
0x65: {  	_ =	shalt  }
0x66: {  	_ =	shalt  }
0x67: {  	_ =	shalt  }
0x68: {  	_ =	shalt  }
0x69: {  	_ =	shalt  }
0x6a: {  	_ =	shalt  }
0x6b: {  	_ =	shalt  }
0x6c: {  	_ =	shalt  }
0x6d: {  	_ =	shalt  }
0x6e: {  	_ =	shalt  }
0x6f: {  	_ =	shalt  }
0x70: {  	_ =	shalt  }
0x71: {  	_ =	shalt  }
0x72: {  	_ =	shalt  }
0x73: {  	_ =	shalt  }
0x74: {  	_ =	shalt  }
0x75: {  	_ =	shalt  }
0x76: {  	_ =	shalt  }
0x77: {  	_ =	shalt  }
0x78: {  	_ =	shalt  }
0x79: {  	_ =	shalt  }
0x7a: {  	_ =	shalt  }
0x7b: {  	_ =	shalt  }
0x7c: {  	_ =	shalt  }
0x7d: {  	_ =	shalt  }
0x7e: {  	_ =	shalt  }
0x7f: {  	_ =	shalt  }
0x80: {  	_ =	shalt  }
0x81: {  	_ =	shalt  }
0x82: {  	_ =	shalt  }
0x83: {  	_ =	shalt  }
0x84: {  	_ =	shalt  }
0x85: {  	_ =	shalt  }
0x86: {  	_ =	shalt  }
0x87: {  	_ =	shalt  }
.Lfunc_end0:
.L_simem_size_0:
called_computation.1_lowered:
.L_overlay_start_0:
0x88: {  	s2 =	sld [smem:$0x3FD9]  }
0x89: {  	s3 =	sld [smem:$0x3FFE];
	_ =	sdelay $0x1  }
0x8a: {  	s1 =	srdreg.scid  }
0x8b: {  	s0 =	sand.u32 $0x1, s1  }
0x8c: {  	s17 =	sshll.u32 s0, $0xA;
	s2 =	sadd.s32 s3, s2  }
0x8d: {  	s2 =	sadd.s32 s2, s17  }
0x8e: {  	[smem:$0x3FC6] =	sst s2  }
0x8f: {  	_ = 	snop  }
0x90: {  	s2 =	sld [smem:$0x3FD0];
	(tm) =	ssettm $0x1  }
0x91: {  	s18 =	sld [smem:$0x3FFB];
	_ =	sdelay $0x3  }
0x92: {  	_ =	strace s18  }
0x93: {  	s3 =	sld [smem:$0x3FFC];
	_ =	sdelay $0x3  }
0x94: {  	_ =	strace s3  }
0x95: {  	s3 =	sld [smem:$0x3FFD];
	_ =	sdelay $0x3  }
0x96: {  	_ =	strace s3  }
0x97: {  	_ =	strace $0x8FFFFFFF  }
0x98: {  	s19 =	sld [smem:$0x3FDB];
	_ =	sdelay $0x1  }
0x99: {  	s4 =	simm.s32 $_scs_section_size  }
0x9a: {  	s5 =	simm.s32 $_size__tile_overlayer_lowered;
	s6 =	simm.s32 $_tile_overlayer_lowered  }
0x9b: {  	s22 =	simm.s32 $0x1BFF;
	s21 =	sshll.u32 s6, $0x1;
	s3 =	sadd.s32 s4, s19  }
0x9c: {  	s7 =	simm.s32 $0x0;
	s20 =	sshll.u32 s5, $0x1;
	s5 =	sadd.s32 s21, s3  }
0x9d: {  	[timem:s7], [sflag:s22] =	dma.local [hbm:s5], s20  }
0x9e: {  	_ =	swait.ge [sflag:s22], s20  }
0x9f: {  	s4 =	ssub.s32 $0x0, s20;
	[sflag:s22] =	ssyncset.done $0x0  }
0xa0: {  	[sflag:s22] =	ssyncadd.s32 s4;
	_ =	sdelay $0x1  }
0xa1: {  	s23 =	simm.s32 $0x1B8B  }
0xa2: {  	_ =	swait.ge [sflag:s23], $0x1  }
0xa3: {  	[sflag:s23] =	ssyncset.done $0x0  }
0xa4: {  	s25 =	simm.s32 $0x1B8E;
	s24 =	sld [smem:$0x3FFE];
	[sflag:s23] =	ssyncadd.s32 $0xFFFFFFFF  }
0xa5: {  	s26 =	simm.s32 $execute0_lowered;
	[smem:$0x3FD2] =	sst s25  }
0xa6: {  	s5 =	sshll.u32 s26, $0x1;
	_ =	strace $0x80000049;
	[dreg:$0x1] =	wrdreg $0xFFFFFFFF  }
0xa7: {  	s28 =	simm.s32 $_size_execute0_lowered;
	s3 =	sadd.s32 s3, s5;
	[dreg:$0x0] =	wrdreg $0x0  }
0xa8: {  	s5 =	sshll.u32 s28, $0x1;
	[dreg:$0x2] =	wrdreg s3  }
0xa9: {  	[dreg:$0x3] =	wrdreg s5  }
0xaa: {  	[dreg:$0x4] =	wrdreg $0xC0  }
0xab: {  	_ =	task [dreg:s7], $0x5FFFF  }
0xac: {  	[dreg:$0x1] =	wrdreg $0xFFFFFFFF  }
0xad: {  	[dreg:$0x0] =	wrdreg $0x60  }
0xae: {  	[dreg:$0x2] =	wrdreg s2  }
0xaf: {  	[dreg:$0x3] =	wrdreg s24  }
0xb0: {  	[dreg:$0x4] =	wrdreg $0x9  }
0xb1: {  	_ =	task.clear_ibuf [dreg:s7], $0x5FFFF;
	_ =	strace $0x90000049  }
0xb2: {  	s29 =	simm.s32 $0x9;
	_ =	strace $0x8000004B  }
0xb3: {  	_ =	swait.ge [sflag:s29], $0x1  }
0xb4: {  	[sflag:s29] =	ssyncadd.s32 $0xFFFFFFFF  }
0xb5: {  	_ =	strace $0x9000004B  }
0xb6: {  	_ =	sfence  }
0xb7: {  	s30 =	sld [smem:$0x0];
	_ =	sdelay $0x2  }
0xb8: {  	s31 =	sshll.u32 s1, $0xD;
	s1 =	sshrl.u32 s1, $0x2  }
0xb9: {  	s3 =	sand.u32 $0x4000, s31;
	s1 =	sadd.s32 s1, s30  }
0xba: {  	s0 =	sor.u32 s3, s0;
	s1 =	sshll.u32 s1, $0x11  }
0xbb: {  	s0 =	sor.u32 s1, s0  }
0xbc: {  	s0 =	sadd.s32 $0x8F2B, s0  }
0xbd: {  	[sflag:s0] =	ssyncadd.remote.s32 $0x1  }
0xbe: {  	_ =	sfence.sel $0xFFFF  }
0xbf: {  	[dreg:$0x0] =	wrdreg $0xFFFFFFFF;
	(pc) =	sbr.abs _section_cstart, $3  }
0xc0: {  	[dreg:$0x1] =	wrdreg $0xFFFFFFFF  }
0xc1: {  	_ =	task.clear_ibuf [dreg:s7], $0x2FFFF;
	_ =	strace $0x9FFFFFFF  }
0xc2: {  	(tm) =	ssettm $0x7FFFFFFF  }
0xc3: {  	_ =	shalt  }
tec
execute0_lowered:
.L_overlay_start_1:
0x0: {  	(tag) =	ssettag $0x1  }
0x1: {  	s0 =	srdreg.scid;
	s2 =	rddreg [dreg:$0x0]  }
0x2: {  	s1 =	stileid.u32;
	s3 =	rddreg [dreg:$0x1];
	s0 =	sand.u32 $0x1, s0  }
0x3: {  	s4 =	sshll.u32 s1, $0xE;
	s1 =	simm.s32 $0x0;
	s5 =	sshll.u32 s0, $0xD  }
0x4: {  	s0 =	ssub.s32 $0x2, s0;
	[smem:$0x7FF] =	sst s1;
	s4 =	sor.u32 s5, s4  }
0x5: {  	s6 =	sshrl.u32 s0, $0x1;
	s5 =	sadd.s32 s4, s3;
	s3 =	sadd.s32 $0x40A00, s3  }
0x6: {  	s6 =	ssub.s32 s0, s6;
	s16 =	sor.u32 $0x800, s4;
	s17 =	sor.u32 $0x1000, s4  }
0x7: {  	s8 =	sor.u32 $0x1800, s4;
	s19 =	sor.u32 $0x40000, s4;
	s20 =	sor.u32 $0x40800, s4  }
0x8: {  	s21 =	sor.u32 $0x41000, s4;
	s22 =	sor.u32 $0x80000, s4;
	s23 =	sor.u32 $0x80800, s4  }
0x9: {  	s24 =	sor.u32 $0x81000, s4;
	s25 =	sor.u32 $0x81800, s4;
	s26 =	sor.u32 $0xC0000, s4  }
0xa: {  	s30 =	sadd.s32 s2, s4;
	s7 =	sadd.s32 s2, s16;
	s9 =	sadd.s32 s2, s17  }
0xb: {  	s0 =	sadd.s32 s3, s16;
	s10 =	sadd.s32 s2, s8;
	s18 =	sadd.s32 s3, s17  }
0xc: {  	s11 =	sadd.s32 s2, s19;
	s8 =	sadd.s32 s3, s8;
	s16 =	sor.u32 $0x41800, s4  }
0xd: {  	s12 =	sadd.s32 s2, s21;
	s14 =	sadd.s32 s3, s21;
	[dreg:$0x3] =	wrdreg s7  }
0xe: {  	s15 =	sadd.s32 s2, s22;
	s17 =	sadd.s32 s2, s23;
	[dreg:$0x5] =	wrdreg s0  }
0xf: {  	s21 =	sadd.s32 s3, s24;
	s31 =	sadd.s32 s3, s4;
	[dreg:$0x7] =	wrdreg s18  }
0x10: {  	s5 =	sadd.s32 $0xA00, s5;
	[dreg:$0x9] =	wrdreg s8;
	s8 =	smov.u32 s9  }
0x11: {  	s9 =	smov.u32 s10;
	s10 =	smov.u32 s11;
	s0 =	sadd.s32 s3, s19  }
0x12: {  	s11 =	sadd.s32 s2, s20;
	s7 =	sadd.s32 s3, s20;
	[dreg:$0xb] =	wrdreg s0  }
0x13: {  	s13 =	sadd.s32 s2, s16;
	s16 =	sadd.s32 s3, s16;
	[dreg:$0xd] =	wrdreg s7  }
0x14: {  	s18 =	sadd.s32 s3, s22;
	_ =	strace $0x8000004A;
	[dreg:$0xf] =	wrdreg s5  }
0x15: {  	s19 =	sadd.s32 s3, s23;
	s20 =	sadd.s32 s2, s24;
	[dreg:$0x4] =	wrdreg s8  }
0x16: {  	s22 =	sadd.s32 s2, s25;
	s23 =	sadd.s32 s3, s25;
	[dreg:$0x6] =	wrdreg s9  }
0x17: {  	s24 =	sadd.s32 s2, s26;
	s7 =	sor.u32 $0xC0800, s4;
	[dreg:$0x8] =	wrdreg s10  }
0x18: {  	s25 =	sadd.s32 s3, s26;
	s26 =	sadd.s32 s2, s7;
	[dreg:$0xa] =	wrdreg s11  }
0x19: {  	s28 =	sadd.s32 s3, s7;
	s7 =	sor.u32 $0xC1000, s4;
	[dreg:$0xc] =	wrdreg s12  }
0x1a: {  	s4 =	sor.u32 $0xC1800, s4;
	[dreg:$0xe] =	wrdreg s13;
	s29 =	sadd.s32 s2, s7  }
0x1b: {  	s0 =	sadd.s32 s2, s4;
	s2 =	sadd.s32 s3, s7;
	s7 =	smax.u32 s6, $0x1  }
0x1c: {  	s3 =	sadd.s32 s3, s4;
	s6 =	simm.s32 $0x0;
	[dreg:$0x10] =	wrdreg s7  }
.LBB2_1:
0x1d: {  	[dreg:$0x11] =	wrdreg s6  }
0x1e: {  	s4 =	rddreg [dreg:$0xf];
	s5 =	simm.s32 $0x8000;
	s7 =	sadd.s32 $0x0, s30  }
0x1f: {  	[tilespmem:s5], [sflag:$0x3] =	stream.linear.gather [hbm4b:s4+s1], $0x10000, $0x38;
	[tilespmem:$0x18000] =	vst v63  }
0x20: {  	s6 =	simm.s32 $0x0;
	s4 =	simm.s32 $0x10;
	s5 =	simm.s32 $0x100  }
.LBB2_2:
0x21: {  	[tilespmem:s6], [sflag:$0x1] =	stream.linear.gather [hbm4b:s7+s1], $0x80, $0x38;
	[tilespmem:$0x18000] =	vst v63  }
0x22: {  	s7 =	smov.u32 s4;
	s6 =	smov.u32 s5;
	p0 =	sne.s32 s4, $0x7F0  }
.Ltmp0:
0x23: {  	s4 =	sadd.s32 $0x10, s4;
	(pc) =	sbr.rel @p0 .LBB2_2-.Ltmp0, $2  }
0x24: {  	_ =	sdelay $0x2  }
0x25: {  	s5 =	sadd.s32 $0x100, s5;
	s7 =	sadd.s32 s7, s30  }
0x26: {  	[tilespmem:s6], [sflag:$0x1] =	stream.linear.gather [hbm4b:s7+s1], $0x80, $0x38;
	[tilespmem:$0x18000] =	vst v63  }
0x27: {  	s4 =	simm.s32 $0x3  }
0x28: {  	s5 =	simm.s32 $0x10;
	_ =	swait.ge [sflag:s4], $0x10000  }
0x29: {  	s6 =	simm.s32 $0x180;
	[sflag:s4] =	ssyncset.done $0x0;
	s8 =	rddreg [dreg:$0x3]  }
0x2a: {  	[sflag:s4] =	ssyncadd.s32 $0xFFFF0000;
	s4 =	simm.s32 $0x80;
	s7 =	sadd.s32 $0x0, s8  }
.LBB2_4:
0x2b: {  	[tilespmem:s4], [sflag:$0x2] =	stream.linear.gather [hbm4b:s7+s1], $0x80, $0x38;
	[tilespmem:$0x18000] =	vst v63  }
0x2c: {  	s7 =	smov.u32 s5;
	s4 =	smov.u32 s6;
	p0 =	sne.s32 s5, $0x7F0  }
.Ltmp1:
0x2d: {  	s5 =	sadd.s32 $0x10, s5;
	(pc) =	sbr.rel @p0 .LBB2_4-.Ltmp1, $2  }
0x2e: {  	_ =	sdelay $0x2  }
0x2f: {  	s6 =	sadd.s32 $0x100, s6;
	s7 =	sadd.s32 s7, s8  }
0x30: {  	[tilespmem:s4], [sflag:$0x2] =	stream.linear.gather [hbm4b:s7+s1], $0x80, $0x38;
	[tilespmem:$0x18000] =	vst v63  }
0x31: {  	s13 =	simm.s32 $0x1  }
0x32: {  	_ =	swait.ge [sflag:s13], $0x4000  }
0x33: {  	[sflag:s13] =	ssyncset.done $0x0  }
0x34: {  	s5 =	simm.s32 $0x8040;
	[sflag:s13] =	ssyncadd.s32 $0xFFFFC000  }
0x35: {  	v0 =	vld [tilespmem:s5+$0x30]  }
0x36: {  	v1 =	vld [tilespmem:s5+$0xFFFFFFD0]  }
0x37: {  	v2 =	vld [tilespmem:s5+$0xFFFFFFE0]  }
0x38: {  	v3 =	vld [tilespmem:s5+$0xFFFFFFF0]  }
0x39: {  	v4 =	vld [tilespmem:s5+$0x0]  }
0x3a: {  	v63 =	vld [tilespmem:s5+$0x10]  }
0x3b: {  	v5 =	vld [tilespmem:s5+$0x20]  }
0x3c: {  	s4 =	simm.s32 $0x70;
	v6 =	vld [tilespmem:s5+$0xFFFFFFC0]  }
0x3d: {  	[tilespmem:s4+$0x0] =	vst.add.f32.msk $0xffff, v0  }
0x3e: {  	[tilespmem:s4+$0xFFFFFFA0] =	vst.add.f32.msk $0xffff, v1  }
0x3f: {  	[tilespmem:s4+$0xFFFFFFB0] =	vst.add.f32.msk $0xffff, v2  }
0x40: {  	[tilespmem:s4+$0xFFFFFFC0] =	vst.add.f32.msk $0xffff, v3  }
0x41: {  	[tilespmem:s4+$0xFFFFFFD0] =	vst.add.f32.msk $0xffff, v4  }
0x42: {  	[tilespmem:s4+$0xFFFFFF90] =	vst.add.f32.msk $0xffff, v6  }
0x43: {  	[tilespmem:s4+$0xFFFFFFE0] =	vst.add.f32.msk $0xffff, v63  }
0x44: {  	s6 =	simm.s32 $0x80C0;
	s5 =	simm.s32 $0x0;
	[tilespmem:s4+$0xFFFFFFF0] =	vst.add.f32.msk $0xffff, v5  }
.LBB2_6:
0x45: {  	v0 =	vld [tilespmem:s6+$0x30];
	s5 =	sadd.s32 $0x8, s5  }
0x46: {  	v1 =	vld [tilespmem:s6+$0xFFFFFFD0];
	p0 =	slt.u32 s5, $0x3F8  }
0x47: {  	v2 =	vld [tilespmem:s6+$0xFFFFFFE0]  }
0x48: {  	v3 =	vld [tilespmem:s6+$0xFFFFFFF0]  }
0x49: {  	s4 =	sadd.s32 $0x100, s4;
	v4 =	vld [tilespmem:s6+$0x0]  }
0x4a: {  	[tilespmem:s4+$0x0] =	vst.add.f32.msk $0xffff, v0  }
0x4b: {  	v0 =	vld [tilespmem:s6+$0x10]  }
0x4c: {  	v5 =	vld [tilespmem:s6+$0x20]  }
0x4d: {  	v6 =	vld [tilespmem:s6+$0xFFFFFFC0]  }
0x4e: {  	[tilespmem:s4+$0xFFFFFFA0] =	vst.add.f32.msk $0xffff, v1  }
0x4f: {  	[tilespmem:s4+$0xFFFFFFB0] =	vst.add.f32.msk $0xffff, v2  }
.Ltmp2:
0x50: {  	[tilespmem:s4+$0xFFFFFFC0] =	vst.add.f32.msk $0xffff, v3;
	(pc) =	sbr.rel @p0 .LBB2_6-.Ltmp2, $4  }
0x51: {  	[tilespmem:s4+$0xFFFFFFD0] =	vst.add.f32.msk $0xffff, v4  }
0x52: {  	[tilespmem:s4+$0xFFFFFF90] =	vst.add.f32.msk $0xffff, v6  }
0x53: {  	[tilespmem:s4+$0xFFFFFFE0] =	vst.add.f32.msk $0xffff, v0  }
0x54: {  	s6 =	sadd.s32 $0x80, s6;
	[tilespmem:s4+$0xFFFFFFF0] =	vst.add.f32.msk $0xffff, v5  }
0x55: {  	s4 =	simm.s32 $0x0;
	s5 =	simm.s32 $0x10  }
0x56: {  	s7 =	sadd.s32 $0x0, s31;
	s6 =	simm.s32 $0x100;
	s8 =	rddreg [dreg:$0x4]  }
.LBB2_8:
0x57: {  	[hbm4b:s7+s1] =	stream.linear.scatter [tilespmem:s4], [sflag:$0x4], $0x80, $0x38;
	[tilespmem:$0x18000] =	vst v63  }
0x58: {  	s7 =	smov.u32 s5;
	s4 =	smov.u32 s6;
	p0 =	sne.s32 s5, $0x7F0  }
.Ltmp3:
0x59: {  	s5 =	sadd.s32 $0x10, s5;
	(pc) =	sbr.rel @p0 .LBB2_8-.Ltmp3, $2  }
0x5a: {  	_ =	sdelay $0x2  }
0x5b: {  	s6 =	sadd.s32 $0x100, s6;
	s7 =	sadd.s32 s7, s31  }
0x5c: {  	[hbm4b:s7+s1] =	stream.linear.scatter [tilespmem:s4], [sflag:$0x4], $0x80, $0x38;
	[tilespmem:$0x18000] =	vst v63  }
0x5d: {  	s13 =	simm.s32 $0x4  }
0x5e: {  	_ =	swait.ge [sflag:s13], $0x4000  }
0x5f: {  	s4 =	simm.s32 $0x0;
	s5 =	simm.s32 $0x10;
	[sflag:s13] =	ssyncset.done $0x0  }
0x60: {  	s7 =	sadd.s32 $0x0, s8;
	s6 =	simm.s32 $0x100;
	[sflag:s13] =	ssyncadd.s32 $0xFFFFC000  }
.LBB2_10:
0x61: {  	[tilespmem:s4], [sflag:$0x1] =	stream.linear.gather [hbm4b:s7+s1], $0x80, $0x38;
	[tilespmem:$0x18000] =	vst v63  }
0x62: {  	s7 =	smov.u32 s5;
	s4 =	smov.u32 s6;
	p0 =	sne.s32 s5, $0x7F0  }
.Ltmp4:
0x63: {  	s5 =	sadd.s32 $0x10, s5;
	(pc) =	sbr.rel @p0 .LBB2_10-.Ltmp4, $2  }
0x64: {  	_ =	sdelay $0x2  }
0x65: {  	s6 =	sadd.s32 $0x100, s6;
	s7 =	sadd.s32 s7, s8  }
0x66: {  	[tilespmem:s4], [sflag:$0x1] =	stream.linear.gather [hbm4b:s7+s1], $0x80, $0x38;
	[tilespmem:$0x18000] =	vst v63  }
0x67: {  	s13 =	simm.s32 $0x2  }
0x68: {  	_ =	swait.ge [sflag:s13], $0x4000  }
0x69: {  	[sflag:s13] =	ssyncset.done $0x0  }
0x6a: {  	s5 =	simm.s32 $0xC070;
	[sflag:s13] =	ssyncadd.s32 $0xFFFFC000  }
0x6b: {  	v0 =	vld [tilespmem:s5+$0x0]  }
0x6c: {  	v1 =	vld [tilespmem:s5+$0xFFFFFFA0]  }
0x6d: {  	v2 =	vld [tilespmem:s5+$0xFFFFFFB0]  }
0x6e: {  	v3 =	vld [tilespmem:s5+$0xFFFFFFC0]  }
0x6f: {  	v4 =	vld [tilespmem:s5+$0xFFFFFFD0]  }
0x70: {  	v63 =	vld [tilespmem:s5+$0xFFFFFFE0]  }
0x71: {  	v5 =	vld [tilespmem:s5+$0xFFFFFFF0]  }
0x72: {  	s4 =	simm.s32 $0xF0;
	v6 =	vld [tilespmem:s5+$0xFFFFFF90]  }
0x73: {  	[tilespmem:s4+$0x0] =	vst.add.f32.msk $0xffff, v0  }
0x74: {  	[tilespmem:s4+$0xFFFFFFA0] =	vst.add.f32.msk $0xffff, v1  }
0x75: {  	[tilespmem:s4+$0xFFFFFFB0] =	vst.add.f32.msk $0xffff, v2  }
0x76: {  	[tilespmem:s4+$0xFFFFFFC0] =	vst.add.f32.msk $0xffff, v3  }
0x77: {  	[tilespmem:s4+$0xFFFFFFD0] =	vst.add.f32.msk $0xffff, v4  }
0x78: {  	[tilespmem:s4+$0xFFFFFF90] =	vst.add.f32.msk $0xffff, v6  }
0x79: {  	[tilespmem:s4+$0xFFFFFFE0] =	vst.add.f32.msk $0xffff, v63  }
0x7a: {  	s6 =	simm.s32 $0xC0F0;
	s5 =	simm.s32 $0x0;
	[tilespmem:s4+$0xFFFFFFF0] =	vst.add.f32.msk $0xffff, v5  }
.LBB2_12:
0x7b: {  	v0 =	vld [tilespmem:s6+$0x0];
	s5 =	sadd.s32 $0x8, s5  }
0x7c: {  	v1 =	vld [tilespmem:s6+$0xFFFFFFA0];
	p0 =	slt.u32 s5, $0x3F8  }
0x7d: {  	v2 =	vld [tilespmem:s6+$0xFFFFFFB0]  }
0x7e: {  	v3 =	vld [tilespmem:s6+$0xFFFFFFC0]  }
0x7f: {  	s4 =	sadd.s32 $0x100, s4;
	v4 =	vld [tilespmem:s6+$0xFFFFFFD0]  }
0x80: {  	[tilespmem:s4+$0x0] =	vst.add.f32.msk $0xffff, v0  }
0x81: {  	v0 =	vld [tilespmem:s6+$0xFFFFFFE0]  }
0x82: {  	v5 =	vld [tilespmem:s6+$0xFFFFFFF0]  }
0x83: {  	v6 =	vld [tilespmem:s6+$0xFFFFFF90]  }
0x84: {  	[tilespmem:s4+$0xFFFFFFA0] =	vst.add.f32.msk $0xffff, v1  }
0x85: {  	[tilespmem:s4+$0xFFFFFFB0] =	vst.add.f32.msk $0xffff, v2  }
.Ltmp5:
0x86: {  	[tilespmem:s4+$0xFFFFFFC0] =	vst.add.f32.msk $0xffff, v3;
	(pc) =	sbr.rel @p0 .LBB2_12-.Ltmp5, $4  }
0x87: {  	[tilespmem:s4+$0xFFFFFFD0] =	vst.add.f32.msk $0xffff, v4  }
0x88: {  	[tilespmem:s4+$0xFFFFFF90] =	vst.add.f32.msk $0xffff, v6  }
0x89: {  	[tilespmem:s4+$0xFFFFFFE0] =	vst.add.f32.msk $0xffff, v0  }
0x8a: {  	s6 =	sadd.s32 $0x80, s6;
	[tilespmem:s4+$0xFFFFFFF0] =	vst.add.f32.msk $0xffff, v5  }
0x8b: {  	s4 =	simm.s32 $0x80;
	s9 =	rddreg [dreg:$0x5]  }
0x8c: {  	s5 =	simm.s32 $0x10;
	s6 =	simm.s32 $0x180;
	s7 =	sadd.s32 $0x0, s9  }
.LBB2_14:
0x8d: {  	[hbm4b:s7+s1] =	stream.linear.scatter [tilespmem:s4], [sflag:$0x5], $0x80, $0x38;
	[tilespmem:$0x18000] =	vst v63  }
0x8e: {  	s7 =	smov.u32 s5;
	s4 =	smov.u32 s6;
	p0 =	sne.s32 s5, $0x7F0  }
.Ltmp6:
0x8f: {  	s5 =	sadd.s32 $0x10, s5;
	(pc) =	sbr.rel @p0 .LBB2_14-.Ltmp6, $2  }
0x90: {  	_ =	sdelay $0x2  }
0x91: {  	s6 =	sadd.s32 $0x100, s6;
	s7 =	sadd.s32 s7, s9  }
0x92: {  	[hbm4b:s7+s1] =	stream.linear.scatter [tilespmem:s4], [sflag:$0x5], $0x80, $0x38;
	[tilespmem:$0x18000] =	vst v63  }
0x93: {  	s13 =	simm.s32 $0x5  }
0x94: {  	s4 =	simm.s32 $0x80;
	_ =	swait.ge [sflag:s13], $0x4000  }
0x95: {  	s5 =	simm.s32 $0x10;
	[sflag:s13] =	ssyncset.done $0x0;
	s9 =	rddreg [dreg:$0x6]  }
0x96: {  	s6 =	simm.s32 $0x180;
	[sflag:s13] =	ssyncadd.s32 $0xFFFFC000;
	s7 =	sadd.s32 $0x0, s9  }
.LBB2_16:
0x97: {  	[tilespmem:s4], [sflag:$0x2] =	stream.linear.gather [hbm4b:s7+s1], $0x80, $0x38;
	[tilespmem:$0x18000] =	vst v63  }
0x98: {  	s7 =	smov.u32 s5;
	s4 =	smov.u32 s6;
	p0 =	sne.s32 s5, $0x7F0  }
.Ltmp7:
0x99: {  	s5 =	sadd.s32 $0x10, s5;
	(pc) =	sbr.rel @p0 .LBB2_16-.Ltmp7, $2  }
0x9a: {  	_ =	sdelay $0x2  }
0x9b: {  	s6 =	sadd.s32 $0x100, s6;
	s7 =	sadd.s32 s7, s9  }
0x9c: {  	[tilespmem:s4], [sflag:$0x2] =	stream.linear.gather [hbm4b:s7+s1], $0x80, $0x38;
	[tilespmem:$0x18000] =	vst v63  }
0x9d: {  	s13 =	simm.s32 $0x1  }
0x9e: {  	_ =	swait.ge [sflag:s13], $0x4000  }
0x9f: {  	[sflag:s13] =	ssyncset.done $0x0  }
0xa0: {  	s5 =	simm.s32 $0x10070;
	[sflag:s13] =	ssyncadd.s32 $0xFFFFC000  }
0xa1: {  	v0 =	vld [tilespmem:s5+$0x0]  }
0xa2: {  	v1 =	vld [tilespmem:s5+$0xFFFFFFA0]  }
0xa3: {  	v2 =	vld [tilespmem:s5+$0xFFFFFFB0]  }
0xa4: {  	v3 =	vld [tilespmem:s5+$0xFFFFFFC0]  }
0xa5: {  	v4 =	vld [tilespmem:s5+$0xFFFFFFD0]  }
0xa6: {  	v63 =	vld [tilespmem:s5+$0xFFFFFFE0]  }
0xa7: {  	v5 =	vld [tilespmem:s5+$0xFFFFFFF0]  }
0xa8: {  	s4 =	simm.s32 $0x70;
	v6 =	vld [tilespmem:s5+$0xFFFFFF90]  }
0xa9: {  	[tilespmem:s4+$0x0] =	vst.add.f32.msk $0xffff, v0  }
0xaa: {  	[tilespmem:s4+$0xFFFFFFA0] =	vst.add.f32.msk $0xffff, v1  }
0xab: {  	[tilespmem:s4+$0xFFFFFFB0] =	vst.add.f32.msk $0xffff, v2  }
0xac: {  	[tilespmem:s4+$0xFFFFFFC0] =	vst.add.f32.msk $0xffff, v3  }
0xad: {  	[tilespmem:s4+$0xFFFFFFD0] =	vst.add.f32.msk $0xffff, v4  }
0xae: {  	[tilespmem:s4+$0xFFFFFF90] =	vst.add.f32.msk $0xffff, v6  }
0xaf: {  	[tilespmem:s4+$0xFFFFFFE0] =	vst.add.f32.msk $0xffff, v63  }
0xb0: {  	s6 =	simm.s32 $0x100F0;
	s5 =	simm.s32 $0x0;
	[tilespmem:s4+$0xFFFFFFF0] =	vst.add.f32.msk $0xffff, v5  }
.LBB2_18:
0xb1: {  	v0 =	vld [tilespmem:s6+$0x0];
	s5 =	sadd.s32 $0x8, s5  }
0xb2: {  	v1 =	vld [tilespmem:s6+$0xFFFFFFA0];
	p0 =	slt.u32 s5, $0x3F8  }
0xb3: {  	v2 =	vld [tilespmem:s6+$0xFFFFFFB0]  }
0xb4: {  	v3 =	vld [tilespmem:s6+$0xFFFFFFC0]  }
0xb5: {  	s4 =	sadd.s32 $0x100, s4;
	v4 =	vld [tilespmem:s6+$0xFFFFFFD0]  }
0xb6: {  	[tilespmem:s4+$0x0] =	vst.add.f32.msk $0xffff, v0  }
0xb7: {  	v0 =	vld [tilespmem:s6+$0xFFFFFFE0]  }
0xb8: {  	v5 =	vld [tilespmem:s6+$0xFFFFFFF0]  }
0xb9: {  	v6 =	vld [tilespmem:s6+$0xFFFFFF90]  }
0xba: {  	[tilespmem:s4+$0xFFFFFFA0] =	vst.add.f32.msk $0xffff, v1  }
0xbb: {  	[tilespmem:s4+$0xFFFFFFB0] =	vst.add.f32.msk $0xffff, v2  }
.Ltmp8:
0xbc: {  	[tilespmem:s4+$0xFFFFFFC0] =	vst.add.f32.msk $0xffff, v3;
	(pc) =	sbr.rel @p0 .LBB2_18-.Ltmp8, $4  }
0xbd: {  	[tilespmem:s4+$0xFFFFFFD0] =	vst.add.f32.msk $0xffff, v4  }
0xbe: {  	[tilespmem:s4+$0xFFFFFF90] =	vst.add.f32.msk $0xffff, v6  }
0xbf: {  	[tilespmem:s4+$0xFFFFFFE0] =	vst.add.f32.msk $0xffff, v0  }
0xc0: {  	s6 =	sadd.s32 $0x80, s6;
	[tilespmem:s4+$0xFFFFFFF0] =	vst.add.f32.msk $0xffff, v5  }
0xc1: {  	s4 =	simm.s32 $0x0;
	s10 =	rddreg [dreg:$0x7]  }
0xc2: {  	s5 =	simm.s32 $0x10;
	s6 =	simm.s32 $0x100;
	s7 =	sadd.s32 $0x0, s10  }
.LBB2_20:
0xc3: {  	[hbm4b:s7+s1] =	stream.linear.scatter [tilespmem:s4], [sflag:$0x4], $0x80, $0x38;
	[tilespmem:$0x18000] =	vst v63  }
0xc4: {  	s7 =	smov.u32 s5;
	s4 =	smov.u32 s6;
	p0 =	sne.s32 s5, $0x7F0  }
.Ltmp9:
0xc5: {  	s5 =	sadd.s32 $0x10, s5;
	(pc) =	sbr.rel @p0 .LBB2_20-.Ltmp9, $2  }
0xc6: {  	_ =	sdelay $0x2  }
0xc7: {  	s6 =	sadd.s32 $0x100, s6;
	s7 =	sadd.s32 s7, s10  }
0xc8: {  	[hbm4b:s7+s1] =	stream.linear.scatter [tilespmem:s4], [sflag:$0x4], $0x80, $0x38;
	[tilespmem:$0x18000] =	vst v63  }
0xc9: {  	s13 =	simm.s32 $0x4  }
0xca: {  	s4 =	simm.s32 $0x0;
	_ =	swait.ge [sflag:s13], $0x4000  }
0xcb: {  	s5 =	simm.s32 $0x10;
	[sflag:s13] =	ssyncset.done $0x0;
	s10 =	rddreg [dreg:$0x8]  }
0xcc: {  	s6 =	simm.s32 $0x100;
	[sflag:s13] =	ssyncadd.s32 $0xFFFFC000;
	s7 =	sadd.s32 $0x0, s10  }
.LBB2_22:
0xcd: {  	[tilespmem:s4], [sflag:$0x1] =	stream.linear.gather [hbm4b:s7+s1], $0x80, $0x38;
	[tilespmem:$0x18000] =	vst v63  }
0xce: {  	s7 =	smov.u32 s5;
	s4 =	smov.u32 s6;
	p0 =	sne.s32 s5, $0x7F0  }
.Ltmp10:
0xcf: {  	s5 =	sadd.s32 $0x10, s5;
	(pc) =	sbr.rel @p0 .LBB2_22-.Ltmp10, $2  }
0xd0: {  	_ =	sdelay $0x2  }
0xd1: {  	s6 =	sadd.s32 $0x100, s6;
	s7 =	sadd.s32 s7, s10  }
0xd2: {  	[tilespmem:s4], [sflag:$0x1] =	stream.linear.gather [hbm4b:s7+s1], $0x80, $0x38;
	[tilespmem:$0x18000] =	vst v63  }
0xd3: {  	s13 =	simm.s32 $0x2  }
0xd4: {  	_ =	swait.ge [sflag:s13], $0x4000  }
0xd5: {  	[sflag:s13] =	ssyncset.done $0x0  }
0xd6: {  	s5 =	simm.s32 $0x14070;
	[sflag:s13] =	ssyncadd.s32 $0xFFFFC000  }
0xd7: {  	v0 =	vld [tilespmem:s5+$0x0]  }
0xd8: {  	v1 =	vld [tilespmem:s5+$0xFFFFFFA0]  }
0xd9: {  	v2 =	vld [tilespmem:s5+$0xFFFFFFB0]  }
0xda: {  	v3 =	vld [tilespmem:s5+$0xFFFFFFC0]  }
0xdb: {  	v4 =	vld [tilespmem:s5+$0xFFFFFFD0]  }
0xdc: {  	v63 =	vld [tilespmem:s5+$0xFFFFFFE0]  }
0xdd: {  	v5 =	vld [tilespmem:s5+$0xFFFFFFF0]  }
0xde: {  	s4 =	simm.s32 $0xF0;
	v6 =	vld [tilespmem:s5+$0xFFFFFF90]  }
0xdf: {  	[tilespmem:s4+$0x0] =	vst.add.f32.msk $0xffff, v0  }
0xe0: {  	[tilespmem:s4+$0xFFFFFFA0] =	vst.add.f32.msk $0xffff, v1  }
0xe1: {  	[tilespmem:s4+$0xFFFFFFB0] =	vst.add.f32.msk $0xffff, v2  }
0xe2: {  	[tilespmem:s4+$0xFFFFFFC0] =	vst.add.f32.msk $0xffff, v3  }
0xe3: {  	[tilespmem:s4+$0xFFFFFFD0] =	vst.add.f32.msk $0xffff, v4  }
0xe4: {  	[tilespmem:s4+$0xFFFFFF90] =	vst.add.f32.msk $0xffff, v6  }
0xe5: {  	[tilespmem:s4+$0xFFFFFFE0] =	vst.add.f32.msk $0xffff, v63  }
0xe6: {  	s6 =	simm.s32 $0x140F0;
	s5 =	simm.s32 $0x0;
	[tilespmem:s4+$0xFFFFFFF0] =	vst.add.f32.msk $0xffff, v5  }
.LBB2_24:
0xe7: {  	v0 =	vld [tilespmem:s6+$0x0];
	s5 =	sadd.s32 $0x8, s5  }
0xe8: {  	v1 =	vld [tilespmem:s6+$0xFFFFFFA0];
	p0 =	slt.u32 s5, $0x3F8  }
0xe9: {  	v2 =	vld [tilespmem:s6+$0xFFFFFFB0]  }
0xea: {  	v3 =	vld [tilespmem:s6+$0xFFFFFFC0]  }
0xeb: {  	s4 =	sadd.s32 $0x100, s4;
	v4 =	vld [tilespmem:s6+$0xFFFFFFD0]  }
0xec: {  	[tilespmem:s4+$0x0] =	vst.add.f32.msk $0xffff, v0  }
0xed: {  	v0 =	vld [tilespmem:s6+$0xFFFFFFE0]  }
0xee: {  	v5 =	vld [tilespmem:s6+$0xFFFFFFF0]  }
0xef: {  	v6 =	vld [tilespmem:s6+$0xFFFFFF90]  }
0xf0: {  	[tilespmem:s4+$0xFFFFFFA0] =	vst.add.f32.msk $0xffff, v1  }
0xf1: {  	[tilespmem:s4+$0xFFFFFFB0] =	vst.add.f32.msk $0xffff, v2  }
.Ltmp11:
0xf2: {  	[tilespmem:s4+$0xFFFFFFC0] =	vst.add.f32.msk $0xffff, v3;
	(pc) =	sbr.rel @p0 .LBB2_24-.Ltmp11, $4  }
0xf3: {  	[tilespmem:s4+$0xFFFFFFD0] =	vst.add.f32.msk $0xffff, v4  }
0xf4: {  	[tilespmem:s4+$0xFFFFFF90] =	vst.add.f32.msk $0xffff, v6  }
0xf5: {  	[tilespmem:s4+$0xFFFFFFE0] =	vst.add.f32.msk $0xffff, v0  }
0xf6: {  	s6 =	sadd.s32 $0x80, s6;
	[tilespmem:s4+$0xFFFFFFF0] =	vst.add.f32.msk $0xffff, v5  }
0xf7: {  	s4 =	simm.s32 $0x80;
	s11 =	rddreg [dreg:$0x9]  }
0xf8: {  	s5 =	simm.s32 $0x10;
	s6 =	simm.s32 $0x180;
	s7 =	sadd.s32 $0x0, s11  }
.LBB2_26:
0xf9: {  	[hbm4b:s7+s1] =	stream.linear.scatter [tilespmem:s4], [sflag:$0x5], $0x80, $0x38;
	[tilespmem:$0x18000] =	vst v63  }
0xfa: {  	s7 =	smov.u32 s5;
	s4 =	smov.u32 s6;
	p0 =	sne.s32 s5, $0x7F0  }
.Ltmp12:
0xfb: {  	s5 =	sadd.s32 $0x10, s5;
	(pc) =	sbr.rel @p0 .LBB2_26-.Ltmp12, $2  }
0xfc: {  	_ =	sdelay $0x2  }
0xfd: {  	s6 =	sadd.s32 $0x100, s6;
	s7 =	sadd.s32 s7, s11  }
0xfe: {  	[hbm4b:s7+s1] =	stream.linear.scatter [tilespmem:s4], [sflag:$0x5], $0x80, $0x38;
	[tilespmem:$0x18000] =	vst v63  }
0xff: {  	s13 =	simm.s32 $0x5  }
0x100: {  	s4 =	simm.s32 $0x80;
	_ =	swait.ge [sflag:s13], $0x4000  }
0x101: {  	s5 =	simm.s32 $0x10;
	[sflag:s13] =	ssyncset.done $0x0;
	s11 =	rddreg [dreg:$0xa]  }
0x102: {  	s6 =	simm.s32 $0x180;
	[sflag:s13] =	ssyncadd.s32 $0xFFFFC000;
	s7 =	sadd.s32 $0x0, s11  }
.LBB2_28:
0x103: {  	[tilespmem:s4], [sflag:$0x2] =	stream.linear.gather [hbm4b:s7+s1], $0x80, $0x38;
	[tilespmem:$0x18000] =	vst v63  }
0x104: {  	s7 =	smov.u32 s5;
	s4 =	smov.u32 s6;
	p0 =	sne.s32 s5, $0x7F0  }
.Ltmp13:
0x105: {  	s5 =	sadd.s32 $0x10, s5;
	(pc) =	sbr.rel @p0 .LBB2_28-.Ltmp13, $2  }
0x106: {  	_ =	sdelay $0x2  }
0x107: {  	s6 =	sadd.s32 $0x100, s6;
	s7 =	sadd.s32 s7, s11  }
0x108: {  	[tilespmem:s4], [sflag:$0x2] =	stream.linear.gather [hbm4b:s7+s1], $0x80, $0x38;
	[tilespmem:$0x18000] =	vst v63  }
0x109: {  	s13 =	simm.s32 $0x1  }
0x10a: {  	_ =	swait.ge [sflag:s13], $0x4000  }
0x10b: {  	[sflag:s13] =	ssyncset.done $0x0  }
0x10c: {  	s5 =	simm.s32 $0x8040;
	[sflag:s13] =	ssyncadd.s32 $0xFFFFC000  }
0x10d: {  	v0 =	vld [tilespmem:s5+$0x30]  }
0x10e: {  	v1 =	vld [tilespmem:s5+$0xFFFFFFD0]  }
0x10f: {  	v2 =	vld [tilespmem:s5+$0xFFFFFFE0]  }
0x110: {  	v3 =	vld [tilespmem:s5+$0xFFFFFFF0]  }
0x111: {  	v4 =	vld [tilespmem:s5+$0x0]  }
0x112: {  	v63 =	vld [tilespmem:s5+$0x10]  }
0x113: {  	v5 =	vld [tilespmem:s5+$0x20]  }
0x114: {  	s4 =	simm.s32 $0x70;
	v6 =	vld [tilespmem:s5+$0xFFFFFFC0]  }
0x115: {  	[tilespmem:s4+$0x0] =	vst.add.f32.msk $0xffff, v0  }
0x116: {  	[tilespmem:s4+$0xFFFFFFA0] =	vst.add.f32.msk $0xffff, v1  }
0x117: {  	[tilespmem:s4+$0xFFFFFFB0] =	vst.add.f32.msk $0xffff, v2  }
0x118: {  	[tilespmem:s4+$0xFFFFFFC0] =	vst.add.f32.msk $0xffff, v3  }
0x119: {  	[tilespmem:s4+$0xFFFFFFD0] =	vst.add.f32.msk $0xffff, v4  }
0x11a: {  	[tilespmem:s4+$0xFFFFFF90] =	vst.add.f32.msk $0xffff, v6  }
0x11b: {  	[tilespmem:s4+$0xFFFFFFE0] =	vst.add.f32.msk $0xffff, v63  }
0x11c: {  	s6 =	simm.s32 $0x80C0;
	s5 =	simm.s32 $0x0;
	[tilespmem:s4+$0xFFFFFFF0] =	vst.add.f32.msk $0xffff, v5  }
.LBB2_30:
0x11d: {  	v0 =	vld [tilespmem:s6+$0x30];
	s5 =	sadd.s32 $0x8, s5  }
0x11e: {  	v1 =	vld [tilespmem:s6+$0xFFFFFFD0];
	p0 =	slt.u32 s5, $0x3F8  }
0x11f: {  	v2 =	vld [tilespmem:s6+$0xFFFFFFE0]  }
0x120: {  	v3 =	vld [tilespmem:s6+$0xFFFFFFF0]  }
0x121: {  	s4 =	sadd.s32 $0x100, s4;
	v4 =	vld [tilespmem:s6+$0x0]  }
0x122: {  	[tilespmem:s4+$0x0] =	vst.add.f32.msk $0xffff, v0  }
0x123: {  	v0 =	vld [tilespmem:s6+$0x10]  }
0x124: {  	v5 =	vld [tilespmem:s6+$0x20]  }
0x125: {  	v6 =	vld [tilespmem:s6+$0xFFFFFFC0]  }
0x126: {  	[tilespmem:s4+$0xFFFFFFA0] =	vst.add.f32.msk $0xffff, v1  }
0x127: {  	[tilespmem:s4+$0xFFFFFFB0] =	vst.add.f32.msk $0xffff, v2  }
.Ltmp14:
0x128: {  	[tilespmem:s4+$0xFFFFFFC0] =	vst.add.f32.msk $0xffff, v3;
	(pc) =	sbr.rel @p0 .LBB2_30-.Ltmp14, $4  }
0x129: {  	[tilespmem:s4+$0xFFFFFFD0] =	vst.add.f32.msk $0xffff, v4  }
0x12a: {  	[tilespmem:s4+$0xFFFFFF90] =	vst.add.f32.msk $0xffff, v6  }
0x12b: {  	[tilespmem:s4+$0xFFFFFFE0] =	vst.add.f32.msk $0xffff, v0  }
0x12c: {  	s6 =	sadd.s32 $0x80, s6;
	[tilespmem:s4+$0xFFFFFFF0] =	vst.add.f32.msk $0xffff, v5  }
0x12d: {  	s4 =	simm.s32 $0x0;
	s12 =	rddreg [dreg:$0xb]  }
0x12e: {  	s5 =	simm.s32 $0x10;
	s6 =	simm.s32 $0x100;
	s7 =	sadd.s32 $0x0, s12  }
.LBB2_32:
0x12f: {  	[hbm4b:s7+s1] =	stream.linear.scatter [tilespmem:s4], [sflag:$0x4], $0x80, $0x38;
	[tilespmem:$0x18000] =	vst v63  }
0x130: {  	s7 =	smov.u32 s5;
	s4 =	smov.u32 s6;
	p0 =	sne.s32 s5, $0x7F0  }
.Ltmp15:
0x131: {  	s5 =	sadd.s32 $0x10, s5;
	(pc) =	sbr.rel @p0 .LBB2_32-.Ltmp15, $2  }
0x132: {  	_ =	sdelay $0x2  }
0x133: {  	s6 =	sadd.s32 $0x100, s6;
	s7 =	sadd.s32 s7, s12  }
0x134: {  	[hbm4b:s7+s1] =	stream.linear.scatter [tilespmem:s4], [sflag:$0x4], $0x80, $0x38;
	[tilespmem:$0x18000] =	vst v63  }
0x135: {  	s13 =	simm.s32 $0x4  }
0x136: {  	s4 =	simm.s32 $0x0;
	_ =	swait.ge [sflag:s13], $0x4000  }
0x137: {  	s5 =	simm.s32 $0x10;
	[sflag:s13] =	ssyncset.done $0x0;
	s12 =	rddreg [dreg:$0xc]  }
0x138: {  	s6 =	simm.s32 $0x100;
	[sflag:s13] =	ssyncadd.s32 $0xFFFFC000;
	s7 =	sadd.s32 $0x0, s12  }
.LBB2_34:
0x139: {  	[tilespmem:s4], [sflag:$0x1] =	stream.linear.gather [hbm4b:s7+s1], $0x80, $0x38;
	[tilespmem:$0x18000] =	vst v63  }
0x13a: {  	s7 =	smov.u32 s5;
	s4 =	smov.u32 s6;
	p0 =	sne.s32 s5, $0x7F0  }
.Ltmp16:
0x13b: {  	s5 =	sadd.s32 $0x10, s5;
	(pc) =	sbr.rel @p0 .LBB2_34-.Ltmp16, $2  }
0x13c: {  	_ =	sdelay $0x2  }
0x13d: {  	s6 =	sadd.s32 $0x100, s6;
	s7 =	sadd.s32 s7, s12  }
0x13e: {  	[tilespmem:s4], [sflag:$0x1] =	stream.linear.gather [hbm4b:s7+s1], $0x80, $0x38;
	[tilespmem:$0x18000] =	vst v63  }
0x13f: {  	s13 =	simm.s32 $0x2  }
0x140: {  	_ =	swait.ge [sflag:s13], $0x4000  }
0x141: {  	[sflag:s13] =	ssyncset.done $0x0  }
0x142: {  	s5 =	simm.s32 $0xC070;
	[sflag:s13] =	ssyncadd.s32 $0xFFFFC000  }
0x143: {  	v0 =	vld [tilespmem:s5+$0x0]  }
0x144: {  	v1 =	vld [tilespmem:s5+$0xFFFFFFA0]  }
0x145: {  	v2 =	vld [tilespmem:s5+$0xFFFFFFB0]  }
0x146: {  	v3 =	vld [tilespmem:s5+$0xFFFFFFC0]  }
0x147: {  	v4 =	vld [tilespmem:s5+$0xFFFFFFD0]  }
0x148: {  	v63 =	vld [tilespmem:s5+$0xFFFFFFE0]  }
0x149: {  	v5 =	vld [tilespmem:s5+$0xFFFFFFF0]  }
0x14a: {  	s4 =	simm.s32 $0xF0;
	v6 =	vld [tilespmem:s5+$0xFFFFFF90]  }
0x14b: {  	[tilespmem:s4+$0x0] =	vst.add.f32.msk $0xffff, v0  }
0x14c: {  	[tilespmem:s4+$0xFFFFFFA0] =	vst.add.f32.msk $0xffff, v1  }
0x14d: {  	[tilespmem:s4+$0xFFFFFFB0] =	vst.add.f32.msk $0xffff, v2  }
0x14e: {  	[tilespmem:s4+$0xFFFFFFC0] =	vst.add.f32.msk $0xffff, v3  }
0x14f: {  	[tilespmem:s4+$0xFFFFFFD0] =	vst.add.f32.msk $0xffff, v4  }
0x150: {  	[tilespmem:s4+$0xFFFFFF90] =	vst.add.f32.msk $0xffff, v6  }
0x151: {  	[tilespmem:s4+$0xFFFFFFE0] =	vst.add.f32.msk $0xffff, v63  }
0x152: {  	s6 =	simm.s32 $0xC0F0;
	s5 =	simm.s32 $0x0;
	[tilespmem:s4+$0xFFFFFFF0] =	vst.add.f32.msk $0xffff, v5  }
.LBB2_36:
0x153: {  	v0 =	vld [tilespmem:s6+$0x0];
	s5 =	sadd.s32 $0x8, s5  }
0x154: {  	v1 =	vld [tilespmem:s6+$0xFFFFFFA0];
	p0 =	slt.u32 s5, $0x3F8  }
0x155: {  	v2 =	vld [tilespmem:s6+$0xFFFFFFB0]  }
0x156: {  	v3 =	vld [tilespmem:s6+$0xFFFFFFC0]  }
0x157: {  	s4 =	sadd.s32 $0x100, s4;
	v4 =	vld [tilespmem:s6+$0xFFFFFFD0]  }
0x158: {  	[tilespmem:s4+$0x0] =	vst.add.f32.msk $0xffff, v0  }
0x159: {  	v0 =	vld [tilespmem:s6+$0xFFFFFFE0]  }
0x15a: {  	v5 =	vld [tilespmem:s6+$0xFFFFFFF0]  }
0x15b: {  	v6 =	vld [tilespmem:s6+$0xFFFFFF90]  }
0x15c: {  	[tilespmem:s4+$0xFFFFFFA0] =	vst.add.f32.msk $0xffff, v1  }
0x15d: {  	[tilespmem:s4+$0xFFFFFFB0] =	vst.add.f32.msk $0xffff, v2  }
.Ltmp17:
0x15e: {  	[tilespmem:s4+$0xFFFFFFC0] =	vst.add.f32.msk $0xffff, v3;
	(pc) =	sbr.rel @p0 .LBB2_36-.Ltmp17, $4  }
0x15f: {  	[tilespmem:s4+$0xFFFFFFD0] =	vst.add.f32.msk $0xffff, v4  }
0x160: {  	[tilespmem:s4+$0xFFFFFF90] =	vst.add.f32.msk $0xffff, v6  }
0x161: {  	[tilespmem:s4+$0xFFFFFFE0] =	vst.add.f32.msk $0xffff, v0  }
0x162: {  	s6 =	sadd.s32 $0x80, s6;
	[tilespmem:s4+$0xFFFFFFF0] =	vst.add.f32.msk $0xffff, v5  }
0x163: {  	s4 =	simm.s32 $0x80;
	s13 =	rddreg [dreg:$0xd]  }
0x164: {  	s5 =	simm.s32 $0x10;
	s6 =	simm.s32 $0x180;
	s7 =	sadd.s32 $0x0, s13  }
.LBB2_38:
0x165: {  	[hbm4b:s7+s1] =	stream.linear.scatter [tilespmem:s4], [sflag:$0x5], $0x80, $0x38;
	[tilespmem:$0x18000] =	vst v63  }
0x166: {  	s7 =	smov.u32 s5;
	s4 =	smov.u32 s6;
	p0 =	sne.s32 s5, $0x7F0  }
.Ltmp18:
0x167: {  	s5 =	sadd.s32 $0x10, s5;
	(pc) =	sbr.rel @p0 .LBB2_38-.Ltmp18, $2  }
0x168: {  	_ =	sdelay $0x2  }
0x169: {  	s6 =	sadd.s32 $0x100, s6;
	s7 =	sadd.s32 s7, s13  }
0x16a: {  	[hbm4b:s7+s1] =	stream.linear.scatter [tilespmem:s4], [sflag:$0x5], $0x80, $0x38;
	[tilespmem:$0x18000] =	vst v63  }
0x16b: {  	s13 =	simm.s32 $0x5  }
0x16c: {  	_ =	swait.ge [sflag:s13], $0x4000  }
0x16d: {  	[sflag:s13] =	ssyncset.done $0x0  }
0x16e: {  	s4 =	simm.s32 $0x80;
	[sflag:s13] =	ssyncadd.s32 $0xFFFFC000;
	s13 =	rddreg [dreg:$0xe]  }
0x16f: {  	s5 =	simm.s32 $0x10;
	s6 =	simm.s32 $0x180;
	s7 =	sadd.s32 $0x0, s13  }
.LBB2_40:
0x170: {  	[tilespmem:s4], [sflag:$0x2] =	stream.linear.gather [hbm4b:s7+s1], $0x80, $0x38;
	[tilespmem:$0x18000] =	vst v63  }
0x171: {  	s7 =	smov.u32 s5;
	s4 =	smov.u32 s6;
	p0 =	sne.s32 s5, $0x7F0  }
.Ltmp19:
0x172: {  	s5 =	sadd.s32 $0x10, s5;
	(pc) =	sbr.rel @p0 .LBB2_40-.Ltmp19, $2  }
0x173: {  	_ =	sdelay $0x2  }
0x174: {  	s6 =	sadd.s32 $0x100, s6;
	s7 =	sadd.s32 s7, s13  }
0x175: {  	[tilespmem:s4], [sflag:$0x2] =	stream.linear.gather [hbm4b:s7+s1], $0x80, $0x38;
	[tilespmem:$0x18000] =	vst v63  }
0x176: {  	s13 =	simm.s32 $0x1  }
0x177: {  	_ =	swait.ge [sflag:s13], $0x4000  }
0x178: {  	[sflag:s13] =	ssyncset.done $0x0  }
0x179: {  	s5 =	simm.s32 $0x10070;
	[sflag:s13] =	ssyncadd.s32 $0xFFFFC000  }
0x17a: {  	v0 =	vld [tilespmem:s5+$0x0]  }
0x17b: {  	v1 =	vld [tilespmem:s5+$0xFFFFFFA0]  }
0x17c: {  	v2 =	vld [tilespmem:s5+$0xFFFFFFB0]  }
0x17d: {  	v3 =	vld [tilespmem:s5+$0xFFFFFFC0]  }
0x17e: {  	v4 =	vld [tilespmem:s5+$0xFFFFFFD0]  }
0x17f: {  	v63 =	vld [tilespmem:s5+$0xFFFFFFE0]  }
0x180: {  	v5 =	vld [tilespmem:s5+$0xFFFFFFF0]  }
0x181: {  	s4 =	simm.s32 $0x70;
	v6 =	vld [tilespmem:s5+$0xFFFFFF90]  }
0x182: {  	[tilespmem:s4+$0x0] =	vst.add.f32.msk $0xffff, v0  }
0x183: {  	[tilespmem:s4+$0xFFFFFFA0] =	vst.add.f32.msk $0xffff, v1  }
0x184: {  	[tilespmem:s4+$0xFFFFFFB0] =	vst.add.f32.msk $0xffff, v2  }
0x185: {  	[tilespmem:s4+$0xFFFFFFC0] =	vst.add.f32.msk $0xffff, v3  }
0x186: {  	[tilespmem:s4+$0xFFFFFFD0] =	vst.add.f32.msk $0xffff, v4  }
0x187: {  	[tilespmem:s4+$0xFFFFFF90] =	vst.add.f32.msk $0xffff, v6  }
0x188: {  	[tilespmem:s4+$0xFFFFFFE0] =	vst.add.f32.msk $0xffff, v63  }
0x189: {  	s6 =	simm.s32 $0x100F0;
	s5 =	simm.s32 $0x0;
	[tilespmem:s4+$0xFFFFFFF0] =	vst.add.f32.msk $0xffff, v5  }
.LBB2_42:
0x18a: {  	v0 =	vld [tilespmem:s6+$0x0];
	s5 =	sadd.s32 $0x8, s5  }
0x18b: {  	v1 =	vld [tilespmem:s6+$0xFFFFFFA0];
	p0 =	slt.u32 s5, $0x3F8  }
0x18c: {  	v2 =	vld [tilespmem:s6+$0xFFFFFFB0]  }
0x18d: {  	v3 =	vld [tilespmem:s6+$0xFFFFFFC0]  }
0x18e: {  	s4 =	sadd.s32 $0x100, s4;
	v4 =	vld [tilespmem:s6+$0xFFFFFFD0]  }
0x18f: {  	[tilespmem:s4+$0x0] =	vst.add.f32.msk $0xffff, v0  }
0x190: {  	v0 =	vld [tilespmem:s6+$0xFFFFFFE0]  }
0x191: {  	v5 =	vld [tilespmem:s6+$0xFFFFFFF0]  }
0x192: {  	v6 =	vld [tilespmem:s6+$0xFFFFFF90]  }
0x193: {  	[tilespmem:s4+$0xFFFFFFA0] =	vst.add.f32.msk $0xffff, v1  }
0x194: {  	[tilespmem:s4+$0xFFFFFFB0] =	vst.add.f32.msk $0xffff, v2  }
.Ltmp20:
0x195: {  	[tilespmem:s4+$0xFFFFFFC0] =	vst.add.f32.msk $0xffff, v3;
	(pc) =	sbr.rel @p0 .LBB2_42-.Ltmp20, $4  }
0x196: {  	[tilespmem:s4+$0xFFFFFFD0] =	vst.add.f32.msk $0xffff, v4  }
0x197: {  	[tilespmem:s4+$0xFFFFFF90] =	vst.add.f32.msk $0xffff, v6  }
0x198: {  	[tilespmem:s4+$0xFFFFFFE0] =	vst.add.f32.msk $0xffff, v0  }
0x199: {  	s6 =	sadd.s32 $0x80, s6;
	[tilespmem:s4+$0xFFFFFFF0] =	vst.add.f32.msk $0xffff, v5  }
0x19a: {  	s4 =	simm.s32 $0x0  }
0x19b: {  	s5 =	simm.s32 $0x10;
	s7 =	sadd.s32 $0x0, s14;
	s6 =	simm.s32 $0x100  }
.LBB2_44:
0x19c: {  	[hbm4b:s7+s1] =	stream.linear.scatter [tilespmem:s4], [sflag:$0x4], $0x80, $0x38;
	[tilespmem:$0x18000] =	vst v63  }
0x19d: {  	s7 =	smov.u32 s5;
	s4 =	smov.u32 s6;
	p0 =	sne.s32 s5, $0x7F0  }
.Ltmp21:
0x19e: {  	s5 =	sadd.s32 $0x10, s5;
	(pc) =	sbr.rel @p0 .LBB2_44-.Ltmp21, $2  }
0x19f: {  	_ =	sdelay $0x2  }
0x1a0: {  	s6 =	sadd.s32 $0x100, s6;
	s7 =	sadd.s32 s7, s14  }
0x1a1: {  	[hbm4b:s7+s1] =	stream.linear.scatter [tilespmem:s4], [sflag:$0x4], $0x80, $0x38;
	[tilespmem:$0x18000] =	vst v63  }
0x1a2: {  	s13 =	simm.s32 $0x4  }
0x1a3: {  	_ =	swait.ge [sflag:s13], $0x4000  }
0x1a4: {  	s4 =	simm.s32 $0x0;
	s5 =	simm.s32 $0x10;
	[sflag:s13] =	ssyncset.done $0x0  }
0x1a5: {  	s7 =	sadd.s32 $0x0, s15;
	s6 =	simm.s32 $0x100;
	[sflag:s13] =	ssyncadd.s32 $0xFFFFC000  }
.LBB2_46:
0x1a6: {  	[tilespmem:s4], [sflag:$0x1] =	stream.linear.gather [hbm4b:s7+s1], $0x80, $0x38;
	[tilespmem:$0x18000] =	vst v63  }
0x1a7: {  	s7 =	smov.u32 s5;
	s4 =	smov.u32 s6;
	p0 =	sne.s32 s5, $0x7F0  }
.Ltmp22:
0x1a8: {  	s5 =	sadd.s32 $0x10, s5;
	(pc) =	sbr.rel @p0 .LBB2_46-.Ltmp22, $2  }
0x1a9: {  	_ =	sdelay $0x2  }
0x1aa: {  	s6 =	sadd.s32 $0x100, s6;
	s7 =	sadd.s32 s7, s15  }
0x1ab: {  	[tilespmem:s4], [sflag:$0x1] =	stream.linear.gather [hbm4b:s7+s1], $0x80, $0x38;
	[tilespmem:$0x18000] =	vst v63  }
0x1ac: {  	s13 =	simm.s32 $0x2  }
0x1ad: {  	_ =	swait.ge [sflag:s13], $0x4000  }
0x1ae: {  	[sflag:s13] =	ssyncset.done $0x0  }
0x1af: {  	s5 =	simm.s32 $0x14070;
	[sflag:s13] =	ssyncadd.s32 $0xFFFFC000  }
0x1b0: {  	v0 =	vld [tilespmem:s5+$0x0]  }
0x1b1: {  	v1 =	vld [tilespmem:s5+$0xFFFFFFA0]  }
0x1b2: {  	v2 =	vld [tilespmem:s5+$0xFFFFFFB0]  }
0x1b3: {  	v3 =	vld [tilespmem:s5+$0xFFFFFFC0]  }
0x1b4: {  	v4 =	vld [tilespmem:s5+$0xFFFFFFD0]  }
0x1b5: {  	v63 =	vld [tilespmem:s5+$0xFFFFFFE0]  }
0x1b6: {  	v5 =	vld [tilespmem:s5+$0xFFFFFFF0]  }
0x1b7: {  	s4 =	simm.s32 $0xF0;
	v6 =	vld [tilespmem:s5+$0xFFFFFF90]  }
0x1b8: {  	[tilespmem:s4+$0x0] =	vst.add.f32.msk $0xffff, v0  }
0x1b9: {  	[tilespmem:s4+$0xFFFFFFA0] =	vst.add.f32.msk $0xffff, v1  }
0x1ba: {  	[tilespmem:s4+$0xFFFFFFB0] =	vst.add.f32.msk $0xffff, v2  }
0x1bb: {  	[tilespmem:s4+$0xFFFFFFC0] =	vst.add.f32.msk $0xffff, v3  }
0x1bc: {  	[tilespmem:s4+$0xFFFFFFD0] =	vst.add.f32.msk $0xffff, v4  }
0x1bd: {  	[tilespmem:s4+$0xFFFFFF90] =	vst.add.f32.msk $0xffff, v6  }
0x1be: {  	[tilespmem:s4+$0xFFFFFFE0] =	vst.add.f32.msk $0xffff, v63  }
0x1bf: {  	s6 =	simm.s32 $0x140F0;
	s5 =	simm.s32 $0x0;
	[tilespmem:s4+$0xFFFFFFF0] =	vst.add.f32.msk $0xffff, v5  }
.LBB2_48:
0x1c0: {  	v0 =	vld [tilespmem:s6+$0x0];
	s5 =	sadd.s32 $0x8, s5  }
0x1c1: {  	v1 =	vld [tilespmem:s6+$0xFFFFFFA0];
	p0 =	slt.u32 s5, $0x3F8  }
0x1c2: {  	v2 =	vld [tilespmem:s6+$0xFFFFFFB0]  }
0x1c3: {  	v3 =	vld [tilespmem:s6+$0xFFFFFFC0]  }
0x1c4: {  	s4 =	sadd.s32 $0x100, s4;
	v4 =	vld [tilespmem:s6+$0xFFFFFFD0]  }
0x1c5: {  	[tilespmem:s4+$0x0] =	vst.add.f32.msk $0xffff, v0  }
0x1c6: {  	v0 =	vld [tilespmem:s6+$0xFFFFFFE0]  }
0x1c7: {  	v5 =	vld [tilespmem:s6+$0xFFFFFFF0]  }
0x1c8: {  	v6 =	vld [tilespmem:s6+$0xFFFFFF90]  }
0x1c9: {  	[tilespmem:s4+$0xFFFFFFA0] =	vst.add.f32.msk $0xffff, v1  }
0x1ca: {  	[tilespmem:s4+$0xFFFFFFB0] =	vst.add.f32.msk $0xffff, v2  }
.Ltmp23:
0x1cb: {  	[tilespmem:s4+$0xFFFFFFC0] =	vst.add.f32.msk $0xffff, v3;
	(pc) =	sbr.rel @p0 .LBB2_48-.Ltmp23, $4  }
0x1cc: {  	[tilespmem:s4+$0xFFFFFFD0] =	vst.add.f32.msk $0xffff, v4  }
0x1cd: {  	[tilespmem:s4+$0xFFFFFF90] =	vst.add.f32.msk $0xffff, v6  }
0x1ce: {  	[tilespmem:s4+$0xFFFFFFE0] =	vst.add.f32.msk $0xffff, v0  }
0x1cf: {  	s6 =	sadd.s32 $0x80, s6;
	[tilespmem:s4+$0xFFFFFFF0] =	vst.add.f32.msk $0xffff, v5  }
0x1d0: {  	s4 =	simm.s32 $0x80  }
0x1d1: {  	s5 =	simm.s32 $0x10;
	s7 =	sadd.s32 $0x0, s16;
	s6 =	simm.s32 $0x180  }
.LBB2_50:
0x1d2: {  	[hbm4b:s7+s1] =	stream.linear.scatter [tilespmem:s4], [sflag:$0x5], $0x80, $0x38;
	[tilespmem:$0x18000] =	vst v63  }
0x1d3: {  	s7 =	smov.u32 s5;
	s4 =	smov.u32 s6;
	p0 =	sne.s32 s5, $0x7F0  }
.Ltmp24:
0x1d4: {  	s5 =	sadd.s32 $0x10, s5;
	(pc) =	sbr.rel @p0 .LBB2_50-.Ltmp24, $2  }
0x1d5: {  	_ =	sdelay $0x2  }
0x1d6: {  	s6 =	sadd.s32 $0x100, s6;
	s7 =	sadd.s32 s7, s16  }
0x1d7: {  	[hbm4b:s7+s1] =	stream.linear.scatter [tilespmem:s4], [sflag:$0x5], $0x80, $0x38;
	[tilespmem:$0x18000] =	vst v63  }
0x1d8: {  	s13 =	simm.s32 $0x5  }
0x1d9: {  	_ =	swait.ge [sflag:s13], $0x4000  }
0x1da: {  	s4 =	simm.s32 $0x80;
	s5 =	simm.s32 $0x10;
	[sflag:s13] =	ssyncset.done $0x0  }
0x1db: {  	s7 =	sadd.s32 $0x0, s17;
	s6 =	simm.s32 $0x180;
	[sflag:s13] =	ssyncadd.s32 $0xFFFFC000  }
.LBB2_52:
0x1dc: {  	[tilespmem:s4], [sflag:$0x2] =	stream.linear.gather [hbm4b:s7+s1], $0x80, $0x38;
	[tilespmem:$0x18000] =	vst v63  }
0x1dd: {  	s7 =	smov.u32 s5;
	s4 =	smov.u32 s6;
	p0 =	sne.s32 s5, $0x7F0  }
.Ltmp25:
0x1de: {  	s5 =	sadd.s32 $0x10, s5;
	(pc) =	sbr.rel @p0 .LBB2_52-.Ltmp25, $2  }
0x1df: {  	_ =	sdelay $0x2  }
0x1e0: {  	s6 =	sadd.s32 $0x100, s6;
	s7 =	sadd.s32 s7, s17  }
0x1e1: {  	[tilespmem:s4], [sflag:$0x2] =	stream.linear.gather [hbm4b:s7+s1], $0x80, $0x38;
	[tilespmem:$0x18000] =	vst v63  }
0x1e2: {  	s13 =	simm.s32 $0x1  }
0x1e3: {  	_ =	swait.ge [sflag:s13], $0x4000  }
0x1e4: {  	[sflag:s13] =	ssyncset.done $0x0  }
0x1e5: {  	s5 =	simm.s32 $0x8040;
	[sflag:s13] =	ssyncadd.s32 $0xFFFFC000  }
0x1e6: {  	v0 =	vld [tilespmem:s5+$0x30]  }
0x1e7: {  	v1 =	vld [tilespmem:s5+$0xFFFFFFD0]  }
0x1e8: {  	v2 =	vld [tilespmem:s5+$0xFFFFFFE0]  }
0x1e9: {  	v3 =	vld [tilespmem:s5+$0xFFFFFFF0]  }
0x1ea: {  	v4 =	vld [tilespmem:s5+$0x0]  }
0x1eb: {  	v63 =	vld [tilespmem:s5+$0x10]  }
0x1ec: {  	v5 =	vld [tilespmem:s5+$0x20]  }
0x1ed: {  	s4 =	simm.s32 $0x70;
	v6 =	vld [tilespmem:s5+$0xFFFFFFC0]  }
0x1ee: {  	[tilespmem:s4+$0x0] =	vst.add.f32.msk $0xffff, v0  }
0x1ef: {  	[tilespmem:s4+$0xFFFFFFA0] =	vst.add.f32.msk $0xffff, v1  }
0x1f0: {  	[tilespmem:s4+$0xFFFFFFB0] =	vst.add.f32.msk $0xffff, v2  }
0x1f1: {  	[tilespmem:s4+$0xFFFFFFC0] =	vst.add.f32.msk $0xffff, v3  }
0x1f2: {  	[tilespmem:s4+$0xFFFFFFD0] =	vst.add.f32.msk $0xffff, v4  }
0x1f3: {  	[tilespmem:s4+$0xFFFFFF90] =	vst.add.f32.msk $0xffff, v6  }
0x1f4: {  	[tilespmem:s4+$0xFFFFFFE0] =	vst.add.f32.msk $0xffff, v63  }
0x1f5: {  	s6 =	simm.s32 $0x80C0;
	s5 =	simm.s32 $0x0;
	[tilespmem:s4+$0xFFFFFFF0] =	vst.add.f32.msk $0xffff, v5  }
.LBB2_54:
0x1f6: {  	v0 =	vld [tilespmem:s6+$0x30];
	s5 =	sadd.s32 $0x8, s5  }
0x1f7: {  	v1 =	vld [tilespmem:s6+$0xFFFFFFD0];
	p0 =	slt.u32 s5, $0x3F8  }
0x1f8: {  	v2 =	vld [tilespmem:s6+$0xFFFFFFE0]  }
0x1f9: {  	v3 =	vld [tilespmem:s6+$0xFFFFFFF0]  }
0x1fa: {  	s4 =	sadd.s32 $0x100, s4;
	v4 =	vld [tilespmem:s6+$0x0]  }
0x1fb: {  	[tilespmem:s4+$0x0] =	vst.add.f32.msk $0xffff, v0  }
0x1fc: {  	v0 =	vld [tilespmem:s6+$0x10]  }
0x1fd: {  	v5 =	vld [tilespmem:s6+$0x20]  }
0x1fe: {  	v6 =	vld [tilespmem:s6+$0xFFFFFFC0]  }
0x1ff: {  	[tilespmem:s4+$0xFFFFFFA0] =	vst.add.f32.msk $0xffff, v1  }
0x200: {  	[tilespmem:s4+$0xFFFFFFB0] =	vst.add.f32.msk $0xffff, v2  }
.Ltmp26:
0x201: {  	[tilespmem:s4+$0xFFFFFFC0] =	vst.add.f32.msk $0xffff, v3;
	(pc) =	sbr.rel @p0 .LBB2_54-.Ltmp26, $4  }
0x202: {  	[tilespmem:s4+$0xFFFFFFD0] =	vst.add.f32.msk $0xffff, v4  }
0x203: {  	[tilespmem:s4+$0xFFFFFF90] =	vst.add.f32.msk $0xffff, v6  }
0x204: {  	[tilespmem:s4+$0xFFFFFFE0] =	vst.add.f32.msk $0xffff, v0  }
0x205: {  	s6 =	sadd.s32 $0x80, s6;
	[tilespmem:s4+$0xFFFFFFF0] =	vst.add.f32.msk $0xffff, v5  }
0x206: {  	s4 =	simm.s32 $0x0  }
0x207: {  	s5 =	simm.s32 $0x10;
	s7 =	sadd.s32 $0x0, s18;
	s6 =	simm.s32 $0x100  }
.LBB2_56:
0x208: {  	[hbm4b:s7+s1] =	stream.linear.scatter [tilespmem:s4], [sflag:$0x4], $0x80, $0x38;
	[tilespmem:$0x18000] =	vst v63  }
0x209: {  	s7 =	smov.u32 s5;
	s4 =	smov.u32 s6;
	p0 =	sne.s32 s5, $0x7F0  }
.Ltmp27:
0x20a: {  	s5 =	sadd.s32 $0x10, s5;
	(pc) =	sbr.rel @p0 .LBB2_56-.Ltmp27, $2  }
0x20b: {  	_ =	sdelay $0x2  }
0x20c: {  	s6 =	sadd.s32 $0x100, s6;
	s7 =	sadd.s32 s7, s18  }
0x20d: {  	[hbm4b:s7+s1] =	stream.linear.scatter [tilespmem:s4], [sflag:$0x4], $0x80, $0x38;
	[tilespmem:$0x18000] =	vst v63  }
0x20e: {  	s13 =	simm.s32 $0x4  }
0x20f: {  	_ =	swait.ge [sflag:s13], $0x4000  }
0x210: {  	s4 =	simm.s32 $0x0;
	s5 =	simm.s32 $0x10;
	[sflag:s13] =	ssyncset.done $0x0  }
0x211: {  	s7 =	sadd.s32 $0x0, s20;
	s6 =	simm.s32 $0x100;
	[sflag:s13] =	ssyncadd.s32 $0xFFFFC000  }
.LBB2_58:
0x212: {  	[tilespmem:s4], [sflag:$0x1] =	stream.linear.gather [hbm4b:s7+s1], $0x80, $0x38;
	[tilespmem:$0x18000] =	vst v63  }
0x213: {  	s7 =	smov.u32 s5;
	s4 =	smov.u32 s6;
	p0 =	sne.s32 s5, $0x7F0  }
.Ltmp28:
0x214: {  	s5 =	sadd.s32 $0x10, s5;
	(pc) =	sbr.rel @p0 .LBB2_58-.Ltmp28, $2  }
0x215: {  	_ =	sdelay $0x2  }
0x216: {  	s6 =	sadd.s32 $0x100, s6;
	s7 =	sadd.s32 s7, s20  }
0x217: {  	[tilespmem:s4], [sflag:$0x1] =	stream.linear.gather [hbm4b:s7+s1], $0x80, $0x38;
	[tilespmem:$0x18000] =	vst v63  }
0x218: {  	s13 =	simm.s32 $0x2  }
0x219: {  	_ =	swait.ge [sflag:s13], $0x4000  }
0x21a: {  	[sflag:s13] =	ssyncset.done $0x0  }
0x21b: {  	s5 =	simm.s32 $0xC070;
	[sflag:s13] =	ssyncadd.s32 $0xFFFFC000  }
0x21c: {  	v0 =	vld [tilespmem:s5+$0x0]  }
0x21d: {  	v1 =	vld [tilespmem:s5+$0xFFFFFFA0]  }
0x21e: {  	v2 =	vld [tilespmem:s5+$0xFFFFFFB0]  }
0x21f: {  	v3 =	vld [tilespmem:s5+$0xFFFFFFC0]  }
0x220: {  	v4 =	vld [tilespmem:s5+$0xFFFFFFD0]  }
0x221: {  	v63 =	vld [tilespmem:s5+$0xFFFFFFE0]  }
0x222: {  	v5 =	vld [tilespmem:s5+$0xFFFFFFF0]  }
0x223: {  	s4 =	simm.s32 $0xF0;
	v6 =	vld [tilespmem:s5+$0xFFFFFF90]  }
0x224: {  	[tilespmem:s4+$0x0] =	vst.add.f32.msk $0xffff, v0  }
0x225: {  	[tilespmem:s4+$0xFFFFFFA0] =	vst.add.f32.msk $0xffff, v1  }
0x226: {  	[tilespmem:s4+$0xFFFFFFB0] =	vst.add.f32.msk $0xffff, v2  }
0x227: {  	[tilespmem:s4+$0xFFFFFFC0] =	vst.add.f32.msk $0xffff, v3  }
0x228: {  	[tilespmem:s4+$0xFFFFFFD0] =	vst.add.f32.msk $0xffff, v4  }
0x229: {  	[tilespmem:s4+$0xFFFFFF90] =	vst.add.f32.msk $0xffff, v6  }
0x22a: {  	[tilespmem:s4+$0xFFFFFFE0] =	vst.add.f32.msk $0xffff, v63  }
0x22b: {  	s6 =	simm.s32 $0xC0F0;
	s5 =	simm.s32 $0x0;
	[tilespmem:s4+$0xFFFFFFF0] =	vst.add.f32.msk $0xffff, v5  }
.LBB2_60:
0x22c: {  	v0 =	vld [tilespmem:s6+$0x0];
	s5 =	sadd.s32 $0x8, s5  }
0x22d: {  	v1 =	vld [tilespmem:s6+$0xFFFFFFA0];
	p0 =	slt.u32 s5, $0x3F8  }
0x22e: {  	v2 =	vld [tilespmem:s6+$0xFFFFFFB0]  }
0x22f: {  	v3 =	vld [tilespmem:s6+$0xFFFFFFC0]  }
0x230: {  	s4 =	sadd.s32 $0x100, s4;
	v4 =	vld [tilespmem:s6+$0xFFFFFFD0]  }
0x231: {  	[tilespmem:s4+$0x0] =	vst.add.f32.msk $0xffff, v0  }
0x232: {  	v0 =	vld [tilespmem:s6+$0xFFFFFFE0]  }
0x233: {  	v5 =	vld [tilespmem:s6+$0xFFFFFFF0]  }
0x234: {  	v6 =	vld [tilespmem:s6+$0xFFFFFF90]  }
0x235: {  	[tilespmem:s4+$0xFFFFFFA0] =	vst.add.f32.msk $0xffff, v1  }
0x236: {  	[tilespmem:s4+$0xFFFFFFB0] =	vst.add.f32.msk $0xffff, v2  }
.Ltmp29:
0x237: {  	[tilespmem:s4+$0xFFFFFFC0] =	vst.add.f32.msk $0xffff, v3;
	(pc) =	sbr.rel @p0 .LBB2_60-.Ltmp29, $4  }
0x238: {  	[tilespmem:s4+$0xFFFFFFD0] =	vst.add.f32.msk $0xffff, v4  }
0x239: {  	[tilespmem:s4+$0xFFFFFF90] =	vst.add.f32.msk $0xffff, v6  }
0x23a: {  	[tilespmem:s4+$0xFFFFFFE0] =	vst.add.f32.msk $0xffff, v0  }
0x23b: {  	s6 =	sadd.s32 $0x80, s6;
	[tilespmem:s4+$0xFFFFFFF0] =	vst.add.f32.msk $0xffff, v5  }
0x23c: {  	s4 =	simm.s32 $0x80  }
0x23d: {  	s5 =	simm.s32 $0x10;
	s7 =	sadd.s32 $0x0, s19;
	s6 =	simm.s32 $0x180  }
.LBB2_62:
0x23e: {  	[hbm4b:s7+s1] =	stream.linear.scatter [tilespmem:s4], [sflag:$0x5], $0x80, $0x38;
	[tilespmem:$0x18000] =	vst v63  }
0x23f: {  	s7 =	smov.u32 s5;
	s4 =	smov.u32 s6;
	p0 =	sne.s32 s5, $0x7F0  }
.Ltmp30:
0x240: {  	s5 =	sadd.s32 $0x10, s5;
	(pc) =	sbr.rel @p0 .LBB2_62-.Ltmp30, $2  }
0x241: {  	_ =	sdelay $0x2  }
0x242: {  	s6 =	sadd.s32 $0x100, s6;
	s7 =	sadd.s32 s7, s19  }
0x243: {  	[hbm4b:s7+s1] =	stream.linear.scatter [tilespmem:s4], [sflag:$0x5], $0x80, $0x38;
	[tilespmem:$0x18000] =	vst v63  }
0x244: {  	s13 =	simm.s32 $0x5  }
0x245: {  	_ =	swait.ge [sflag:s13], $0x4000  }
0x246: {  	s4 =	simm.s32 $0x80;
	s5 =	simm.s32 $0x10;
	[sflag:s13] =	ssyncset.done $0x0  }
0x247: {  	s7 =	sadd.s32 $0x0, s22;
	s6 =	simm.s32 $0x180;
	[sflag:s13] =	ssyncadd.s32 $0xFFFFC000  }
.LBB2_64:
0x248: {  	[tilespmem:s4], [sflag:$0x2] =	stream.linear.gather [hbm4b:s7+s1], $0x80, $0x38;
	[tilespmem:$0x18000] =	vst v63  }
0x249: {  	s7 =	smov.u32 s5;
	s4 =	smov.u32 s6;
	p0 =	sne.s32 s5, $0x7F0  }
.Ltmp31:
0x24a: {  	s5 =	sadd.s32 $0x10, s5;
	(pc) =	sbr.rel @p0 .LBB2_64-.Ltmp31, $2  }
0x24b: {  	_ =	sdelay $0x2  }
0x24c: {  	s6 =	sadd.s32 $0x100, s6;
	s7 =	sadd.s32 s7, s22  }
0x24d: {  	[tilespmem:s4], [sflag:$0x2] =	stream.linear.gather [hbm4b:s7+s1], $0x80, $0x38;
	[tilespmem:$0x18000] =	vst v63  }
0x24e: {  	s13 =	simm.s32 $0x1  }
0x24f: {  	_ =	swait.ge [sflag:s13], $0x4000  }
0x250: {  	[sflag:s13] =	ssyncset.done $0x0  }
0x251: {  	s5 =	simm.s32 $0x10070;
	[sflag:s13] =	ssyncadd.s32 $0xFFFFC000  }
0x252: {  	v0 =	vld [tilespmem:s5+$0x0]  }
0x253: {  	v1 =	vld [tilespmem:s5+$0xFFFFFFA0]  }
0x254: {  	v2 =	vld [tilespmem:s5+$0xFFFFFFB0]  }
0x255: {  	v3 =	vld [tilespmem:s5+$0xFFFFFFC0]  }
0x256: {  	v4 =	vld [tilespmem:s5+$0xFFFFFFD0]  }
0x257: {  	v63 =	vld [tilespmem:s5+$0xFFFFFFE0]  }
0x258: {  	v5 =	vld [tilespmem:s5+$0xFFFFFFF0]  }
0x259: {  	s4 =	simm.s32 $0x70;
	v6 =	vld [tilespmem:s5+$0xFFFFFF90]  }
0x25a: {  	[tilespmem:s4+$0x0] =	vst.add.f32.msk $0xffff, v0  }
0x25b: {  	[tilespmem:s4+$0xFFFFFFA0] =	vst.add.f32.msk $0xffff, v1  }
0x25c: {  	[tilespmem:s4+$0xFFFFFFB0] =	vst.add.f32.msk $0xffff, v2  }
0x25d: {  	[tilespmem:s4+$0xFFFFFFC0] =	vst.add.f32.msk $0xffff, v3  }
0x25e: {  	[tilespmem:s4+$0xFFFFFFD0] =	vst.add.f32.msk $0xffff, v4  }
0x25f: {  	[tilespmem:s4+$0xFFFFFF90] =	vst.add.f32.msk $0xffff, v6  }
0x260: {  	[tilespmem:s4+$0xFFFFFFE0] =	vst.add.f32.msk $0xffff, v63  }
0x261: {  	s6 =	simm.s32 $0x100F0;
	s5 =	simm.s32 $0x0;
	[tilespmem:s4+$0xFFFFFFF0] =	vst.add.f32.msk $0xffff, v5  }
.LBB2_66:
0x262: {  	v0 =	vld [tilespmem:s6+$0x0];
	s5 =	sadd.s32 $0x8, s5  }
0x263: {  	v1 =	vld [tilespmem:s6+$0xFFFFFFA0];
	p0 =	slt.u32 s5, $0x3F8  }
0x264: {  	v2 =	vld [tilespmem:s6+$0xFFFFFFB0]  }
0x265: {  	v3 =	vld [tilespmem:s6+$0xFFFFFFC0]  }
0x266: {  	s4 =	sadd.s32 $0x100, s4;
	v4 =	vld [tilespmem:s6+$0xFFFFFFD0]  }
0x267: {  	[tilespmem:s4+$0x0] =	vst.add.f32.msk $0xffff, v0  }
0x268: {  	v0 =	vld [tilespmem:s6+$0xFFFFFFE0]  }
0x269: {  	v5 =	vld [tilespmem:s6+$0xFFFFFFF0]  }
0x26a: {  	v6 =	vld [tilespmem:s6+$0xFFFFFF90]  }
0x26b: {  	[tilespmem:s4+$0xFFFFFFA0] =	vst.add.f32.msk $0xffff, v1  }
0x26c: {  	[tilespmem:s4+$0xFFFFFFB0] =	vst.add.f32.msk $0xffff, v2  }
.Ltmp32:
0x26d: {  	[tilespmem:s4+$0xFFFFFFC0] =	vst.add.f32.msk $0xffff, v3;
	(pc) =	sbr.rel @p0 .LBB2_66-.Ltmp32, $4  }
0x26e: {  	[tilespmem:s4+$0xFFFFFFD0] =	vst.add.f32.msk $0xffff, v4  }
0x26f: {  	[tilespmem:s4+$0xFFFFFF90] =	vst.add.f32.msk $0xffff, v6  }
0x270: {  	[tilespmem:s4+$0xFFFFFFE0] =	vst.add.f32.msk $0xffff, v0  }
0x271: {  	s6 =	sadd.s32 $0x80, s6;
	[tilespmem:s4+$0xFFFFFFF0] =	vst.add.f32.msk $0xffff, v5  }
0x272: {  	s4 =	simm.s32 $0x0  }
0x273: {  	s5 =	simm.s32 $0x10;
	s7 =	sadd.s32 $0x0, s21;
	s6 =	simm.s32 $0x100  }
.LBB2_68:
0x274: {  	[hbm4b:s7+s1] =	stream.linear.scatter [tilespmem:s4], [sflag:$0x4], $0x80, $0x38;
	[tilespmem:$0x18000] =	vst v63  }
0x275: {  	s7 =	smov.u32 s5;
	s4 =	smov.u32 s6;
	p0 =	sne.s32 s5, $0x7F0  }
.Ltmp33:
0x276: {  	s5 =	sadd.s32 $0x10, s5;
	(pc) =	sbr.rel @p0 .LBB2_68-.Ltmp33, $2  }
0x277: {  	_ =	sdelay $0x2  }
0x278: {  	s6 =	sadd.s32 $0x100, s6;
	s7 =	sadd.s32 s7, s21  }
0x279: {  	[hbm4b:s7+s1] =	stream.linear.scatter [tilespmem:s4], [sflag:$0x4], $0x80, $0x38;
	[tilespmem:$0x18000] =	vst v63  }
0x27a: {  	s13 =	simm.s32 $0x4  }
0x27b: {  	_ =	swait.ge [sflag:s13], $0x4000  }
0x27c: {  	s4 =	simm.s32 $0x0;
	s5 =	simm.s32 $0x10;
	[sflag:s13] =	ssyncset.done $0x0  }
0x27d: {  	s7 =	sadd.s32 $0x0, s24;
	s6 =	simm.s32 $0x100;
	[sflag:s13] =	ssyncadd.s32 $0xFFFFC000  }
.LBB2_70:
0x27e: {  	[tilespmem:s4], [sflag:$0x1] =	stream.linear.gather [hbm4b:s7+s1], $0x80, $0x38;
	[tilespmem:$0x18000] =	vst v63  }
0x27f: {  	s7 =	smov.u32 s5;
	s4 =	smov.u32 s6;
	p0 =	sne.s32 s5, $0x7F0  }
.Ltmp34:
0x280: {  	s5 =	sadd.s32 $0x10, s5;
	(pc) =	sbr.rel @p0 .LBB2_70-.Ltmp34, $2  }
0x281: {  	_ =	sdelay $0x2  }
0x282: {  	s6 =	sadd.s32 $0x100, s6;
	s7 =	sadd.s32 s7, s24  }
0x283: {  	[tilespmem:s4], [sflag:$0x1] =	stream.linear.gather [hbm4b:s7+s1], $0x80, $0x38;
	[tilespmem:$0x18000] =	vst v63  }
0x284: {  	s13 =	simm.s32 $0x2  }
0x285: {  	_ =	swait.ge [sflag:s13], $0x4000  }
0x286: {  	[sflag:s13] =	ssyncset.done $0x0  }
0x287: {  	s5 =	simm.s32 $0x14070;
	[sflag:s13] =	ssyncadd.s32 $0xFFFFC000  }
0x288: {  	v0 =	vld [tilespmem:s5+$0x0]  }
0x289: {  	v1 =	vld [tilespmem:s5+$0xFFFFFFA0]  }
0x28a: {  	v2 =	vld [tilespmem:s5+$0xFFFFFFB0]  }
0x28b: {  	v3 =	vld [tilespmem:s5+$0xFFFFFFC0]  }
0x28c: {  	v4 =	vld [tilespmem:s5+$0xFFFFFFD0]  }
0x28d: {  	v63 =	vld [tilespmem:s5+$0xFFFFFFE0]  }
0x28e: {  	v5 =	vld [tilespmem:s5+$0xFFFFFFF0]  }
0x28f: {  	s4 =	simm.s32 $0xF0;
	v6 =	vld [tilespmem:s5+$0xFFFFFF90]  }
0x290: {  	[tilespmem:s4+$0x0] =	vst.add.f32.msk $0xffff, v0  }
0x291: {  	[tilespmem:s4+$0xFFFFFFA0] =	vst.add.f32.msk $0xffff, v1  }
0x292: {  	[tilespmem:s4+$0xFFFFFFB0] =	vst.add.f32.msk $0xffff, v2  }
0x293: {  	[tilespmem:s4+$0xFFFFFFC0] =	vst.add.f32.msk $0xffff, v3  }
0x294: {  	[tilespmem:s4+$0xFFFFFFD0] =	vst.add.f32.msk $0xffff, v4  }
0x295: {  	[tilespmem:s4+$0xFFFFFF90] =	vst.add.f32.msk $0xffff, v6  }
0x296: {  	[tilespmem:s4+$0xFFFFFFE0] =	vst.add.f32.msk $0xffff, v63  }
0x297: {  	s6 =	simm.s32 $0x140F0;
	s5 =	simm.s32 $0x0;
	[tilespmem:s4+$0xFFFFFFF0] =	vst.add.f32.msk $0xffff, v5  }
.LBB2_72:
0x298: {  	v0 =	vld [tilespmem:s6+$0x0];
	s5 =	sadd.s32 $0x8, s5  }
0x299: {  	v1 =	vld [tilespmem:s6+$0xFFFFFFA0];
	p0 =	slt.u32 s5, $0x3F8  }
0x29a: {  	v2 =	vld [tilespmem:s6+$0xFFFFFFB0]  }
0x29b: {  	v3 =	vld [tilespmem:s6+$0xFFFFFFC0]  }
0x29c: {  	s4 =	sadd.s32 $0x100, s4;
	v4 =	vld [tilespmem:s6+$0xFFFFFFD0]  }
0x29d: {  	[tilespmem:s4+$0x0] =	vst.add.f32.msk $0xffff, v0  }
0x29e: {  	v0 =	vld [tilespmem:s6+$0xFFFFFFE0]  }
0x29f: {  	v5 =	vld [tilespmem:s6+$0xFFFFFFF0]  }
0x2a0: {  	v6 =	vld [tilespmem:s6+$0xFFFFFF90]  }
0x2a1: {  	[tilespmem:s4+$0xFFFFFFA0] =	vst.add.f32.msk $0xffff, v1  }
0x2a2: {  	[tilespmem:s4+$0xFFFFFFB0] =	vst.add.f32.msk $0xffff, v2  }
.Ltmp35:
0x2a3: {  	[tilespmem:s4+$0xFFFFFFC0] =	vst.add.f32.msk $0xffff, v3;
	(pc) =	sbr.rel @p0 .LBB2_72-.Ltmp35, $4  }
0x2a4: {  	[tilespmem:s4+$0xFFFFFFD0] =	vst.add.f32.msk $0xffff, v4  }
0x2a5: {  	[tilespmem:s4+$0xFFFFFF90] =	vst.add.f32.msk $0xffff, v6  }
0x2a6: {  	[tilespmem:s4+$0xFFFFFFE0] =	vst.add.f32.msk $0xffff, v0  }
0x2a7: {  	s6 =	sadd.s32 $0x80, s6;
	[tilespmem:s4+$0xFFFFFFF0] =	vst.add.f32.msk $0xffff, v5  }
0x2a8: {  	s4 =	simm.s32 $0x80  }
0x2a9: {  	s5 =	simm.s32 $0x10;
	s7 =	sadd.s32 $0x0, s23;
	s6 =	simm.s32 $0x180  }
.LBB2_74:
0x2aa: {  	[hbm4b:s7+s1] =	stream.linear.scatter [tilespmem:s4], [sflag:$0x5], $0x80, $0x38;
	[tilespmem:$0x18000] =	vst v63  }
0x2ab: {  	s7 =	smov.u32 s5;
	s4 =	smov.u32 s6;
	p0 =	sne.s32 s5, $0x7F0  }
.Ltmp36:
0x2ac: {  	s5 =	sadd.s32 $0x10, s5;
	(pc) =	sbr.rel @p0 .LBB2_74-.Ltmp36, $2  }
0x2ad: {  	_ =	sdelay $0x2  }
0x2ae: {  	s6 =	sadd.s32 $0x100, s6;
	s7 =	sadd.s32 s7, s23  }
0x2af: {  	[hbm4b:s7+s1] =	stream.linear.scatter [tilespmem:s4], [sflag:$0x5], $0x80, $0x38;
	[tilespmem:$0x18000] =	vst v63  }
0x2b0: {  	s13 =	simm.s32 $0x5  }
0x2b1: {  	_ =	swait.ge [sflag:s13], $0x4000  }
0x2b2: {  	s4 =	simm.s32 $0x80;
	s5 =	simm.s32 $0x10;
	[sflag:s13] =	ssyncset.done $0x0  }
0x2b3: {  	s7 =	sadd.s32 $0x0, s26;
	s6 =	simm.s32 $0x180;
	[sflag:s13] =	ssyncadd.s32 $0xFFFFC000  }
.LBB2_76:
0x2b4: {  	[tilespmem:s4], [sflag:$0x2] =	stream.linear.gather [hbm4b:s7+s1], $0x80, $0x38;
	[tilespmem:$0x18000] =	vst v63  }
0x2b5: {  	s7 =	smov.u32 s5;
	s4 =	smov.u32 s6;
	p0 =	sne.s32 s5, $0x7F0  }
.Ltmp37:
0x2b6: {  	s5 =	sadd.s32 $0x10, s5;
	(pc) =	sbr.rel @p0 .LBB2_76-.Ltmp37, $2  }
0x2b7: {  	_ =	sdelay $0x2  }
0x2b8: {  	s6 =	sadd.s32 $0x100, s6;
	s7 =	sadd.s32 s7, s26  }
0x2b9: {  	[tilespmem:s4], [sflag:$0x2] =	stream.linear.gather [hbm4b:s7+s1], $0x80, $0x38;
	[tilespmem:$0x18000] =	vst v63  }
0x2ba: {  	s13 =	simm.s32 $0x1  }
0x2bb: {  	_ =	swait.ge [sflag:s13], $0x4000  }
0x2bc: {  	[sflag:s13] =	ssyncset.done $0x0  }
0x2bd: {  	s5 =	simm.s32 $0x8040;
	[sflag:s13] =	ssyncadd.s32 $0xFFFFC000  }
0x2be: {  	v0 =	vld [tilespmem:s5+$0x30]  }
0x2bf: {  	v1 =	vld [tilespmem:s5+$0xFFFFFFD0]  }
0x2c0: {  	v2 =	vld [tilespmem:s5+$0xFFFFFFE0]  }
0x2c1: {  	v3 =	vld [tilespmem:s5+$0xFFFFFFF0]  }
0x2c2: {  	v4 =	vld [tilespmem:s5+$0x0]  }
0x2c3: {  	v63 =	vld [tilespmem:s5+$0x10]  }
0x2c4: {  	v5 =	vld [tilespmem:s5+$0x20]  }
0x2c5: {  	s4 =	simm.s32 $0x70;
	v6 =	vld [tilespmem:s5+$0xFFFFFFC0]  }
0x2c6: {  	[tilespmem:s4+$0x0] =	vst.add.f32.msk $0xffff, v0  }
0x2c7: {  	[tilespmem:s4+$0xFFFFFFA0] =	vst.add.f32.msk $0xffff, v1  }
0x2c8: {  	[tilespmem:s4+$0xFFFFFFB0] =	vst.add.f32.msk $0xffff, v2  }
0x2c9: {  	[tilespmem:s4+$0xFFFFFFC0] =	vst.add.f32.msk $0xffff, v3  }
0x2ca: {  	[tilespmem:s4+$0xFFFFFFD0] =	vst.add.f32.msk $0xffff, v4  }
0x2cb: {  	[tilespmem:s4+$0xFFFFFF90] =	vst.add.f32.msk $0xffff, v6  }
0x2cc: {  	[tilespmem:s4+$0xFFFFFFE0] =	vst.add.f32.msk $0xffff, v63  }
0x2cd: {  	s6 =	simm.s32 $0x80C0;
	s5 =	simm.s32 $0x0;
	[tilespmem:s4+$0xFFFFFFF0] =	vst.add.f32.msk $0xffff, v5  }
.LBB2_78:
0x2ce: {  	v0 =	vld [tilespmem:s6+$0x30];
	s5 =	sadd.s32 $0x8, s5  }
0x2cf: {  	v1 =	vld [tilespmem:s6+$0xFFFFFFD0];
	p0 =	slt.u32 s5, $0x3F8  }
0x2d0: {  	v2 =	vld [tilespmem:s6+$0xFFFFFFE0]  }
0x2d1: {  	v3 =	vld [tilespmem:s6+$0xFFFFFFF0]  }
0x2d2: {  	s4 =	sadd.s32 $0x100, s4;
	v4 =	vld [tilespmem:s6+$0x0]  }
0x2d3: {  	[tilespmem:s4+$0x0] =	vst.add.f32.msk $0xffff, v0  }
0x2d4: {  	v0 =	vld [tilespmem:s6+$0x10]  }
0x2d5: {  	v5 =	vld [tilespmem:s6+$0x20]  }
0x2d6: {  	v6 =	vld [tilespmem:s6+$0xFFFFFFC0]  }
0x2d7: {  	[tilespmem:s4+$0xFFFFFFA0] =	vst.add.f32.msk $0xffff, v1  }
0x2d8: {  	[tilespmem:s4+$0xFFFFFFB0] =	vst.add.f32.msk $0xffff, v2  }
.Ltmp38:
0x2d9: {  	[tilespmem:s4+$0xFFFFFFC0] =	vst.add.f32.msk $0xffff, v3;
	(pc) =	sbr.rel @p0 .LBB2_78-.Ltmp38, $4  }
0x2da: {  	[tilespmem:s4+$0xFFFFFFD0] =	vst.add.f32.msk $0xffff, v4  }
0x2db: {  	[tilespmem:s4+$0xFFFFFF90] =	vst.add.f32.msk $0xffff, v6  }
0x2dc: {  	[tilespmem:s4+$0xFFFFFFE0] =	vst.add.f32.msk $0xffff, v0  }
0x2dd: {  	s6 =	sadd.s32 $0x80, s6;
	[tilespmem:s4+$0xFFFFFFF0] =	vst.add.f32.msk $0xffff, v5  }
0x2de: {  	s4 =	simm.s32 $0x0  }
0x2df: {  	s5 =	simm.s32 $0x10;
	s7 =	sadd.s32 $0x0, s25;
	s6 =	simm.s32 $0x100  }
.LBB2_80:
0x2e0: {  	[hbm4b:s7+s1] =	stream.linear.scatter [tilespmem:s4], [sflag:$0x4], $0x80, $0x38;
	[tilespmem:$0x18000] =	vst v63  }
0x2e1: {  	s7 =	smov.u32 s5;
	s4 =	smov.u32 s6;
	p0 =	sne.s32 s5, $0x7F0  }
.Ltmp39:
0x2e2: {  	s5 =	sadd.s32 $0x10, s5;
	(pc) =	sbr.rel @p0 .LBB2_80-.Ltmp39, $2  }
0x2e3: {  	_ =	sdelay $0x2  }
0x2e4: {  	s6 =	sadd.s32 $0x100, s6;
	s7 =	sadd.s32 s7, s25  }
0x2e5: {  	[hbm4b:s7+s1] =	stream.linear.scatter [tilespmem:s4], [sflag:$0x4], $0x80, $0x38;
	[tilespmem:$0x18000] =	vst v63  }
0x2e6: {  	s13 =	simm.s32 $0x4  }
0x2e7: {  	_ =	swait.ge [sflag:s13], $0x4000  }
0x2e8: {  	s4 =	simm.s32 $0x0;
	s5 =	simm.s32 $0x10;
	[sflag:s13] =	ssyncset.done $0x0  }
0x2e9: {  	s7 =	sadd.s32 $0x0, s29;
	s6 =	simm.s32 $0x100;
	[sflag:s13] =	ssyncadd.s32 $0xFFFFC000  }
.LBB2_82:
0x2ea: {  	[tilespmem:s4], [sflag:$0x1] =	stream.linear.gather [hbm4b:s7+s1], $0x80, $0x38;
	[tilespmem:$0x18000] =	vst v63  }
0x2eb: {  	s7 =	smov.u32 s5;
	s4 =	smov.u32 s6;
	p0 =	sne.s32 s5, $0x7F0  }
.Ltmp40:
0x2ec: {  	s5 =	sadd.s32 $0x10, s5;
	(pc) =	sbr.rel @p0 .LBB2_82-.Ltmp40, $2  }
0x2ed: {  	_ =	sdelay $0x2  }
0x2ee: {  	s6 =	sadd.s32 $0x100, s6;
	s7 =	sadd.s32 s7, s29  }
0x2ef: {  	[tilespmem:s4], [sflag:$0x1] =	stream.linear.gather [hbm4b:s7+s1], $0x80, $0x38;
	[tilespmem:$0x18000] =	vst v63  }
0x2f0: {  	s13 =	simm.s32 $0x2  }
0x2f1: {  	_ =	swait.ge [sflag:s13], $0x4000  }
0x2f2: {  	[sflag:s13] =	ssyncset.done $0x0  }
0x2f3: {  	s5 =	simm.s32 $0xC070;
	[sflag:s13] =	ssyncadd.s32 $0xFFFFC000  }
0x2f4: {  	v0 =	vld [tilespmem:s5+$0x0]  }
0x2f5: {  	v1 =	vld [tilespmem:s5+$0xFFFFFFA0]  }
0x2f6: {  	v2 =	vld [tilespmem:s5+$0xFFFFFFB0]  }
0x2f7: {  	v3 =	vld [tilespmem:s5+$0xFFFFFFC0]  }
0x2f8: {  	v4 =	vld [tilespmem:s5+$0xFFFFFFD0]  }
0x2f9: {  	v63 =	vld [tilespmem:s5+$0xFFFFFFE0]  }
0x2fa: {  	v5 =	vld [tilespmem:s5+$0xFFFFFFF0]  }
0x2fb: {  	s4 =	simm.s32 $0xF0;
	v6 =	vld [tilespmem:s5+$0xFFFFFF90]  }
0x2fc: {  	[tilespmem:s4+$0x0] =	vst.add.f32.msk $0xffff, v0  }
0x2fd: {  	[tilespmem:s4+$0xFFFFFFA0] =	vst.add.f32.msk $0xffff, v1  }
0x2fe: {  	[tilespmem:s4+$0xFFFFFFB0] =	vst.add.f32.msk $0xffff, v2  }
0x2ff: {  	[tilespmem:s4+$0xFFFFFFC0] =	vst.add.f32.msk $0xffff, v3  }
0x300: {  	[tilespmem:s4+$0xFFFFFFD0] =	vst.add.f32.msk $0xffff, v4  }
0x301: {  	[tilespmem:s4+$0xFFFFFF90] =	vst.add.f32.msk $0xffff, v6  }
0x302: {  	[tilespmem:s4+$0xFFFFFFE0] =	vst.add.f32.msk $0xffff, v63  }
0x303: {  	s6 =	simm.s32 $0xC0F0;
	s5 =	simm.s32 $0x0;
	[tilespmem:s4+$0xFFFFFFF0] =	vst.add.f32.msk $0xffff, v5  }
.LBB2_84:
0x304: {  	v0 =	vld [tilespmem:s6+$0x0];
	s5 =	sadd.s32 $0x8, s5  }
0x305: {  	v1 =	vld [tilespmem:s6+$0xFFFFFFA0];
	p0 =	slt.u32 s5, $0x3F8  }
0x306: {  	v2 =	vld [tilespmem:s6+$0xFFFFFFB0]  }
0x307: {  	v3 =	vld [tilespmem:s6+$0xFFFFFFC0]  }
0x308: {  	s4 =	sadd.s32 $0x100, s4;
	v4 =	vld [tilespmem:s6+$0xFFFFFFD0]  }
0x309: {  	[tilespmem:s4+$0x0] =	vst.add.f32.msk $0xffff, v0  }
0x30a: {  	v0 =	vld [tilespmem:s6+$0xFFFFFFE0]  }
0x30b: {  	v5 =	vld [tilespmem:s6+$0xFFFFFFF0]  }
0x30c: {  	v6 =	vld [tilespmem:s6+$0xFFFFFF90]  }
0x30d: {  	[tilespmem:s4+$0xFFFFFFA0] =	vst.add.f32.msk $0xffff, v1  }
0x30e: {  	[tilespmem:s4+$0xFFFFFFB0] =	vst.add.f32.msk $0xffff, v2  }
.Ltmp41:
0x30f: {  	[tilespmem:s4+$0xFFFFFFC0] =	vst.add.f32.msk $0xffff, v3;
	(pc) =	sbr.rel @p0 .LBB2_84-.Ltmp41, $4  }
0x310: {  	[tilespmem:s4+$0xFFFFFFD0] =	vst.add.f32.msk $0xffff, v4  }
0x311: {  	[tilespmem:s4+$0xFFFFFF90] =	vst.add.f32.msk $0xffff, v6  }
0x312: {  	[tilespmem:s4+$0xFFFFFFE0] =	vst.add.f32.msk $0xffff, v0  }
0x313: {  	s6 =	sadd.s32 $0x80, s6;
	[tilespmem:s4+$0xFFFFFFF0] =	vst.add.f32.msk $0xffff, v5  }
0x314: {  	s4 =	simm.s32 $0x80  }
0x315: {  	s5 =	simm.s32 $0x10;
	s7 =	sadd.s32 $0x0, s28;
	s6 =	simm.s32 $0x180  }
.LBB2_86:
0x316: {  	[hbm4b:s7+s1] =	stream.linear.scatter [tilespmem:s4], [sflag:$0x5], $0x80, $0x38;
	[tilespmem:$0x18000] =	vst v63  }
0x317: {  	s7 =	smov.u32 s5;
	s4 =	smov.u32 s6;
	p0 =	sne.s32 s5, $0x7F0  }
.Ltmp42:
0x318: {  	s5 =	sadd.s32 $0x10, s5;
	(pc) =	sbr.rel @p0 .LBB2_86-.Ltmp42, $2  }
0x319: {  	_ =	sdelay $0x2  }
0x31a: {  	s6 =	sadd.s32 $0x100, s6;
	s7 =	sadd.s32 s7, s28  }
0x31b: {  	[hbm4b:s7+s1] =	stream.linear.scatter [tilespmem:s4], [sflag:$0x5], $0x80, $0x38;
	[tilespmem:$0x18000] =	vst v63  }
0x31c: {  	s13 =	simm.s32 $0x5  }
0x31d: {  	_ =	swait.ge [sflag:s13], $0x4000  }
0x31e: {  	s4 =	simm.s32 $0x80;
	s5 =	simm.s32 $0x10;
	[sflag:s13] =	ssyncset.done $0x0  }
0x31f: {  	s7 =	sadd.s32 $0x0, s0;
	s6 =	simm.s32 $0x180;
	[sflag:s13] =	ssyncadd.s32 $0xFFFFC000  }
.LBB2_88:
0x320: {  	[tilespmem:s4], [sflag:$0x2] =	stream.linear.gather [hbm4b:s7+s1], $0x80, $0x38;
	[tilespmem:$0x18000] =	vst v63  }
0x321: {  	s7 =	smov.u32 s5;
	s4 =	smov.u32 s6;
	p0 =	sne.s32 s5, $0x7F0  }
.Ltmp43:
0x322: {  	s5 =	sadd.s32 $0x10, s5;
	(pc) =	sbr.rel @p0 .LBB2_88-.Ltmp43, $2  }
0x323: {  	_ =	sdelay $0x2  }
0x324: {  	s6 =	sadd.s32 $0x100, s6;
	s7 =	sadd.s32 s7, s0  }
0x325: {  	[tilespmem:s4], [sflag:$0x2] =	stream.linear.gather [hbm4b:s7+s1], $0x80, $0x38;
	[tilespmem:$0x18000] =	vst v63  }
0x326: {  	s13 =	simm.s32 $0x1  }
0x327: {  	_ =	swait.ge [sflag:s13], $0x4000  }
0x328: {  	[sflag:s13] =	ssyncset.done $0x0  }
0x329: {  	s5 =	simm.s32 $0x10070;
	[sflag:s13] =	ssyncadd.s32 $0xFFFFC000  }
0x32a: {  	v0 =	vld [tilespmem:s5+$0x0]  }
0x32b: {  	v1 =	vld [tilespmem:s5+$0xFFFFFFA0]  }
0x32c: {  	v2 =	vld [tilespmem:s5+$0xFFFFFFB0]  }
0x32d: {  	v3 =	vld [tilespmem:s5+$0xFFFFFFC0]  }
0x32e: {  	v4 =	vld [tilespmem:s5+$0xFFFFFFD0]  }
0x32f: {  	v63 =	vld [tilespmem:s5+$0xFFFFFFE0]  }
0x330: {  	v5 =	vld [tilespmem:s5+$0xFFFFFFF0]  }
0x331: {  	s4 =	simm.s32 $0x70;
	v6 =	vld [tilespmem:s5+$0xFFFFFF90]  }
0x332: {  	[tilespmem:s4+$0x0] =	vst.add.f32.msk $0xffff, v0  }
0x333: {  	[tilespmem:s4+$0xFFFFFFA0] =	vst.add.f32.msk $0xffff, v1  }
0x334: {  	[tilespmem:s4+$0xFFFFFFB0] =	vst.add.f32.msk $0xffff, v2  }
0x335: {  	[tilespmem:s4+$0xFFFFFFC0] =	vst.add.f32.msk $0xffff, v3  }
0x336: {  	[tilespmem:s4+$0xFFFFFFD0] =	vst.add.f32.msk $0xffff, v4  }
0x337: {  	[tilespmem:s4+$0xFFFFFF90] =	vst.add.f32.msk $0xffff, v6  }
0x338: {  	[tilespmem:s4+$0xFFFFFFE0] =	vst.add.f32.msk $0xffff, v63  }
0x339: {  	s6 =	simm.s32 $0x100F0;
	s5 =	simm.s32 $0x0;
	[tilespmem:s4+$0xFFFFFFF0] =	vst.add.f32.msk $0xffff, v5  }
.LBB2_90:
0x33a: {  	v0 =	vld [tilespmem:s6+$0x0];
	s5 =	sadd.s32 $0x8, s5  }
0x33b: {  	v1 =	vld [tilespmem:s6+$0xFFFFFFA0];
	p0 =	slt.u32 s5, $0x3F8  }
0x33c: {  	v2 =	vld [tilespmem:s6+$0xFFFFFFB0]  }
0x33d: {  	v3 =	vld [tilespmem:s6+$0xFFFFFFC0]  }
0x33e: {  	s4 =	sadd.s32 $0x100, s4;
	v4 =	vld [tilespmem:s6+$0xFFFFFFD0]  }
0x33f: {  	[tilespmem:s4+$0x0] =	vst.add.f32.msk $0xffff, v0  }
0x340: {  	v0 =	vld [tilespmem:s6+$0xFFFFFFE0]  }
0x341: {  	v5 =	vld [tilespmem:s6+$0xFFFFFFF0]  }
0x342: {  	v6 =	vld [tilespmem:s6+$0xFFFFFF90]  }
0x343: {  	[tilespmem:s4+$0xFFFFFFA0] =	vst.add.f32.msk $0xffff, v1  }
0x344: {  	[tilespmem:s4+$0xFFFFFFB0] =	vst.add.f32.msk $0xffff, v2  }
.Ltmp44:
0x345: {  	[tilespmem:s4+$0xFFFFFFC0] =	vst.add.f32.msk $0xffff, v3;
	(pc) =	sbr.rel @p0 .LBB2_90-.Ltmp44, $4  }
0x346: {  	[tilespmem:s4+$0xFFFFFFD0] =	vst.add.f32.msk $0xffff, v4  }
0x347: {  	[tilespmem:s4+$0xFFFFFF90] =	vst.add.f32.msk $0xffff, v6  }
0x348: {  	[tilespmem:s4+$0xFFFFFFE0] =	vst.add.f32.msk $0xffff, v0  }
0x349: {  	s6 =	sadd.s32 $0x80, s6;
	[tilespmem:s4+$0xFFFFFFF0] =	vst.add.f32.msk $0xffff, v5  }
0x34a: {  	s4 =	simm.s32 $0x0  }
0x34b: {  	s5 =	simm.s32 $0x10;
	s7 =	sadd.s32 $0x0, s2;
	s6 =	simm.s32 $0x100  }
.LBB2_92:
0x34c: {  	[hbm4b:s7+s1] =	stream.linear.scatter [tilespmem:s4], [sflag:$0x4], $0x80, $0x38;
	[tilespmem:$0x18000] =	vst v63  }
0x34d: {  	s7 =	smov.u32 s5;
	s4 =	smov.u32 s6;
	p0 =	sne.s32 s5, $0x7F0  }
.Ltmp45:
0x34e: {  	s5 =	sadd.s32 $0x10, s5;
	(pc) =	sbr.rel @p0 .LBB2_92-.Ltmp45, $2  }
0x34f: {  	_ =	sdelay $0x2  }
0x350: {  	s6 =	sadd.s32 $0x100, s6;
	s7 =	sadd.s32 s7, s2  }
0x351: {  	[hbm4b:s7+s1] =	stream.linear.scatter [tilespmem:s4], [sflag:$0x4], $0x80, $0x38;
	[tilespmem:$0x18000] =	vst v63  }
0x352: {  	s13 =	simm.s32 $0x2  }
0x353: {  	_ =	swait.ge [sflag:s13], $0x4000  }
0x354: {  	[sflag:s13] =	ssyncset.done $0x0  }
0x355: {  	s5 =	simm.s32 $0x14070;
	[sflag:s13] =	ssyncadd.s32 $0xFFFFC000  }
0x356: {  	v0 =	vld [tilespmem:s5+$0x0]  }
0x357: {  	v1 =	vld [tilespmem:s5+$0xFFFFFFA0]  }
0x358: {  	v2 =	vld [tilespmem:s5+$0xFFFFFFB0]  }
0x359: {  	v3 =	vld [tilespmem:s5+$0xFFFFFFC0]  }
0x35a: {  	v4 =	vld [tilespmem:s5+$0xFFFFFFD0]  }
0x35b: {  	v63 =	vld [tilespmem:s5+$0xFFFFFFE0]  }
0x35c: {  	v5 =	vld [tilespmem:s5+$0xFFFFFFF0]  }
0x35d: {  	s4 =	simm.s32 $0xF0;
	v6 =	vld [tilespmem:s5+$0xFFFFFF90]  }
0x35e: {  	[tilespmem:s4+$0x0] =	vst.add.f32.msk $0xffff, v0  }
0x35f: {  	[tilespmem:s4+$0xFFFFFFA0] =	vst.add.f32.msk $0xffff, v1  }
0x360: {  	[tilespmem:s4+$0xFFFFFFB0] =	vst.add.f32.msk $0xffff, v2  }
0x361: {  	[tilespmem:s4+$0xFFFFFFC0] =	vst.add.f32.msk $0xffff, v3  }
0x362: {  	[tilespmem:s4+$0xFFFFFFD0] =	vst.add.f32.msk $0xffff, v4  }
0x363: {  	[tilespmem:s4+$0xFFFFFF90] =	vst.add.f32.msk $0xffff, v6  }
0x364: {  	[tilespmem:s4+$0xFFFFFFE0] =	vst.add.f32.msk $0xffff, v63  }
0x365: {  	s6 =	simm.s32 $0x140F0;
	s5 =	simm.s32 $0x0;
	[tilespmem:s4+$0xFFFFFFF0] =	vst.add.f32.msk $0xffff, v5  }
.LBB2_94:
0x366: {  	v0 =	vld [tilespmem:s6+$0x0];
	s5 =	sadd.s32 $0x8, s5  }
0x367: {  	v1 =	vld [tilespmem:s6+$0xFFFFFFA0];
	p0 =	slt.u32 s5, $0x3F8  }
0x368: {  	v2 =	vld [tilespmem:s6+$0xFFFFFFB0]  }
0x369: {  	v3 =	vld [tilespmem:s6+$0xFFFFFFC0]  }
0x36a: {  	s4 =	sadd.s32 $0x100, s4;
	v4 =	vld [tilespmem:s6+$0xFFFFFFD0]  }
0x36b: {  	[tilespmem:s4+$0x0] =	vst.add.f32.msk $0xffff, v0  }
0x36c: {  	v0 =	vld [tilespmem:s6+$0xFFFFFFE0]  }
0x36d: {  	v5 =	vld [tilespmem:s6+$0xFFFFFFF0]  }
0x36e: {  	v6 =	vld [tilespmem:s6+$0xFFFFFF90]  }
0x36f: {  	[tilespmem:s4+$0xFFFFFFA0] =	vst.add.f32.msk $0xffff, v1  }
0x370: {  	[tilespmem:s4+$0xFFFFFFB0] =	vst.add.f32.msk $0xffff, v2  }
.Ltmp46:
0x371: {  	[tilespmem:s4+$0xFFFFFFC0] =	vst.add.f32.msk $0xffff, v3;
	(pc) =	sbr.rel @p0 .LBB2_94-.Ltmp46, $4  }
0x372: {  	[tilespmem:s4+$0xFFFFFFD0] =	vst.add.f32.msk $0xffff, v4  }
0x373: {  	[tilespmem:s4+$0xFFFFFF90] =	vst.add.f32.msk $0xffff, v6  }
0x374: {  	[tilespmem:s4+$0xFFFFFFE0] =	vst.add.f32.msk $0xffff, v0  }
0x375: {  	s6 =	sadd.s32 $0x80, s6;
	[tilespmem:s4+$0xFFFFFFF0] =	vst.add.f32.msk $0xffff, v5  }
0x376: {  	s4 =	simm.s32 $0x80  }
0x377: {  	s5 =	simm.s32 $0x10;
	s7 =	sadd.s32 $0x0, s3;
	s6 =	simm.s32 $0x180  }
.LBB2_96:
0x378: {  	[hbm4b:s7+s1] =	stream.linear.scatter [tilespmem:s4], [sflag:$0x5], $0x80, $0x38;
	[tilespmem:$0x18000] =	vst v63  }
0x379: {  	s7 =	smov.u32 s5;
	s4 =	smov.u32 s6;
	p0 =	sne.s32 s5, $0x7F0  }
.Ltmp47:
0x37a: {  	s5 =	sadd.s32 $0x10, s5;
	(pc) =	sbr.rel @p0 .LBB2_96-.Ltmp47, $2  }
0x37b: {  	_ =	sdelay $0x2  }
0x37c: {  	s6 =	sadd.s32 $0x100, s6;
	s7 =	sadd.s32 s7, s3  }
0x37d: {  	[hbm4b:s7+s1] =	stream.linear.scatter [tilespmem:s4], [sflag:$0x5], $0x80, $0x38;
	[tilespmem:$0x18000] =	vst v63  }
0x37e: {  	s12 =	simm.s32 $0x4  }
0x37f: {  	_ =	swait.ge [sflag:s12], $0x4000  }
0x380: {  	[sflag:s12] =	ssyncset.done $0x0  }
0x381: {  	s5 =	simm.s32 $0x5;
	[sflag:s12] =	ssyncadd.s32 $0xFFFFC000  }
0x382: {  	_ =	swait.ge [sflag:s5], $0x4000  }
0x383: {  	s6 =	rddreg [dreg:$0x11]  }
0x384: {  	s13 =	rddreg [dreg:$0x10];
	s6 =	sadd.s32 $0x1, s6  }
0x385: {  	p0 =	sne.s32 s6, s13  }
.Ltmp48:
0x386: {  	_ = 	snop;
	(pc) =	sbr.rel @p0 .LBB2_1-.Ltmp48, $3  }
0x387: {  	_ =	sdelay $0x1  }
0x388: {  	[sflag:s5] =	ssyncset.done $0x0  }
0x389: {  	[sflag:s5] =	ssyncadd.s32 $0xFFFFC000  }
0x38a: {  	_ =	sfence.sel $0x180000  }
0x38b: {  	[bflag:$0x0] =	sbarrier.arrive $0xFFFF  }
0x38c: {  	_ =	strace $0x9000004A  }
0x38d: {  	s0 =	stileid.u32;
	[bflag:$0x2] =	sbarrier.arrive $0xFFFF  }
0x38e: {  	p0 =	sne.s32 s0, $0x0;
	s0 =	rddreg [dreg:$0x2]  }
0x38f: {  	s0 =	sadd.s32 @!p0 $0x100000, s0  }
0x390: {  	[sflag:s0] =	ssyncadd.tile.s32 @!p0 $0x1;
	_ =	shalt  }
.Lfunc_end2:
_tile_overlayer_lowered:
.L_overlay_start_2:
0x391: {  	(tag) =	ssettag $0x2  }
0x392: {  	s0 =	rddreg [dreg:$0x0];
	s2 =	stileid.u32  }
0x393: {  	s1 =	rddreg [dreg:$0x1];
	p0 =	sne.s32 s2, $0x0  }
0x394: {  	s3 =	rddreg [dreg:$0x2];
	[bflag:$0x3] =	sbarrier.arrive $0xFFFF;
	s2 =	simm.s32 @!p0 $0x1C06  }
0x395: {  	[timem:s3], [sflag:s2] =	dma.local @!p0 [hbm:s0], s1  }
0x396: {  	s0 =	simm.s32 @!p0 $0x6  }
0x397: {  	_ =	swait.ge @!p0 [sflag:s0], s1  }
0x398: {  	s1 =	ssub.s32 @!p0 $0x0, s1;
	[sflag:s0] =	ssyncset.done @!p0 $0x0  }
0x399: {  	[sflag:s0] =	ssyncadd.s32 @!p0 s1  }
0x39a: {  	[bflag:$0x3] =	sbarrier.arrive $0xFFFF  }
0x39b: {  	_ =	shalt  }

// kernel: sparse-core-data-format-call.cloned.1.call-start
scs
called_computation_lowered:
.L_overlay_start_0:
0x0: {  	s2 =	sld [smem:$0x3FD9]  }
0x1: {  	s3 =	sld [smem:$0x3FFE];
	_ =	sdelay $0x1  }
0x2: {  	s1 =	srdreg.scid  }
0x3: {  	s0 =	sand.u32 $0x1, s1  }
0x4: {  	s19 =	sshll.u32 s0, $0xA;
	s2 =	sadd.s32 s3, s2  }
0x5: {  	s2 =	sadd.s32 s2, s19  }
0x6: {  	[smem:$0x3FC6] =	sst s2  }
0x7: {  	_ = 	snop  }
0x8: {  	s2 =	sld [smem:$0x3FC9]  }
0x9: {  	s20 =	sld [smem:$0x3FD0];
	(tm) =	ssettm $0x1  }
0xa: {  	s4 =	sld [smem:$0x3FFB];
	_ =	sdelay $0x3  }
0xb: {  	_ =	strace s4  }
0xc: {  	s4 =	sld [smem:$0x3FFC];
	_ =	sdelay $0x3  }
0xd: {  	_ =	strace s4  }
0xe: {  	s4 =	sld [smem:$0x3FFD];
	_ =	sdelay $0x3  }
0xf: {  	_ =	strace s4  }
0x10: {  	_ =	strace $0x8FFFFFFF  }
0x11: {  	s21 =	sld [smem:$0x3FDB];
	_ =	sdelay $0x1  }
0x12: {  	s5 =	simm.s32 $_scs_section_size  }
0x13: {  	s6 =	simm.s32 $_size__tile_overlayer_lowered;
	s7 =	simm.s32 $_tile_overlayer_lowered  }
0x14: {  	s24 =	simm.s32 $0x1BFF;
	s23 =	sshll.u32 s7, $0x1;
	s4 =	sadd.s32 s5, s21  }
0x15: {  	s8 =	simm.s32 $0x0;
	s22 =	sshll.u32 s6, $0x1;
	s6 =	sadd.s32 s23, s4  }
0x16: {  	[timem:s8], [sflag:s24] =	dma.local [hbm:s6], s22  }
0x17: {  	_ =	swait.ge [sflag:s24], s22  }
0x18: {  	s5 =	ssub.s32 $0x0, s22;
	[sflag:s24] =	ssyncset.done $0x0  }
0x19: {  	[sflag:s24] =	ssyncadd.s32 s5;
	_ =	sdelay $0x1  }
0x1a: {  	s25 =	simm.s32 $0x1B8B  }
0x1b: {  	_ =	swait.ge [sflag:s25], $0x1  }
0x1c: {  	[sflag:s25] =	ssyncset.done $0x0  }
0x1d: {  	s26 =	simm.s32 $0x1B8E;
	[sflag:s25] =	ssyncadd.s32 $0xFFFFFFFF  }
0x1e: {  	s27 =	simm.s32 $execute0_lowered;
	[smem:$0x3FD2] =	sst s26  }
0x1f: {  	s5 =	sshll.u32 s27, $0x1;
	_ =	strace $0x80000046;
	[dreg:$0x1] =	wrdreg $0xFFFFFFFF  }
0x20: {  	s28 =	simm.s32 $_size_execute0_lowered;
	s4 =	sadd.s32 s4, s5;
	[dreg:$0x0] =	wrdreg $0x0  }
0x21: {  	s5 =	sshll.u32 s28, $0x1;
	[dreg:$0x2] =	wrdreg s4  }
0x22: {  	[dreg:$0x3] =	wrdreg s5  }
0x23: {  	[dreg:$0x4] =	wrdreg $0xC0  }
0x24: {  	_ =	task [dreg:s8], $0x5FFFF  }
0x25: {  	[dreg:$0x1] =	wrdreg $0xFFFFFFFF  }
0x26: {  	[dreg:$0x0] =	wrdreg $0x60  }
0x27: {  	[dreg:$0x2] =	wrdreg s2  }
0x28: {  	[dreg:$0x3] =	wrdreg s20  }
0x29: {  	[dreg:$0x4] =	wrdreg $0x9  }
0x2a: {  	_ =	task.clear_ibuf [dreg:s8], $0x5FFFF;
	_ =	strace $0x90000046  }
0x2b: {  	s29 =	simm.s32 $0x9;
	_ =	strace $0x80000048  }
0x2c: {  	_ =	swait.ge [sflag:s29], $0x1  }
0x2d: {  	[sflag:s29] =	ssyncadd.s32 $0xFFFFFFFF  }
0x2e: {  	_ =	strace $0x90000048  }
0x2f: {  	_ =	sfence  }
0x30: {  	s30 =	sld [smem:$0x0];
	_ =	sdelay $0x2  }
0x31: {  	s31 =	sshll.u32 s1, $0xD;
	s1 =	sshrl.u32 s1, $0x2  }
0x32: {  	s3 =	sand.u32 $0x4000, s31;
	s1 =	sadd.s32 s1, s30  }
0x33: {  	s0 =	sor.u32 s3, s0;
	s1 =	sshll.u32 s1, $0x11  }
0x34: {  	s0 =	sor.u32 s1, s0  }
0x35: {  	s0 =	sadd.s32 $0x8F2B, s0  }
0x36: {  	[sflag:s0] =	ssyncadd.remote.s32 $0x1  }
0x37: {  	_ =	sfence.sel $0xFFFF  }
0x38: {  	[dreg:$0x0] =	wrdreg $0xFFFFFFFF;
	(pc) =	sbr.abs _section_cstart, $3  }
0x39: {  	[dreg:$0x1] =	wrdreg $0xFFFFFFFF  }
0x3a: {  	_ =	task.clear_ibuf [dreg:s8], $0x2FFFF;
	_ =	strace $0x9FFFFFFF  }
0x3b: {  	(tm) =	ssettm $0x7FFFFFFF  }
tec
execute0_lowered:
.L_overlay_start_1:
0x0: {  	(tag) =	ssettag $0x1  }
0x1: {  	s0 =	srdreg.scid  }
0x2: {  	s1 =	sshll.u32 s0, $0x4  }
0x3: {  	s2 =	rddreg [dreg:$0x0];
	s0 =	stileid.u32;
	s1 =	sand.u32 $0x10, s1  }
0x4: {  	s4 =	rddreg [dreg:$0x1];
	s1 =	sor.u32 s0, s1  }
0x5: {  	s7 =	simm.s32 $0x1;
	s8 =	simm.s32 $0x2;
	s3 =	sshll.u32 s1, $0x1  }
0x6: {  	s9 =	simm.s32 $0x0;
	s12 =	simm.s32 $0x0;
	s6 =	ssub.s32 $0x400, s3  }
.Ltmp0:
0x7: {  	s11 =	simm.s32 $0x0;
	s5 =	sand.u32 $0x3E, s6;
	(pc) =	sbr.rel .LBB1_1-.Ltmp0, $4  }
0x8: {  	s1 =	rddreg [dreg:$0x2];
	_ =	strace $0x80000047;
	p0 =	sne.s32 s5, $0x0  }
0x9: {  	s6 =	sshrl.u32 s6, $0x6;
	s5 =	simm.s32 $0x1;
	s7 =	simm.s32 @!p0 $0x0  }
0xa: {  	s10 =	smov.u32 s3;
	[sflag:s5] =	ssyncpa.u1 $0x0;
	s6 =	sadd.s32 s7, s6  }
0xb: {  	[sflag:s8] =	ssyncpa.u1 $0x0;
	s8 =	simm.s32 $0x0;
	s7 =	sadd.s32 $0x1, s6  }
.LBB1_9:
0xc: {  	s14 =	sadd.s32 $0x40, s10  }
0xd: {  	p1 =	sgt.s32 s14, $0x3FF  }
0xe: {  	s14 =	smov.u32 @p1 s3;
	p1 =	sne.s32 s11, s7  }
.Ltmp1:
0xf: {  	p0 =	slt.u32 s11, $0x2;
	(pc) =	sbr.rel @!p1 .LBB1_10-.Ltmp1, $4  }
0x10: {  	s13 =	simm.s32 @!p0 $0x2  }
0x11: {  	s15 =	sadd.s32 $0x1, s11;
	_ =	swait.ge @!p0 [sflag:s13], $0x4000  }
0x12: {  	s12 =	smov.u32 s10;
	s9 =	sadd.s32 $0x4000, s9;
	[sflag:s13] =	ssyncset.done @!p0 $0x0  }
0x13: {  	s11 =	smov.u32 s15;
	s10 =	smov.u32 s14;
	[sflag:s13] =	ssyncadd.s32 @!p0 $0xFFFFC000  }
.LBB1_1:
0x14: {  	p0 =	sge.u32 s11, s6  }
0x15: {  	s13 =	sxor.u32 @!p0 $0xFFFFFFFF, s11  }
0x16: {  	s31 =	sadd.s32 $0xFFFFFFFF, s11;
	s14 =	sshll.u32 @!p0 s10, $0xA;
	s13 =	sshll.u32 @!p0 s13, $0xE  }
0x17: {  	s15 =	simm.s32 @!p0 $0x0;
	s14 =	sadd.s32 @!p0 s2, s14;
	s13 =	sand.u32 @!p0 $0x4000, s13  }
0x18: {  	[tilespmem:s13], [sflag:$0x1] =	stream.linear.gather @!p0 [hbm4b:s14+s15], $0x4000, $0x38;
	[tilespmem:$0x10000] =	vst v63  }
0x19: {  	p0 =	sge.u32 s31, s6  }
.Ltmp2:
0x1a: {  	_ = 	snop;
	(pc) =	sbr.rel @p0 .LBB1_9-.Ltmp2, $1  }
0x1b: {  	_ =	sdelay $0x3  }
0x1c: {  	s13 =	sshll.u32 s9, $0x2  }
0x1d: {  	_ =	swait.ge [sflag:s5], $0x4000;
	s14 =	sshll.u32 s11, $0xE;
	s16 =	simm.s32 $0x0  }
0x1e: {  	p1 =	por $0x1, $0x1;
	s13 =	sand.u32 $0x10000, s13;
	[sflag:s5] =	ssyncset.done $0x0  }
0x1f: {  	s14 =	sand.u32 $0x4000, s14;
	s15 =	sshrl.u32 s13, $0x2;
	[sflag:s5] =	ssyncadd.s32 $0xFFFFC000  }
0x20: {  	s13 =	sor.u32 $0x8000, s14;
	s14 =	sadd.s32 $0x8040, s15;
	s15 =	sadd.s32 $0x40, s15  }
.LBB1_3:
0x21: {  	s16 =	sshll.u32 s16, $0x2  }
0x22: {  	p0 =	por p1, p1;
	s17 =	sshra.s32 s16, $0x2  }
0x23: {  	s18 =	simm.s32 $0x0;
	s16 =	sadd.s32 s17, s14;
	s17 =	sadd.s32 s17, s15  }
.LBB1_4:
0x24: {  	v0 =	vmov s17;
	_ =	sdelay $0x3  }
0x25: {  	s20 =	simm.s32 $0x0  }
0x26: {  	v6 =	vld.idx.msk [tilespmem:v0+s20+$0x30 ss:$0x1], $0xffff  }
0x27: {  	v7 =	vld.idx.msk [tilespmem:v0+s20+$0xFFFFFFC0 ss:$0x1], $0xffff  }
0x28: {  	v5 =	vld.idx.msk [tilespmem:v0+s20+$0xFFFFFFD0 ss:$0x1], $0xffff  }
0x29: {  	v4 =	vld.idx.msk [tilespmem:v0+s20+$0xFFFFFFE0 ss:$0x1], $0xffff  }
0x2a: {  	v3 =	vld.idx.msk [tilespmem:v0+s20+$0xFFFFFFF0 ss:$0x1], $0xffff  }
0x2b: {  	v1 =	vld.idx.msk [tilespmem:v0+s20+$0x0 ss:$0x1], $0xffff  }
0x2c: {  	v2 =	vld.idx.msk [tilespmem:v0+s20+$0x10 ss:$0x1], $0xffff;
	[tilespmem:s16+$0x30] =	vst v6  }
0x2d: {  	s19 =	simm.s32 $0x80;
	s21 =	simm.s32 $0x400;
	[tilespmem:s16+$0xFFFFFFC0] =	vst v7;
	v6 =	vld.idx.msk [tilespmem:v0+s20+$0x20 ss:$0x1], $0xffff;
	s20 =	smov.u32 s16  }
.LBB1_5:
0x2e: {  	p1 =	sne.s32 s21, $0xE00;
	v7 =	vld.idx.msk [tilespmem:v0+s19+$0x30 ss:$0x1], $0xffff;
	[tilespmem:s20+$0xFFFFFFD0] =	vst v5  }
0x2f: {  	v8 =	vld.idx.msk [tilespmem:v0+s19+$0xFFFFFFC0 ss:$0x1], $0xffff;
	[tilespmem:s20+$0xFFFFFFE0] =	vst v4  }
0x30: {  	v5 =	vld.idx.msk [tilespmem:v0+s19+$0xFFFFFFD0 ss:$0x1], $0xffff;
	[tilespmem:s20+$0xFFFFFFF0] =	vst v3  }
.Ltmp3:
0x31: {  	v4 =	vld.idx.msk [tilespmem:v0+s19+$0xFFFFFFE0 ss:$0x1], $0xffff;
	[tilespmem:s20+$0x0] =	vst v1;
	(pc) =	sbr.rel @p1 .LBB1_5-.Ltmp3, $4  }
0x32: {  	v3 =	vld.idx.msk [tilespmem:v0+s19+$0xFFFFFFF0 ss:$0x1], $0xffff;
	[tilespmem:s20+$0x10] =	vst v2  }
0x33: {  	v1 =	vld.idx.msk [tilespmem:v0+s19+$0x0 ss:$0x1], $0xffff;
	[tilespmem:s20+$0x20] =	vst v6;
	s20 =	sadd.s32 $0x400, s20  }
0x34: {  	v2 =	vld.idx.msk [tilespmem:v0+s19+$0x10 ss:$0x1], $0xffff;
	[tilespmem:s20+$0x30] =	vst v7  }
0x35: {  	[tilespmem:s20+$0xFFFFFFC0] =	vst v8;
	v6 =	vld.idx.msk [tilespmem:v0+s19+$0x20 ss:$0x1], $0xffff;
	s19 =	sshra.s32 s21, $0x2;
	s21 =	sadd.s32 $0x200, s21  }
0x36: {  	_ =	sdelay $0x2  }
0x37: {  	[tilespmem:s20+$0xFFFFFFD0] =	vst v5  }
0x38: {  	v56 =	vld.idx.msk [tilespmem:v0+s19+$0x30 ss:$0x1], $0xffff;
	[tilespmem:s20+$0xFFFFFFE0] =	vst v4  }
0x39: {  	v57 =	vld.idx.msk [tilespmem:v0+s19+$0xFFFFFFC0 ss:$0x1], $0xffff;
	[tilespmem:s20+$0xFFFFFFF0] =	vst v3  }
0x3a: {  	v58 =	vld.idx.msk [tilespmem:v0+s19+$0xFFFFFFD0 ss:$0x1], $0xffff;
	[tilespmem:s20+$0x0] =	vst v1  }
0x3b: {  	v59 =	vld.idx.msk [tilespmem:v0+s19+$0xFFFFFFE0 ss:$0x1], $0xffff;
	[tilespmem:s20+$0x10] =	vst v2  }
0x3c: {  	v60 =	vld.idx.msk [tilespmem:v0+s19+$0xFFFFFFF0 ss:$0x1], $0xffff;
	s31 =	sadd.s32 $0x400, s20;
	[tilespmem:s20+$0x20] =	vst v6  }
0x3d: {  	v61 =	vld.idx.msk [tilespmem:v0+s19+$0x0 ss:$0x1], $0xffff;
	[tilespmem:s31+$0x30] =	vst v56  }
0x3e: {  	v62 =	vld.idx.msk [tilespmem:v0+s19+$0x10 ss:$0x1], $0xffff;
	s18 =	sadd.s32 $0x1, s18;
	[tilespmem:s31+$0xFFFFFFC0] =	vst v57  }
0x3f: {  	v63 =	vld.idx.msk [tilespmem:v0+s19+$0x20 ss:$0x1], $0xffff;
	p1 =	sne.s32 s18, $0x8;
	[tilespmem:s31+$0xFFFFFFD0] =	vst v58  }
.Ltmp4:
0x40: {  	[tilespmem:s31+$0xFFFFFFE0] =	vst v59;
	(pc) =	sbr.rel @p1 .LBB1_4-.Ltmp4, $4  }
0x41: {  	[tilespmem:s31+$0xFFFFFFF0] =	vst v60  }
0x42: {  	[tilespmem:s31+$0x0] =	vst v61  }
0x43: {  	[tilespmem:s31+$0x10] =	vst v62  }
0x44: {  	s16 =	sadd.s32 $0x80, s16;
	s17 =	sadd.s32 $0x400, s17;
	[tilespmem:s31+$0x20] =	vst v63  }
.Ltmp5:
0x45: {  	(pc) =	sbr.rel @p0 .LBB1_3-.Ltmp5, $2  }
0x46: {  	_ =	sdelay $0x2  }
0x47: {  	s16 =	simm.s32 $0x2000;
	p1 =	por $0x0, $0x0  }
.Ltmp6:
0x48: {  	(pc) =	sbr.rel .LBB1_9-.Ltmp6, $4  }
0x49: {  	_ = 	snop  }
0x4a: {  	s12 =	sshll.u32 s12, $0xA  }
0x4b: {  	s12 =	sadd.s32 s4, s12  }
0x4c: {  	[hbm4b:s12+s8] =	stream.linear.scatter [tilespmem:s13], [sflag:$0x2], $0x4000, $0x38;
	[tilespmem:$0x10000] =	vst v63  }
.LBB1_10:
0x4d: {  	_ =	sfence.sel $0x180000  }
0x4e: {  	s2 =	simm.s32 $0x1;
	[bflag:$0x0] =	sbarrier.arrive $0xFFFF  }
0x4f: {  	s31 =	simm.s32 $0x2;
	[sflag:s2] =	ssyncpa.u1 $0x1  }
0x50: {  	[sflag:s31] =	ssyncpa.u1 $0x1  }
0x51: {  	p0 =	sne.s32 s0, $0x0;
	_ =	strace $0x90000047  }
0x52: {  	s0 =	sadd.s32 @!p0 $0x100000, s1;
	[bflag:$0x2] =	sbarrier.arrive $0xFFFF  }
0x53: {  	[sflag:s0] =	ssyncadd.tile.s32 @!p0 $0x1;
	_ =	shalt  }
.Lfunc_end1:
_tile_overlayer_lowered:
.L_overlay_start_2:
0x54: {  	(tag) =	ssettag $0x2  }
0x55: {  	s0 =	rddreg [dreg:$0x0];
	s2 =	stileid.u32  }
0x56: {  	s1 =	rddreg [dreg:$0x1];
	p0 =	sne.s32 s2, $0x0  }
0x57: {  	s3 =	rddreg [dreg:$0x2];
	[bflag:$0x3] =	sbarrier.arrive $0xFFFF;
	s2 =	simm.s32 @!p0 $0x1C01  }
0x58: {  	[timem:s3], [sflag:s2] =	dma.local @!p0 [hbm:s0], s1  }
0x59: {  	s0 =	simm.s32 @!p0 $0x1  }
0x5a: {  	_ =	swait.ge @!p0 [sflag:s0], s1  }
0x5b: {  	s1 =	ssub.s32 @!p0 $0x0, s1;
	[sflag:s0] =	ssyncset.done @!p0 $0x0  }
0x5c: {  	[sflag:s0] =	ssyncadd.s32 @!p0 s1  }
0x5d: {  	[bflag:$0x3] =	sbarrier.arrive $0xFFFF  }
0x5e: {  	_ =	shalt  }

</sc_bundles>
